<compile_context>
chip_gen: v7x
topology: tpu7x:2x2x1
jax: 0.10.2.dev20260603
libtpu: 0.0.44.dev20260713+nightly
codegen_flags: <defaults>
</compile_context>

<pallas_src>
import functools

import jax
import jax.numpy as jnp
from jax import lax
from jax.experimental import pallas as pl
from jax.experimental.pallas import tpu as pltpu
from jax.experimental.pallas import tpu_sc as plsc

D = 32
NC, NS = 2, 16
NW = NC * NS
NB, NSEQ = 16384, 50
CHUNK = 128
NCH = NSEQ * (NB // CHUNK)
CPW = NCH // NW
BTILES = NB // CHUNK
NBUF = 4

_mesh = plsc.VectorSubcoreMesh(core_axis_name="c", subcore_axis_name="s")


@functools.partial(
    pl.kernel,
    out_type=jax.ShapeDtypeStruct((NSEQ * 4 * BTILES, 8, CHUNK), jnp.float32),
    mesh=_mesh,
    scratch_types=(
        [pltpu.VMEM((CPW, CHUNK), jnp.int32)]
        + [pltpu.VMEM((CHUNK, D), jnp.float32)] * NBUF
        + [pltpu.VMEM((4, 8, CHUNK + 1), jnp.float32)] * NBUF
        + [pltpu.SemaphoreType.DMA] * NBUF
        + [pltpu.SemaphoreType.DMA] * NBUF
    ),
    compiler_params=pltpu.CompilerParams(
        use_tc_tiling_on_sc=False, needs_layout_passes=False,
        disable_bounds_checks=True),
)
def _gather_kernel(idx_hbm, w_hbm, out_hbm, idx_v, *rest):
    rows = rest[:NBUF]
    tbufs = rest[NBUF:2 * NBUF]
    gsems = rest[2 * NBUF:3 * NBUF]
    osems = rest[3 * NBUF:]
    wid = lax.axis_index("s") * NC + lax.axis_index("c")
    cbase = wid * CPW
    base = jnp.arange(16, dtype=jnp.int32)
    tihalf = [(base + 16 * h) // 8 for h in range(2)]
    ddvec = base % 8

    pltpu.sync_copy(idx_hbm.at[pl.ds(cbase, CPW)], idx_v)

    for k in range(NBUF - 1):
        pltpu.async_copy(w_hbm.at[idx_v.at[k]], rows[k], gsems[k])

    @pl.loop(0, CPW, step=NBUF)
    def _(g):
        for k in range(NBUF):
            c = g + k
            ka = (k + NBUF - 1) % NBUF
            pltpu.make_async_copy(
                w_hbm.at[idx_v.at[c]], rows[k], gsems[k]).wait()
            @pl.when(c >= NBUF)
            def _():
                for ti in range(4):
                    pltpu.make_async_copy(
                        tbufs[k].at[ti, :, pl.ds(0, CHUNK)],
                        out_hbm.at[ti], osems[k]).wait()
            rk = rows[k]
            tk = tbufs[k]

            @plsc.parallel_loop(0, CHUNK, unroll=4)
            def _(b):
                pos = jnp.full((16,), 0, jnp.int32) + b
                for half in range(2):
                    vec = rk[b, pl.ds(16 * half, 16)]
                    plsc.store_scatter(
                        tk, [tihalf[half], ddvec, pos], vec)

            tk[0, 0, pl.ds(0, 16)] = tk[0, 0, pl.ds(0, 16)] * 1.0
            rk[0, pl.ds(0, 16)] = rk[0, pl.ds(0, 16)] * 1.0

            gg = cbase + c
            s = gg // BTILES
            tj = gg - s * BTILES
            rb = s * (4 * BTILES) + tj
            for ti in range(4):
                pltpu.async_copy(
                    tbufs[k].at[ti, :, pl.ds(0, CHUNK)],
                    out_hbm.at[rb + ti * BTILES], osems[k])
            @pl.when(c + NBUF - 1 < CPW)
            def _():
                pltpu.async_copy(
                    w_hbm.at[idx_v.at[c + NBUF - 1]], rows[ka], gsems[ka])

    for k in range(NBUF):
        for ti in range(4):
            pltpu.make_async_copy(
                tbufs[k].at[ti, :, pl.ds(0, CHUNK)],
                out_hbm.at[ti], osems[k]).wait()


def kernel(idx, weight):
    idx2d = idx.T.astype(jnp.int32).reshape(NCH, CHUNK)
    out = _gather_kernel(idx2d, weight)
    out5 = out.reshape(NSEQ, 4, BTILES, 8, CHUNK)
    return out5.transpose(2, 4, 0, 1, 3).reshape(NB, NSEQ, D)

# --- scband reference (transcript-rebuilt; emitter-appended) ---
"""Pipeline reference for scband-simple-embedding-48378511622456 (READ-ONLY COPY).

The authoritative reference and input builder live on the scoring server;
editing this copy changes nothing except your own understanding.
"""

import jax, jax.numpy as jnp
import numpy as np

NUM_EMBEDDINGS = 1000000
EMBEDDING_DIM = 32

def setup_inputs(seed: int = 0) -> dict:
    key = jax.random.key(seed)
    k_idx, k_w = jax.random.split(key)
    idx = jax.random.randint(k_idx, (16384, 50), 0, NUM_EMBEDDINGS, dtype=jnp.int64 if jax.config.jax_enable_x64 else jnp.int32)
    weight = jax.random.normal(k_w, (NUM_EMBEDDINGS, EMBEDDING_DIM), dtype=jnp.float32) * 0.05
    return {"idx": idx, "weight": weight}

def reference(idx, weight):
    # nn.Embedding forward: gather rows of weight by idx
    return jnp.take(weight, idx, axis=0)

if __name__ == "__main__":
    import jax
    _d = setup_inputs()
    print(jax.jit(kernel)(*tuple(_d.values())))

</pallas_src>

<mosaic_0001>
#map = affine_map<(d0, d1) -> (0, 0)>
#map1 = affine_map<(d0, d1) -> (0, 0, 0)>
module attributes {stable_mosaic.version = 14 : i64} {
  func.func @_gather_kernel(%arg0: i32, %arg1: i32, %arg2: memref<6400x128xi32, #tpu.memory_space<hbm>>, %arg3: memref<1000000x32xf32, #tpu.memory_space<hbm>>, %arg4: memref<25600x8x128xf32, #tpu.memory_space<hbm>>, %arg5: memref<200x128xi32, #tpu.memory_space<vmem>>, %arg6: memref<128x32xf32, #tpu.memory_space<vmem>>, %arg7: memref<128x32xf32, #tpu.memory_space<vmem>>, %arg8: memref<128x32xf32, #tpu.memory_space<vmem>>, %arg9: memref<128x32xf32, #tpu.memory_space<vmem>>, %arg10: memref<4x8x129xf32, #tpu.memory_space<vmem>>, %arg11: memref<4x8x129xf32, #tpu.memory_space<vmem>>, %arg12: memref<4x8x129xf32, #tpu.memory_space<vmem>>, %arg13: memref<4x8x129xf32, #tpu.memory_space<vmem>>, %arg14: memref<!tpu.dma_semaphore, #tpu.memory_space<semaphore_mem>>, %arg15: memref<!tpu.dma_semaphore, #tpu.memory_space<semaphore_mem>>, %arg16: memref<!tpu.dma_semaphore, #tpu.memory_space<semaphore_mem>>, %arg17: memref<!tpu.dma_semaphore, #tpu.memory_space<semaphore_mem>>, %arg18: memref<!tpu.dma_semaphore, #tpu.memory_space<semaphore_mem>>, %arg19: memref<!tpu.dma_semaphore, #tpu.memory_space<semaphore_mem>>, %arg20: memref<!tpu.dma_semaphore, #tpu.memory_space<semaphore_mem>>, %arg21: memref<!tpu.dma_semaphore, #tpu.memory_space<semaphore_mem>>) attributes {dimension_semantics = [#tpu.dimension_semantics<core_parallel>, #tpu.dimension_semantics<subcore_parallel>], iteration_bounds = array<i64: 2, 16>, scalar_prefetch = 0 : i64, scratch_operands = 17 : i64, tpu.core_type = #tpu.core_type<sc_vector_subcore>, window_params = [{transform_indices = #map}, {transform_indices = #map}, {transform_indices = #map1}]} {
    %mul3A = arith.constant 2 : i32
    %mul3A_0 = arith.muli %arg1, %mul3A : i32
    %add3A = arith.addi %mul3A_0, %arg0 : i32
    %mul3A_1 = arith.constant 200 : i32
    %mul3A_2 = arith.muli %add3A, %mul3A_1 : i32
    %iota3A = tpu.iota {dimensions = array<i32: 0>} : vector<16xi32>
    %add3A_3 = arith.constant 0 : i32
    %add3A_4 = vector.broadcast %add3A_3 : i32 to vector<16xi32>
    %add3A_5 = arith.addi %iota3A, %add3A_4 : vector<16xi32>
    %jit3A = arith.constant 8 : i32
    %div3A = vector.broadcast %jit3A : i32 to vector<16xi32>
    %div3A_6 = arith.divsi %add3A_5, %div3A : vector<16xi32>
    %sign3A = arith.constant 0 : i32
    %sign3A_7 = vector.broadcast %sign3A : i32 to vector<16xi32>
    %sign3A_8 = arith.cmpi sgt, %add3A_5, %sign3A_7 : vector<16xi32>
    %sign3A_9 = arith.extui %sign3A_8 : vector<16xi1> to vector<16xi32>
    %sign3A_10 = arith.constant 0 : i32
    %sign3A_11 = vector.broadcast %sign3A_10 : i32 to vector<16xi32>
    %sign3A_12 = arith.cmpi slt, %add3A_5, %sign3A_11 : vector<16xi32>
    %sign3A_13 = arith.extui %sign3A_12 : vector<16xi1> to vector<16xi32>
    %sign3A_14 = arith.subi %sign3A_9, %sign3A_13 : vector<16xi32>
    %sign3A_15 = arith.constant 0 : i32
    %sign3A_16 = arith.cmpi sgt, %jit3A, %sign3A_15 : i32
    %sign3A_17 = arith.extui %sign3A_16 : i1 to i32
    %sign3A_18 = arith.constant 0 : i32
    %sign3A_19 = arith.cmpi slt, %jit3A, %sign3A_18 : i32
    %sign3A_20 = arith.extui %sign3A_19 : i1 to i32
    %sign3A_21 = arith.subi %sign3A_17, %sign3A_20 : i32
    %ne3A = vector.broadcast %sign3A_21 : i32 to vector<16xi32>
    %ne3A_22 = arith.cmpi ne, %sign3A_14, %ne3A : vector<16xi32>
    %rem3A = vector.broadcast %jit3A : i32 to vector<16xi32>
    %rem3A_23 = arith.remsi %add3A_5, %rem3A : vector<16xi32>
    %ne3A_24 = arith.constant 0 : i32
    %ne3A_25 = vector.broadcast %ne3A_24 : i32 to vector<16xi32>
    %ne3A_26 = arith.cmpi ne, %rem3A_23, %ne3A_25 : vector<16xi32>
    %and3A = arith.andi %ne3A_22, %ne3A_26 : vector<16xi1>
    %sub3A = arith.constant 1 : i32
    %sub3A_27 = vector.broadcast %sub3A : i32 to vector<16xi32>
    %sub3A_28 = arith.subi %div3A_6, %sub3A_27 : vector<16xi32>
    %select_n3A = arith.select %and3A, %sub3A_28, %div3A_6 : vector<16xi1>, vector<16xi32>
    %add3A_29 = arith.constant 16 : i32
    %add3A_30 = vector.broadcast %add3A_29 : i32 to vector<16xi32>
    %add3A_31 = arith.addi %iota3A, %add3A_30 : vector<16xi32>
    %jit3A_32 = arith.constant 8 : i32
    %div3A_33 = vector.broadcast %jit3A_32 : i32 to vector<16xi32>
    %div3A_34 = arith.divsi %add3A_31, %div3A_33 : vector<16xi32>
    %sign3A_35 = arith.constant 0 : i32
    %sign3A_36 = vector.broadcast %sign3A_35 : i32 to vector<16xi32>
    %sign3A_37 = arith.cmpi sgt, %add3A_31, %sign3A_36 : vector<16xi32>
    %sign3A_38 = arith.extui %sign3A_37 : vector<16xi1> to vector<16xi32>
    %sign3A_39 = arith.constant 0 : i32
    %sign3A_40 = vector.broadcast %sign3A_39 : i32 to vector<16xi32>
    %sign3A_41 = arith.cmpi slt, %add3A_31, %sign3A_40 : vector<16xi32>
    %sign3A_42 = arith.extui %sign3A_41 : vector<16xi1> to vector<16xi32>
    %sign3A_43 = arith.subi %sign3A_38, %sign3A_42 : vector<16xi32>
    %sign3A_44 = arith.constant 0 : i32
    %sign3A_45 = arith.cmpi sgt, %jit3A_32, %sign3A_44 : i32
    %sign3A_46 = arith.extui %sign3A_45 : i1 to i32
    %sign3A_47 = arith.constant 0 : i32
    %sign3A_48 = arith.cmpi slt, %jit3A_32, %sign3A_47 : i32
    %sign3A_49 = arith.extui %sign3A_48 : i1 to i32
    %sign3A_50 = arith.subi %sign3A_46, %sign3A_49 : i32
    %ne3A_51 = vector.broadcast %sign3A_50 : i32 to vector<16xi32>
    %ne3A_52 = arith.cmpi ne, %sign3A_43, %ne3A_51 : vector<16xi32>
    %rem3A_53 = vector.broadcast %jit3A_32 : i32 to vector<16xi32>
    %rem3A_54 = arith.remsi %add3A_31, %rem3A_53 : vector<16xi32>
    %ne3A_55 = arith.constant 0 : i32
    %ne3A_56 = vector.broadcast %ne3A_55 : i32 to vector<16xi32>
    %ne3A_57 = arith.cmpi ne, %rem3A_54, %ne3A_56 : vector<16xi32>
    %and3A_58 = arith.andi %ne3A_52, %ne3A_57 : vector<16xi1>
    %sub3A_59 = arith.constant 1 : i32
    %sub3A_60 = vector.broadcast %sub3A_59 : i32 to vector<16xi32>
    %sub3A_61 = arith.subi %div3A_34, %sub3A_60 : vector<16xi32>
    %select_n3A_62 = arith.select %and3A_58, %sub3A_61, %div3A_34 : vector<16xi1>, vector<16xi32>
    %jit3A_63 = arith.constant 8 : i32
    %eq3A = arith.constant 0 : i32
    %eq3A_64 = arith.cmpi eq, %jit3A_63, %eq3A : i32
    %jit3A_65 = arith.constant 1 : i32
    %select_n3A_66 = arith.select %eq3A_64, %jit3A_65, %jit3A_63 : i32
    %rem3A_67 = vector.broadcast %select_n3A_66 : i32 to vector<16xi32>
    %rem3A_68 = arith.remsi %iota3A, %rem3A_67 : vector<16xi32>
    %ne3A_69 = arith.constant 0 : i32
    %ne3A_70 = vector.broadcast %ne3A_69 : i32 to vector<16xi32>
    %ne3A_71 = arith.cmpi ne, %rem3A_68, %ne3A_70 : vector<16xi32>
    %lt3A = arith.constant 0 : i32
    %lt3A_72 = vector.broadcast %lt3A : i32 to vector<16xi32>
    %lt3A_73 = arith.cmpi slt, %rem3A_68, %lt3A_72 : vector<16xi32>
    %lt3A_74 = arith.constant 0 : i32
    %lt3A_75 = arith.cmpi slt, %select_n3A_66, %lt3A_74 : i32
    %ne3A_76 = vector.broadcast %lt3A_75 : i1 to vector<16xi1>
    %ne3A_77 = vector.broadcast %ne3A_76 : vector<16xi1> to vector<16xi1>
    %ne3A_78 = arith.xori %lt3A_73, %ne3A_77 : vector<16xi1>
    %and3A_79 = arith.andi %ne3A_78, %ne3A_71 : vector<16xi1>
    %add3A_80 = vector.broadcast %select_n3A_66 : i32 to vector<16xi32>
    %add3A_81 = arith.addi %rem3A_68, %add3A_80 : vector<16xi32>
    %select_n3A_82 = arith.select %and3A_79, %add3A_81, %rem3A_68 : vector<16xi1>, vector<16xi32>
    "tpu.region"() ({
      %run_scoped3A = tpu.sem_alloc : memref<!tpu.dma_semaphore, #tpu.memory_space<semaphore_mem>>
      %dma_start3A_394 = arith.constant 0 : i32
      %dma_start3A_395 = tpu.memref_slice %arg2[%mul3A_2, %dma_start3A_394] : memref<6400x128xi32, #tpu.memory_space<hbm>> -> memref<200x128xi32, #tpu.memory_space<hbm>>
      %dma_start3A_396 = arith.constant 0 : i32
      %dma_start3A_397 = tpu.memref_slice %arg2[%mul3A_2, %dma_start3A_396] : memref<6400x128xi32, #tpu.memory_space<hbm>> -> memref<200x128xi32, #tpu.memory_space<hbm>>
      tpu.enqueue_dma source(%dma_start3A_397 : memref<200x128xi32, #tpu.memory_space<hbm>>) target(%arg5 : memref<200x128xi32, #tpu.memory_space<vmem>>) target_semaphore(%run_scoped3A : memref<!tpu.dma_semaphore, #tpu.memory_space<semaphore_mem>>)
      %dma_wait3A_398 = arith.constant 0 : i32
      %dma_wait3A_399 = tpu.memref_slice %arg2[%mul3A_2, %dma_wait3A_398] : memref<6400x128xi32, #tpu.memory_space<hbm>> -> memref<200x128xi32, #tpu.memory_space<hbm>>
      %dma_wait3A_400 = arith.constant 0 : i32
      %dma_wait3A_401 = tpu.memref_slice %arg2[%mul3A_2, %dma_wait3A_400] : memref<6400x128xi32, #tpu.memory_space<hbm>> -> memref<200x128xi32, #tpu.memory_space<hbm>>
      tpu.wait_dma2 semaphore(%run_scoped3A : memref<!tpu.dma_semaphore, #tpu.memory_space<semaphore_mem>>) src(%dma_wait3A_401 : memref<200x128xi32, #tpu.memory_space<hbm>>) dst(%arg5 : memref<200x128xi32, #tpu.memory_space<vmem>>)
      tpu.yield
    }) : () -> ()
    %dma_start3A = arith.constant 0 : i32
    %dma_start3A_83 = arith.constant 0 : i32
    %dma_start3A_84 = tpu.memref_slice %arg5[%dma_start3A, %dma_start3A_83] : memref<200x128xi32, #tpu.memory_space<vmem>> -> memref<1x128xi32, #tpu.memory_space<vmem>>
    %dma_start3A_85 = tpu.memref_squeeze %dma_start3A_84 : memref<1x128xi32, #tpu.memory_space<vmem>> -> memref<128xi32, #tpu.memory_space<vmem>>
    %dma_start3A_86 = arith.constant 0 : i32
    %dma_start3A_87 = arith.constant 0 : i32
    %dma_start3A_88 = tpu.memref_slice %arg3[%dma_start3A_86, %dma_start3A_87] : memref<1000000x32xf32, #tpu.memory_space<hbm>> -> memref<1000000x32xf32, #tpu.memory_space<hbm>>
    tpu.enqueue_indirect_dma source(%dma_start3A_88 : memref<1000000x32xf32, #tpu.memory_space<hbm>>) target(%arg6 : memref<128x32xf32, #tpu.memory_space<vmem>>) offsets(%dma_start3A_85 : memref<128xi32, #tpu.memory_space<vmem>>) semaphore(%arg14 : memref<!tpu.dma_semaphore, #tpu.memory_space<semaphore_mem>>)
    %dma_start3A_89 = arith.constant 1 : i32
    %dma_start3A_90 = arith.constant 0 : i32
    %dma_start3A_91 = tpu.memref_slice %arg5[%dma_start3A_89, %dma_start3A_90] : memref<200x128xi32, #tpu.memory_space<vmem>> -> memref<1x128xi32, #tpu.memory_space<vmem>>
    %dma_start3A_92 = tpu.memref_squeeze %dma_start3A_91 : memref<1x128xi32, #tpu.memory_space<vmem>> -> memref<128xi32, #tpu.memory_space<vmem>>
    %dma_start3A_93 = arith.constant 0 : i32
    %dma_start3A_94 = arith.constant 0 : i32
    %dma_start3A_95 = tpu.memref_slice %arg3[%dma_start3A_93, %dma_start3A_94] : memref<1000000x32xf32, #tpu.memory_space<hbm>> -> memref<1000000x32xf32, #tpu.memory_space<hbm>>
    tpu.enqueue_indirect_dma source(%dma_start3A_95 : memref<1000000x32xf32, #tpu.memory_space<hbm>>) target(%arg7 : memref<128x32xf32, #tpu.memory_space<vmem>>) offsets(%dma_start3A_92 : memref<128xi32, #tpu.memory_space<vmem>>) semaphore(%arg15 : memref<!tpu.dma_semaphore, #tpu.memory_space<semaphore_mem>>)
    %dma_start3A_96 = arith.constant 2 : i32
    %dma_start3A_97 = arith.constant 0 : i32
    %dma_start3A_98 = tpu.memref_slice %arg5[%dma_start3A_96, %dma_start3A_97] : memref<200x128xi32, #tpu.memory_space<vmem>> -> memref<1x128xi32, #tpu.memory_space<vmem>>
    %dma_start3A_99 = tpu.memref_squeeze %dma_start3A_98 : memref<1x128xi32, #tpu.memory_space<vmem>> -> memref<128xi32, #tpu.memory_space<vmem>>
    %dma_start3A_100 = arith.constant 0 : i32
    %dma_start3A_101 = arith.constant 0 : i32
    %dma_start3A_102 = tpu.memref_slice %arg3[%dma_start3A_100, %dma_start3A_101] : memref<1000000x32xf32, #tpu.memory_space<hbm>> -> memref<1000000x32xf32, #tpu.memory_space<hbm>>
    tpu.enqueue_indirect_dma source(%dma_start3A_102 : memref<1000000x32xf32, #tpu.memory_space<hbm>>) target(%arg8 : memref<128x32xf32, #tpu.memory_space<vmem>>) offsets(%dma_start3A_99 : memref<128xi32, #tpu.memory_space<vmem>>) semaphore(%arg16 : memref<!tpu.dma_semaphore, #tpu.memory_space<semaphore_mem>>)
    %scan3A = arith.constant 0 : i32
    %scan3A_103 = arith.constant 50 : i32
    %scan3A_104 = arith.addi %scan3A, %scan3A_103 : i32
    %scan3A_105 = arith.constant 1 : i32
    scf.for %scan3A_394 = %scan3A to %scan3A_104 step %scan3A_105  : i32 {
      %mul3A_395 = arith.constant 4 : i32
      %mul3A_396 = arith.muli %scan3A_394, %mul3A_395 : i32
      %add3A_397 = arith.constant 0 : i32
      %add3A_398 = arith.addi %add3A_397, %mul3A_396 : i32
      %add3A_399 = arith.constant 0 : i32
      %add3A_400 = arith.addi %add3A_398, %add3A_399 : i32
      %dma_wait3A_401 = arith.constant 0 : i32
      %dma_wait3A_402 = tpu.memref_slice %arg5[%add3A_400, %dma_wait3A_401] : memref<200x128xi32, #tpu.memory_space<vmem>> -> memref<1x128xi32, #tpu.memory_space<vmem>>
      %dma_wait3A_403 = tpu.memref_squeeze %dma_wait3A_402 : memref<1x128xi32, #tpu.memory_space<vmem>> -> memref<128xi32, #tpu.memory_space<vmem>>
      %dma_wait3A_404 = arith.constant 0 : i32
      %dma_wait3A_405 = arith.constant 0 : i32
      %dma_wait3A_406 = tpu.memref_slice %arg3[%dma_wait3A_404, %dma_wait3A_405] : memref<1000000x32xf32, #tpu.memory_space<hbm>> -> memref<1000000x32xf32, #tpu.memory_space<hbm>>
      tpu.wait_indirect_dma semaphore(%arg14 : memref<!tpu.dma_semaphore, #tpu.memory_space<semaphore_mem>>) src(%dma_wait3A_406 : memref<1000000x32xf32, #tpu.memory_space<hbm>>) dst(%arg6 : memref<128x32xf32, #tpu.memory_space<vmem>>)
      %ge3A = arith.constant 4 : i32
      %ge3A_407 = arith.cmpi sge, %add3A_400, %ge3A : i32
      %convert_element_type3A = arith.extui %ge3A_407 : i1 to i32
      %cond3A = arith.constant 0 : i32
      %cond3A_408 = arith.cmpi ne, %convert_element_type3A, %cond3A : i32
      scf.if %cond3A_408 {
        %dma_wait3A_1025 = arith.constant 0 : i32
        %dma_wait3A_1026 = arith.constant 0 : i32
        %dma_wait3A_1027 = arith.constant 0 : i32
        %dma_wait3A_1028 = arith.constant 0 : i32
        %dma_wait3A_1029 = tpu.memref_slice %arg10[%dma_wait3A_1025, %dma_wait3A_1027, %dma_wait3A_1028] : memref<4x8x129xf32, #tpu.memory_space<vmem>> -> memref<1x8x128xf32, #tpu.memory_space<vmem>>
        %dma_wait3A_1030 = tpu.memref_squeeze %dma_wait3A_1029 : memref<1x8x128xf32, #tpu.memory_space<vmem>> -> memref<8x128xf32, #tpu.memory_space<vmem>>
        %dma_wait3A_1031 = arith.constant 0 : i32
        %dma_wait3A_1032 = arith.constant 0 : i32
        %dma_wait3A_1033 = tpu.memref_slice %arg4[%dma_wait3A_1026, %dma_wait3A_1031, %dma_wait3A_1032] : memref<25600x8x128xf32, #tpu.memory_space<hbm>> -> memref<1x8x128xf32, #tpu.memory_space<hbm>>
        %dma_wait3A_1034 = tpu.memref_squeeze %dma_wait3A_1033 : memref<1x8x128xf32, #tpu.memory_space<hbm>> -> memref<8x128xf32, #tpu.memory_space<hbm>>
        %dma_wait3A_1035 = arith.constant 0 : i32
        %dma_wait3A_1036 = arith.constant 0 : i32
        %dma_wait3A_1037 = tpu.memref_slice %arg4[%dma_wait3A_1026, %dma_wait3A_1035, %dma_wait3A_1036] : memref<25600x8x128xf32, #tpu.memory_space<hbm>> -> memref<1x8x128xf32, #tpu.memory_space<hbm>>
        %dma_wait3A_1038 = tpu.memref_squeeze %dma_wait3A_1037 : memref<1x8x128xf32, #tpu.memory_space<hbm>> -> memref<8x128xf32, #tpu.memory_space<hbm>>
        %dma_wait3A_1039 = arith.constant 0 : i32
        %dma_wait3A_1040 = arith.constant 0 : i32
        %dma_wait3A_1041 = tpu.memref_slice %arg10[%dma_wait3A_1025, %dma_wait3A_1039, %dma_wait3A_1040] : memref<4x8x129xf32, #tpu.memory_space<vmem>> -> memref<1x8x128xf32, #tpu.memory_space<vmem>>
        %dma_wait3A_1042 = tpu.memref_squeeze %dma_wait3A_1041 : memref<1x8x128xf32, #tpu.memory_space<vmem>> -> memref<8x128xf32, #tpu.memory_space<vmem>>
        tpu.wait_dma2 semaphore(%arg18 : memref<!tpu.dma_semaphore, #tpu.memory_space<semaphore_mem>>) src(%dma_wait3A_1042 : memref<8x128xf32, #tpu.memory_space<vmem>>) dst(%dma_wait3A_1038 : memref<8x128xf32, #tpu.memory_space<hbm>>)
        %dma_wait3A_1043 = arith.constant 1 : i32
        %dma_wait3A_1044 = arith.constant 1 : i32
        %dma_wait3A_1045 = arith.constant 0 : i32
        %dma_wait3A_1046 = arith.constant 0 : i32
        %dma_wait3A_1047 = tpu.memref_slice %arg10[%dma_wait3A_1043, %dma_wait3A_1045, %dma_wait3A_1046] : memref<4x8x129xf32, #tpu.memory_space<vmem>> -> memref<1x8x128xf32, #tpu.memory_space<vmem>>
        %dma_wait3A_1048 = tpu.memref_squeeze %dma_wait3A_1047 : memref<1x8x128xf32, #tpu.memory_space<vmem>> -> memref<8x128xf32, #tpu.memory_space<vmem>>
        %dma_wait3A_1049 = arith.constant 0 : i32
        %dma_wait3A_1050 = arith.constant 0 : i32
        %dma_wait3A_1051 = tpu.memref_slice %arg4[%dma_wait3A_1044, %dma_wait3A_1049, %dma_wait3A_1050] : memref<25600x8x128xf32, #tpu.memory_space<hbm>> -> memref<1x8x128xf32, #tpu.memory_space<hbm>>
        %dma_wait3A_1052 = tpu.memref_squeeze %dma_wait3A_1051 : memref<1x8x128xf32, #tpu.memory_space<hbm>> -> memref<8x128xf32, #tpu.memory_space<hbm>>
        %dma_wait3A_1053 = arith.constant 0 : i32
        %dma_wait3A_1054 = arith.constant 0 : i32
        %dma_wait3A_1055 = tpu.memref_slice %arg4[%dma_wait3A_1044, %dma_wait3A_1053, %dma_wait3A_1054] : memref<25600x8x128xf32, #tpu.memory_space<hbm>> -> memref<1x8x128xf32, #tpu.memory_space<hbm>>
        %dma_wait3A_1056 = tpu.memref_squeeze %dma_wait3A_1055 : memref<1x8x128xf32, #tpu.memory_space<hbm>> -> memref<8x128xf32, #tpu.memory_space<hbm>>
        %dma_wait3A_1057 = arith.constant 0 : i32
        %dma_wait3A_1058 = arith.constant 0 : i32
        %dma_wait3A_1059 = tpu.memref_slice %arg10[%dma_wait3A_1043, %dma_wait3A_1057, %dma_wait3A_1058] : memref<4x8x129xf32, #tpu.memory_space<vmem>> -> memref<1x8x128xf32, #tpu.memory_space<vmem>>
        %dma_wait3A_1060 = tpu.memref_squeeze %dma_wait3A_1059 : memref<1x8x128xf32, #tpu.memory_space<vmem>> -> memref<8x128xf32, #tpu.memory_space<vmem>>
        tpu.wait_dma2 semaphore(%arg18 : memref<!tpu.dma_semaphore, #tpu.memory_space<semaphore_mem>>) src(%dma_wait3A_1060 : memref<8x128xf32, #tpu.memory_space<vmem>>) dst(%dma_wait3A_1056 : memref<8x128xf32, #tpu.memory_space<hbm>>)
        %dma_wait3A_1061 = arith.constant 2 : i32
        %dma_wait3A_1062 = arith.constant 2 : i32
        %dma_wait3A_1063 = arith.constant 0 : i32
        %dma_wait3A_1064 = arith.constant 0 : i32
        %dma_wait3A_1065 = tpu.memref_slice %arg10[%dma_wait3A_1061, %dma_wait3A_1063, %dma_wait3A_1064] : memref<4x8x129xf32, #tpu.memory_space<vmem>> -> memref<1x8x128xf32, #tpu.memory_space<vmem>>
        %dma_wait3A_1066 = tpu.memref_squeeze %dma_wait3A_1065 : memref<1x8x128xf32, #tpu.memory_space<vmem>> -> memref<8x128xf32, #tpu.memory_space<vmem>>
        %dma_wait3A_1067 = arith.constant 0 : i32
        %dma_wait3A_1068 = arith.constant 0 : i32
        %dma_wait3A_1069 = tpu.memref_slice %arg4[%dma_wait3A_1062, %dma_wait3A_1067, %dma_wait3A_1068] : memref<25600x8x128xf32, #tpu.memory_space<hbm>> -> memref<1x8x128xf32, #tpu.memory_space<hbm>>
        %dma_wait3A_1070 = tpu.memref_squeeze %dma_wait3A_1069 : memref<1x8x128xf32, #tpu.memory_space<hbm>> -> memref<8x128xf32, #tpu.memory_space<hbm>>
        %dma_wait3A_1071 = arith.constant 0 : i32
        %dma_wait3A_1072 = arith.constant 0 : i32
        %dma_wait3A_1073 = tpu.memref_slice %arg4[%dma_wait3A_1062, %dma_wait3A_1071, %dma_wait3A_1072] : memref<25600x8x128xf32, #tpu.memory_space<hbm>> -> memref<1x8x128xf32, #tpu.memory_space<hbm>>
        %dma_wait3A_1074 = tpu.memref_squeeze %dma_wait3A_1073 : memref<1x8x128xf32, #tpu.memory_space<hbm>> -> memref<8x128xf32, #tpu.memory_space<hbm>>
        %dma_wait3A_1075 = arith.constant 0 : i32
        %dma_wait3A_1076 = arith.constant 0 : i32
        %dma_wait3A_1077 = tpu.memref_slice %arg10[%dma_wait3A_1061, %dma_wait3A_1075, %dma_wait3A_1076] : memref<4x8x129xf32, #tpu.memory_space<vmem>> -> memref<1x8x128xf32, #tpu.memory_space<vmem>>
        %dma_wait3A_1078 = tpu.memref_squeeze %dma_wait3A_1077 : memref<1x8x128xf32, #tpu.memory_space<vmem>> -> memref<8x128xf32, #tpu.memory_space<vmem>>
        tpu.wait_dma2 semaphore(%arg18 : memref<!tpu.dma_semaphore, #tpu.memory_space<semaphore_mem>>) src(%dma_wait3A_1078 : memref<8x128xf32, #tpu.memory_space<vmem>>) dst(%dma_wait3A_1074 : memref<8x128xf32, #tpu.memory_space<hbm>>)
        %dma_wait3A_1079 = arith.constant 3 : i32
        %dma_wait3A_1080 = arith.constant 3 : i32
        %dma_wait3A_1081 = arith.constant 0 : i32
        %dma_wait3A_1082 = arith.constant 0 : i32
        %dma_wait3A_1083 = tpu.memref_slice %arg10[%dma_wait3A_1079, %dma_wait3A_1081, %dma_wait3A_1082] : memref<4x8x129xf32, #tpu.memory_space<vmem>> -> memref<1x8x128xf32, #tpu.memory_space<vmem>>
        %dma_wait3A_1084 = tpu.memref_squeeze %dma_wait3A_1083 : memref<1x8x128xf32, #tpu.memory_space<vmem>> -> memref<8x128xf32, #tpu.memory_space<vmem>>
        %dma_wait3A_1085 = arith.constant 0 : i32
        %dma_wait3A_1086 = arith.constant 0 : i32
        %dma_wait3A_1087 = tpu.memref_slice %arg4[%dma_wait3A_1080, %dma_wait3A_1085, %dma_wait3A_1086] : memref<25600x8x128xf32, #tpu.memory_space<hbm>> -> memref<1x8x128xf32, #tpu.memory_space<hbm>>
        %dma_wait3A_1088 = tpu.memref_squeeze %dma_wait3A_1087 : memref<1x8x128xf32, #tpu.memory_space<hbm>> -> memref<8x128xf32, #tpu.memory_space<hbm>>
        %dma_wait3A_1089 = arith.constant 0 : i32
        %dma_wait3A_1090 = arith.constant 0 : i32
        %dma_wait3A_1091 = tpu.memref_slice %arg4[%dma_wait3A_1080, %dma_wait3A_1089, %dma_wait3A_1090] : memref<25600x8x128xf32, #tpu.memory_space<hbm>> -> memref<1x8x128xf32, #tpu.memory_space<hbm>>
        %dma_wait3A_1092 = tpu.memref_squeeze %dma_wait3A_1091 : memref<1x8x128xf32, #tpu.memory_space<hbm>> -> memref<8x128xf32, #tpu.memory_space<hbm>>
        %dma_wait3A_1093 = arith.constant 0 : i32
        %dma_wait3A_1094 = arith.constant 0 : i32
        %dma_wait3A_1095 = tpu.memref_slice %arg10[%dma_wait3A_1079, %dma_wait3A_1093, %dma_wait3A_1094] : memref<4x8x129xf32, #tpu.memory_space<vmem>> -> memref<1x8x128xf32, #tpu.memory_space<vmem>>
        %dma_wait3A_1096 = tpu.memref_squeeze %dma_wait3A_1095 : memref<1x8x128xf32, #tpu.memory_space<vmem>> -> memref<8x128xf32, #tpu.memory_space<vmem>>
        tpu.wait_dma2 semaphore(%arg18 : memref<!tpu.dma_semaphore, #tpu.memory_space<semaphore_mem>>) src(%dma_wait3A_1096 : memref<8x128xf32, #tpu.memory_space<vmem>>) dst(%dma_wait3A_1092 : memref<8x128xf32, #tpu.memory_space<hbm>>)
      } else {
      }
      %parallel_loop3A = arith.constant 0 : i32
      %parallel_loop3A_409 = arith.constant 128 : i32
      %parallel_loop3A_410 = arith.constant 1 : i32
      scf.for %parallel_loop3A_1025 = %parallel_loop3A to %parallel_loop3A_409 step %parallel_loop3A_410  : i32 {
        %parallel_loop3A_1026 = arith.constant 0 : i32
        %parallel_loop3A_1027 = vector.broadcast %parallel_loop3A_1026 : i32 to vector<16xi32>
        %parallel_loop3A_1028 = vector.broadcast %parallel_loop3A_1025 : i32 to vector<16xi32>
        %parallel_loop3A_1029 = arith.addi %parallel_loop3A_1027, %parallel_loop3A_1028 : vector<16xi32>
        %parallel_loop3A_1030 = arith.index_cast %parallel_loop3A_1025 : i32 to index
        %parallel_loop3A_1031 = arith.constant 0 : index
        %parallel_loop3A_1032 = tpu.vector_load %arg6[%parallel_loop3A_1030, %parallel_loop3A_1031] {strides = array<i32>} : memref<128x32xf32, #tpu.memory_space<vmem>>, vector<16xf32>,
        tpu.vector_store_idx %arg10[%select_n3A, %select_n3A_82, %parallel_loop3A_1029], %parallel_loop3A_1032 : memref<4x8x129xf32, #tpu.memory_space<vmem>>[vector<16xi32>, vector<16xi32>, vector<16xi32>], vector<16xf32>,
        %parallel_loop3A_1033 = arith.index_cast %parallel_loop3A_1025 : i32 to index
        %parallel_loop3A_1034 = arith.constant 16 : index
        %parallel_loop3A_1035 = tpu.vector_load %arg6[%parallel_loop3A_1033, %parallel_loop3A_1034] {strides = array<i32>} : memref<128x32xf32, #tpu.memory_space<vmem>>, vector<16xf32>,
        tpu.vector_store_idx %arg10[%select_n3A_62, %select_n3A_82, %parallel_loop3A_1029], %parallel_loop3A_1035 : memref<4x8x129xf32, #tpu.memory_space<vmem>>[vector<16xi32>, vector<16xi32>, vector<16xi32>], vector<16xf32>,
      } {sc.loop_unroll_factor = 4 : i64, sc.parallel_access}
      %get3A = arith.constant 0 : i32
      %get3A_411 = arith.constant 0 : i32
      %get3A_412 = arith.index_cast %get3A : i32 to index
      %get3A_413 = arith.index_cast %get3A_411 : i32 to index
      %get3A_414 = arith.constant 0 : index
      %get3A_415 = tpu.vector_load %arg10[%get3A_412, %get3A_413, %get3A_414] {strides = array<i32>} : memref<4x8x129xf32, #tpu.memory_space<vmem>>, vector<16xf32>,
      %mul3A_416 = arith.constant 1.000000e+00 : f32
      %mul3A_417 = vector.broadcast %mul3A_416 : f32 to vector<16xf32>
      %mul3A_418 = arith.mulf %get3A_415, %mul3A_417 : vector<16xf32>
      %swap3A = arith.constant 0 : i32
      %swap3A_419 = arith.constant 0 : i32
      %swap3A_420 = arith.index_cast %swap3A : i32 to index
      %swap3A_421 = arith.index_cast %swap3A_419 : i32 to index
      %swap3A_422 = arith.constant 0 : index
      %swap3A_423 = tpu.vector_load %arg10[%swap3A_420, %swap3A_421, %swap3A_422] {strides = array<i32>} : memref<4x8x129xf32, #tpu.memory_space<vmem>>, vector<16xf32>,
      tpu.vector_store %arg10[%swap3A_420, %swap3A_421, %swap3A_422], %mul3A_418 {strides = array<i32>} : memref<4x8x129xf32, #tpu.memory_space<vmem>>, vector<16xf32>,
      %get3A_424 = arith.constant 0 : i32
      %get3A_425 = arith.index_cast %get3A_424 : i32 to index
      %get3A_426 = arith.constant 0 : index
      %get3A_427 = tpu.vector_load %arg6[%get3A_425, %get3A_426] {strides = array<i32>} : memref<128x32xf32, #tpu.memory_space<vmem>>, vector<16xf32>,
      %mul3A_428 = arith.constant 1.000000e+00 : f32
      %mul3A_429 = vector.broadcast %mul3A_428 : f32 to vector<16xf32>
      %mul3A_430 = arith.mulf %get3A_427, %mul3A_429 : vector<16xf32>
      %swap3A_431 = arith.constant 0 : i32
      %swap3A_432 = arith.index_cast %swap3A_431 : i32 to index
      %swap3A_433 = arith.constant 0 : index
      %swap3A_434 = tpu.vector_load %arg6[%swap3A_432, %swap3A_433] {strides = array<i32>} : memref<128x32xf32, #tpu.memory_space<vmem>>, vector<16xf32>,
      tpu.vector_store %arg6[%swap3A_432, %swap3A_433], %mul3A_430 {strides = array<i32>} : memref<128x32xf32, #tpu.memory_space<vmem>>, vector<16xf32>,
      %add3A_435 = arith.addi %mul3A_2, %add3A_400 : i32
      %jit3A_436 = arith.constant 128 : i32
      %div3A_437 = arith.divsi %add3A_435, %jit3A_436 : i32
      %sign3A_438 = arith.constant 0 : i32
      %sign3A_439 = arith.cmpi sgt, %add3A_435, %sign3A_438 : i32
      %sign3A_440 = arith.extui %sign3A_439 : i1 to i32
      %sign3A_441 = arith.constant 0 : i32
      %sign3A_442 = arith.cmpi slt, %add3A_435, %sign3A_441 : i32
      %sign3A_443 = arith.extui %sign3A_442 : i1 to i32
      %sign3A_444 = arith.subi %sign3A_440, %sign3A_443 : i32
      %sign3A_445 = arith.constant 0 : i32
      %sign3A_446 = arith.cmpi sgt, %jit3A_436, %sign3A_445 : i32
      %sign3A_447 = arith.extui %sign3A_446 : i1 to i32
      %sign3A_448 = arith.constant 0 : i32
      %sign3A_449 = arith.cmpi slt, %jit3A_436, %sign3A_448 : i32
      %sign3A_450 = arith.extui %sign3A_449 : i1 to i32
      %sign3A_451 = arith.subi %sign3A_447, %sign3A_450 : i32
      %ne3A_452 = arith.cmpi ne, %sign3A_444, %sign3A_451 : i32
      %rem3A_453 = arith.remsi %add3A_435, %jit3A_436 : i32
      %ne3A_454 = arith.constant 0 : i32
      %ne3A_455 = arith.cmpi ne, %rem3A_453, %ne3A_454 : i32
      %and3A_456 = arith.andi %ne3A_452, %ne3A_455 : i1
      %sub3A_457 = arith.constant 1 : i32
      %sub3A_458 = arith.subi %div3A_437, %sub3A_457 : i32
      %select_n3A_459 = arith.select %and3A_456, %sub3A_458, %div3A_437 : i32
      %mul3A_460 = arith.constant 128 : i32
      %mul3A_461 = arith.muli %select_n3A_459, %mul3A_460 : i32
      %sub3A_462 = arith.subi %add3A_435, %mul3A_461 : i32
      %mul3A_463 = arith.constant 512 : i32
      %mul3A_464 = arith.muli %select_n3A_459, %mul3A_463 : i32
      %add3A_465 = arith.addi %mul3A_464, %sub3A_462 : i32
      %add3A_466 = arith.constant 0 : i32
      %add3A_467 = arith.addi %add3A_465, %add3A_466 : i32
      %dma_start3A_468 = arith.constant 0 : i32
      %dma_start3A_469 = arith.constant 0 : i32
      %dma_start3A_470 = arith.constant 0 : i32
      %dma_start3A_471 = tpu.memref_slice %arg10[%dma_start3A_468, %dma_start3A_469, %dma_start3A_470] : memref<4x8x129xf32, #tpu.memory_space<vmem>> -> memref<1x8x128xf32, #tpu.memory_space<vmem>>
      %dma_start3A_472 = tpu.memref_squeeze %dma_start3A_471 : memref<1x8x128xf32, #tpu.memory_space<vmem>> -> memref<8x128xf32, #tpu.memory_space<vmem>>
      %dma_start3A_473 = arith.constant 0 : i32
      %dma_start3A_474 = arith.constant 0 : i32
      %dma_start3A_475 = tpu.memref_slice %arg4[%add3A_467, %dma_start3A_473, %dma_start3A_474] : memref<25600x8x128xf32, #tpu.memory_space<hbm>> -> memref<1x8x128xf32, #tpu.memory_space<hbm>>
      %dma_start3A_476 = tpu.memref_squeeze %dma_start3A_475 : memref<1x8x128xf32, #tpu.memory_space<hbm>> -> memref<8x128xf32, #tpu.memory_space<hbm>>
      %dma_start3A_477 = arith.constant 0 : i32
      %dma_start3A_478 = arith.constant 0 : i32
      %dma_start3A_479 = tpu.memref_slice %arg4[%add3A_467, %dma_start3A_477, %dma_start3A_478] : memref<25600x8x128xf32, #tpu.memory_space<hbm>> -> memref<1x8x128xf32, #tpu.memory_space<hbm>>
      %dma_start3A_480 = tpu.memref_squeeze %dma_start3A_479 : memref<1x8x128xf32, #tpu.memory_space<hbm>> -> memref<8x128xf32, #tpu.memory_space<hbm>>
      %dma_start3A_481 = arith.constant 0 : i32
      %dma_start3A_482 = arith.constant 0 : i32
      %dma_start3A_483 = tpu.memref_slice %arg10[%dma_start3A_468, %dma_start3A_481, %dma_start3A_482] : memref<4x8x129xf32, #tpu.memory_space<vmem>> -> memref<1x8x128xf32, #tpu.memory_space<vmem>>
      %dma_start3A_484 = tpu.memref_squeeze %dma_start3A_483 : memref<1x8x128xf32, #tpu.memory_space<vmem>> -> memref<8x128xf32, #tpu.memory_space<vmem>>
      tpu.enqueue_dma source(%dma_start3A_484 : memref<8x128xf32, #tpu.memory_space<vmem>>) target(%dma_start3A_480 : memref<8x128xf32, #tpu.memory_space<hbm>>) target_semaphore(%arg18 : memref<!tpu.dma_semaphore, #tpu.memory_space<semaphore_mem>>)
      %add3A_485 = arith.constant 128 : i32
      %add3A_486 = arith.addi %add3A_465, %add3A_485 : i32
      %dma_start3A_487 = arith.constant 1 : i32
      %dma_start3A_488 = arith.constant 0 : i32
      %dma_start3A_489 = arith.constant 0 : i32
      %dma_start3A_490 = tpu.memref_slice %arg10[%dma_start3A_487, %dma_start3A_488, %dma_start3A_489] : memref<4x8x129xf32, #tpu.memory_space<vmem>> -> memref<1x8x128xf32, #tpu.memory_space<vmem>>
      %dma_start3A_491 = tpu.memref_squeeze %dma_start3A_490 : memref<1x8x128xf32, #tpu.memory_space<vmem>> -> memref<8x128xf32, #tpu.memory_space<vmem>>
      %dma_start3A_492 = arith.constant 0 : i32
      %dma_start3A_493 = arith.constant 0 : i32
      %dma_start3A_494 = tpu.memref_slice %arg4[%add3A_486, %dma_start3A_492, %dma_start3A_493] : memref<25600x8x128xf32, #tpu.memory_space<hbm>> -> memref<1x8x128xf32, #tpu.memory_space<hbm>>
      %dma_start3A_495 = tpu.memref_squeeze %dma_start3A_494 : memref<1x8x128xf32, #tpu.memory_space<hbm>> -> memref<8x128xf32, #tpu.memory_space<hbm>>
      %dma_start3A_496 = arith.constant 0 : i32
      %dma_start3A_497 = arith.constant 0 : i32
      %dma_start3A_498 = tpu.memref_slice %arg4[%add3A_486, %dma_start3A_496, %dma_start3A_497] : memref<25600x8x128xf32, #tpu.memory_space<hbm>> -> memref<1x8x128xf32, #tpu.memory_space<hbm>>
      %dma_start3A_499 = tpu.memref_squeeze %dma_start3A_498 : memref<1x8x128xf32, #tpu.memory_space<hbm>> -> memref<8x128xf32, #tpu.memory_space<hbm>>
      %dma_start3A_500 = arith.constant 0 : i32
      %dma_start3A_501 = arith.constant 0 : i32
      %dma_start3A_502 = tpu.memref_slice %arg10[%dma_start3A_487, %dma_start3A_500, %dma_start3A_501] : memref<4x8x129xf32, #tpu.memory_space<vmem>> -> memref<1x8x128xf32, #tpu.memory_space<vmem>>
      %dma_start3A_503 = tpu.memref_squeeze %dma_start3A_502 : memref<1x8x128xf32, #tpu.memory_space<vmem>> -> memref<8x128xf32, #tpu.memory_space<vmem>>
      tpu.enqueue_dma source(%dma_start3A_503 : memref<8x128xf32, #tpu.memory_space<vmem>>) target(%dma_start3A_499 : memref<8x128xf32, #tpu.memory_space<hbm>>) target_semaphore(%arg18 : memref<!tpu.dma_semaphore, #tpu.memory_space<semaphore_mem>>)
      %add3A_504 = arith.constant 256 : i32
      %add3A_505 = arith.addi %add3A_465, %add3A_504 : i32
      %dma_start3A_506 = arith.constant 2 : i32
      %dma_start3A_507 = arith.constant 0 : i32
      %dma_start3A_508 = arith.constant 0 : i32
      %dma_start3A_509 = tpu.memref_slice %arg10[%dma_start3A_506, %dma_start3A_507, %dma_start3A_508] : memref<4x8x129xf32, #tpu.memory_space<vmem>> -> memref<1x8x128xf32, #tpu.memory_space<vmem>>
      %dma_start3A_510 = tpu.memref_squeeze %dma_start3A_509 : memref<1x8x128xf32, #tpu.memory_space<vmem>> -> memref<8x128xf32, #tpu.memory_space<vmem>>
      %dma_start3A_511 = arith.constant 0 : i32
      %dma_start3A_512 = arith.constant 0 : i32
      %dma_start3A_513 = tpu.memref_slice %arg4[%add3A_505, %dma_start3A_511, %dma_start3A_512] : memref<25600x8x128xf32, #tpu.memory_space<hbm>> -> memref<1x8x128xf32, #tpu.memory_space<hbm>>
      %dma_start3A_514 = tpu.memref_squeeze %dma_start3A_513 : memref<1x8x128xf32, #tpu.memory_space<hbm>> -> memref<8x128xf32, #tpu.memory_space<hbm>>
      %dma_start3A_515 = arith.constant 0 : i32
      %dma_start3A_516 = arith.constant 0 : i32
      %dma_start3A_517 = tpu.memref_slice %arg4[%add3A_505, %dma_start3A_515, %dma_start3A_516] : memref<25600x8x128xf32, #tpu.memory_space<hbm>> -> memref<1x8x128xf32, #tpu.memory_space<hbm>>
      %dma_start3A_518 = tpu.memref_squeeze %dma_start3A_517 : memref<1x8x128xf32, #tpu.memory_space<hbm>> -> memref<8x128xf32, #tpu.memory_space<hbm>>
      %dma_start3A_519 = arith.constant 0 : i32
      %dma_start3A_520 = arith.constant 0 : i32
      %dma_start3A_521 = tpu.memref_slice %arg10[%dma_start3A_506, %dma_start3A_519, %dma_start3A_520] : memref<4x8x129xf32, #tpu.memory_space<vmem>> -> memref<1x8x128xf32, #tpu.memory_space<vmem>>
      %dma_start3A_522 = tpu.memref_squeeze %dma_start3A_521 : memref<1x8x128xf32, #tpu.memory_space<vmem>> -> memref<8x128xf32, #tpu.memory_space<vmem>>
      tpu.enqueue_dma source(%dma_start3A_522 : memref<8x128xf32, #tpu.memory_space<vmem>>) target(%dma_start3A_518 : memref<8x128xf32, #tpu.memory_space<hbm>>) target_semaphore(%arg18 : memref<!tpu.dma_semaphore, #tpu.memory_space<semaphore_mem>>)
      %add3A_523 = arith.constant 384 : i32
      %add3A_524 = arith.addi %add3A_465, %add3A_523 : i32
      %dma_start3A_525 = arith.constant 3 : i32
      %dma_start3A_526 = arith.constant 0 : i32
      %dma_start3A_527 = arith.constant 0 : i32
      %dma_start3A_528 = tpu.memref_slice %arg10[%dma_start3A_525, %dma_start3A_526, %dma_start3A_527] : memref<4x8x129xf32, #tpu.memory_space<vmem>> -> memref<1x8x128xf32, #tpu.memory_space<vmem>>
      %dma_start3A_529 = tpu.memref_squeeze %dma_start3A_528 : memref<1x8x128xf32, #tpu.memory_space<vmem>> -> memref<8x128xf32, #tpu.memory_space<vmem>>
      %dma_start3A_530 = arith.constant 0 : i32
      %dma_start3A_531 = arith.constant 0 : i32
      %dma_start3A_532 = tpu.memref_slice %arg4[%add3A_524, %dma_start3A_530, %dma_start3A_531] : memref<25600x8x128xf32, #tpu.memory_space<hbm>> -> memref<1x8x128xf32, #tpu.memory_space<hbm>>
      %dma_start3A_533 = tpu.memref_squeeze %dma_start3A_532 : memref<1x8x128xf32, #tpu.memory_space<hbm>> -> memref<8x128xf32, #tpu.memory_space<hbm>>
      %dma_start3A_534 = arith.constant 0 : i32
      %dma_start3A_535 = arith.constant 0 : i32
      %dma_start3A_536 = tpu.memref_slice %arg4[%add3A_524, %dma_start3A_534, %dma_start3A_535] : memref<25600x8x128xf32, #tpu.memory_space<hbm>> -> memref<1x8x128xf32, #tpu.memory_space<hbm>>
      %dma_start3A_537 = tpu.memref_squeeze %dma_start3A_536 : memref<1x8x128xf32, #tpu.memory_space<hbm>> -> memref<8x128xf32, #tpu.memory_space<hbm>>
      %dma_start3A_538 = arith.constant 0 : i32
      %dma_start3A_539 = arith.constant 0 : i32
      %dma_start3A_540 = tpu.memref_slice %arg10[%dma_start3A_525, %dma_start3A_538, %dma_start3A_539] : memref<4x8x129xf32, #tpu.memory_space<vmem>> -> memref<1x8x128xf32, #tpu.memory_space<vmem>>
      %dma_start3A_541 = tpu.memref_squeeze %dma_start3A_540 : memref<1x8x128xf32, #tpu.memory_space<vmem>> -> memref<8x128xf32, #tpu.memory_space<vmem>>
      tpu.enqueue_dma source(%dma_start3A_541 : memref<8x128xf32, #tpu.memory_space<vmem>>) target(%dma_start3A_537 : memref<8x128xf32, #tpu.memory_space<hbm>>) target_semaphore(%arg18 : memref<!tpu.dma_semaphore, #tpu.memory_space<semaphore_mem>>)
      %add3A_542 = arith.constant 4 : i32
      %add3A_543 = arith.addi %add3A_400, %add3A_542 : i32
      %sub3A_544 = arith.constant 1 : i32
      %sub3A_545 = arith.subi %add3A_543, %sub3A_544 : i32
      %lt3A_546 = arith.constant 200 : i32
      %lt3A_547 = arith.cmpi slt, %sub3A_545, %lt3A_546 : i32
      %convert_element_type3A_548 = arith.extui %lt3A_547 : i1 to i32
      %cond3A_549 = arith.constant 0 : i32
      %cond3A_550 = arith.cmpi ne, %convert_element_type3A_548, %cond3A_549 : i32
      scf.if %cond3A_550 {
        %add3A_1025 = arith.constant 4 : i32
        %add3A_1026 = arith.addi %add3A_400, %add3A_1025 : i32
        %sub3A_1027 = arith.constant 1 : i32
        %sub3A_1028 = arith.subi %add3A_1026, %sub3A_1027 : i32
        %dma_start3A_1029 = arith.constant 0 : i32
        %dma_start3A_1030 = tpu.memref_slice %arg5[%sub3A_1028, %dma_start3A_1029] : memref<200x128xi32, #tpu.memory_space<vmem>> -> memref<1x128xi32, #tpu.memory_space<vmem>>
        %dma_start3A_1031 = tpu.memref_squeeze %dma_start3A_1030 : memref<1x128xi32, #tpu.memory_space<vmem>> -> memref<128xi32, #tpu.memory_space<vmem>>
        %dma_start3A_1032 = arith.constant 0 : i32
        %dma_start3A_1033 = arith.constant 0 : i32
        %dma_start3A_1034 = tpu.memref_slice %arg3[%dma_start3A_1032, %dma_start3A_1033] : memref<1000000x32xf32, #tpu.memory_space<hbm>> -> memref<1000000x32xf32, #tpu.memory_space<hbm>>
        tpu.enqueue_indirect_dma source(%dma_start3A_1034 : memref<1000000x32xf32, #tpu.memory_space<hbm>>) target(%arg9 : memref<128x32xf32, #tpu.memory_space<vmem>>) offsets(%dma_start3A_1031 : memref<128xi32, #tpu.memory_space<vmem>>) semaphore(%arg17 : memref<!tpu.dma_semaphore, #tpu.memory_space<semaphore_mem>>)
      } else {
      }
      %add3A_551 = arith.constant 1 : i32
      %add3A_552 = arith.addi %add3A_398, %add3A_551 : i32
      %dma_wait3A_553 = arith.constant 0 : i32
      %dma_wait3A_554 = tpu.memref_slice %arg5[%add3A_552, %dma_wait3A_553] : memref<200x128xi32, #tpu.memory_space<vmem>> -> memref<1x128xi32, #tpu.memory_space<vmem>>
      %dma_wait3A_555 = tpu.memref_squeeze %dma_wait3A_554 : memref<1x128xi32, #tpu.memory_space<vmem>> -> memref<128xi32, #tpu.memory_space<vmem>>
      %dma_wait3A_556 = arith.constant 0 : i32
      %dma_wait3A_557 = arith.constant 0 : i32
      %dma_wait3A_558 = tpu.memref_slice %arg3[%dma_wait3A_556, %dma_wait3A_557] : memref<1000000x32xf32, #tpu.memory_space<hbm>> -> memref<1000000x32xf32, #tpu.memory_space<hbm>>
      tpu.wait_indirect_dma semaphore(%arg15 : memref<!tpu.dma_semaphore, #tpu.memory_space<semaphore_mem>>) src(%dma_wait3A_558 : memref<1000000x32xf32, #tpu.memory_space<hbm>>) dst(%arg7 : memref<128x32xf32, #tpu.memory_space<vmem>>)
      %ge3A_559 = arith.constant 4 : i32
      %ge3A_560 = arith.cmpi sge, %add3A_552, %ge3A_559 : i32
      %convert_element_type3A_561 = arith.extui %ge3A_560 : i1 to i32
      %cond3A_562 = arith.constant 0 : i32
      %cond3A_563 = arith.cmpi ne, %convert_element_type3A_561, %cond3A_562 : i32
      scf.if %cond3A_563 {
        %dma_wait3A_1025 = arith.constant 0 : i32
        %dma_wait3A_1026 = arith.constant 0 : i32
        %dma_wait3A_1027 = arith.constant 0 : i32
        %dma_wait3A_1028 = arith.constant 0 : i32
        %dma_wait3A_1029 = tpu.memref_slice %arg11[%dma_wait3A_1025, %dma_wait3A_1027, %dma_wait3A_1028] : memref<4x8x129xf32, #tpu.memory_space<vmem>> -> memref<1x8x128xf32, #tpu.memory_space<vmem>>
        %dma_wait3A_1030 = tpu.memref_squeeze %dma_wait3A_1029 : memref<1x8x128xf32, #tpu.memory_space<vmem>> -> memref<8x128xf32, #tpu.memory_space<vmem>>
        %dma_wait3A_1031 = arith.constant 0 : i32
        %dma_wait3A_1032 = arith.constant 0 : i32
        %dma_wait3A_1033 = tpu.memref_slice %arg4[%dma_wait3A_1026, %dma_wait3A_1031, %dma_wait3A_1032] : memref<25600x8x128xf32, #tpu.memory_space<hbm>> -> memref<1x8x128xf32, #tpu.memory_space<hbm>>
        %dma_wait3A_1034 = tpu.memref_squeeze %dma_wait3A_1033 : memref<1x8x128xf32, #tpu.memory_space<hbm>> -> memref<8x128xf32, #tpu.memory_space<hbm>>
        %dma_wait3A_1035 = arith.constant 0 : i32
        %dma_wait3A_1036 = arith.constant 0 : i32
        %dma_wait3A_1037 = tpu.memref_slice %arg4[%dma_wait3A_1026, %dma_wait3A_1035, %dma_wait3A_1036] : memref<25600x8x128xf32, #tpu.memory_space<hbm>> -> memref<1x8x128xf32, #tpu.memory_space<hbm>>
        %dma_wait3A_1038 = tpu.memref_squeeze %dma_wait3A_1037 : memref<1x8x128xf32, #tpu.memory_space<hbm>> -> memref<8x128xf32, #tpu.memory_space<hbm>>
        %dma_wait3A_1039 = arith.constant 0 : i32
        %dma_wait3A_1040 = arith.constant 0 : i32
        %dma_wait3A_1041 = tpu.memref_slice %arg11[%dma_wait3A_1025, %dma_wait3A_1039, %dma_wait3A_1040] : memref<4x8x129xf32, #tpu.memory_space<vmem>> -> memref<1x8x128xf32, #tpu.memory_space<vmem>>
        %dma_wait3A_1042 = tpu.memref_squeeze %dma_wait3A_1041 : memref<1x8x128xf32, #tpu.memory_space<vmem>> -> memref<8x128xf32, #tpu.memory_space<vmem>>
        tpu.wait_dma2 semaphore(%arg19 : memref<!tpu.dma_semaphore, #tpu.memory_space<semaphore_mem>>) src(%dma_wait3A_1042 : memref<8x128xf32, #tpu.memory_space<vmem>>) dst(%dma_wait3A_1038 : memref<8x128xf32, #tpu.memory_space<hbm>>)
        %dma_wait3A_1043 = arith.constant 1 : i32
        %dma_wait3A_1044 = arith.constant 1 : i32
        %dma_wait3A_1045 = arith.constant 0 : i32
        %dma_wait3A_1046 = arith.constant 0 : i32
        %dma_wait3A_1047 = tpu.memref_slice %arg11[%dma_wait3A_1043, %dma_wait3A_1045, %dma_wait3A_1046] : memref<4x8x129xf32, #tpu.memory_space<vmem>> -> memref<1x8x128xf32, #tpu.memory_space<vmem>>
        %dma_wait3A_1048 = tpu.memref_squeeze %dma_wait3A_1047 : memref<1x8x128xf32, #tpu.memory_space<vmem>> -> memref<8x128xf32, #tpu.memory_space<vmem>>
        %dma_wait3A_1049 = arith.constant 0 : i32
        %dma_wait3A_1050 = arith.constant 0 : i32
        %dma_wait3A_1051 = tpu.memref_slice %arg4[%dma_wait3A_1044, %dma_wait3A_1049, %dma_wait3A_1050] : memref<25600x8x128xf32, #tpu.memory_space<hbm>> -> memref<1x8x128xf32, #tpu.memory_space<hbm>>
        %dma_wait3A_1052 = tpu.memref_squeeze %dma_wait3A_1051 : memref<1x8x128xf32, #tpu.memory_space<hbm>> -> memref<8x128xf32, #tpu.memory_space<hbm>>
        %dma_wait3A_1053 = arith.constant 0 : i32
        %dma_wait3A_1054 = arith.constant 0 : i32
        %dma_wait3A_1055 = tpu.memref_slice %arg4[%dma_wait3A_1044, %dma_wait3A_1053, %dma_wait3A_1054] : memref<25600x8x128xf32, #tpu.memory_space<hbm>> -> memref<1x8x128xf32, #tpu.memory_space<hbm>>
        %dma_wait3A_1056 = tpu.memref_squeeze %dma_wait3A_1055 : memref<1x8x128xf32, #tpu.memory_space<hbm>> -> memref<8x128xf32, #tpu.memory_space<hbm>>
        %dma_wait3A_1057 = arith.constant 0 : i32
        %dma_wait3A_1058 = arith.constant 0 : i32
        %dma_wait3A_1059 = tpu.memref_slice %arg11[%dma_wait3A_1043, %dma_wait3A_1057, %dma_wait3A_1058] : memref<4x8x129xf32, #tpu.memory_space<vmem>> -> memref<1x8x128xf32, #tpu.memory_space<vmem>>
        %dma_wait3A_1060 = tpu.memref_squeeze %dma_wait3A_1059 : memref<1x8x128xf32, #tpu.memory_space<vmem>> -> memref<8x128xf32, #tpu.memory_space<vmem>>
        tpu.wait_dma2 semaphore(%arg19 : memref<!tpu.dma_semaphore, #tpu.memory_space<semaphore_mem>>) src(%dma_wait3A_1060 : memref<8x128xf32, #tpu.memory_space<vmem>>) dst(%dma_wait3A_1056 : memref<8x128xf32, #tpu.memory_space<hbm>>)
        %dma_wait3A_1061 = arith.constant 2 : i32
        %dma_wait3A_1062 = arith.constant 2 : i32
        %dma_wait3A_1063 = arith.constant 0 : i32
        %dma_wait3A_1064 = arith.constant 0 : i32
        %dma_wait3A_1065 = tpu.memref_slice %arg11[%dma_wait3A_1061, %dma_wait3A_1063, %dma_wait3A_1064] : memref<4x8x129xf32, #tpu.memory_space<vmem>> -> memref<1x8x128xf32, #tpu.memory_space<vmem>>
        %dma_wait3A_1066 = tpu.memref_squeeze %dma_wait3A_1065 : memref<1x8x128xf32, #tpu.memory_space<vmem>> -> memref<8x128xf32, #tpu.memory_space<vmem>>
        %dma_wait3A_1067 = arith.constant 0 : i32
        %dma_wait3A_1068 = arith.constant 0 : i32
        %dma_wait3A_1069 = tpu.memref_slice %arg4[%dma_wait3A_1062, %dma_wait3A_1067, %dma_wait3A_1068] : memref<25600x8x128xf32, #tpu.memory_space<hbm>> -> memref<1x8x128xf32, #tpu.memory_space<hbm>>
        %dma_wait3A_1070 = tpu.memref_squeeze %dma_wait3A_1069 : memref<1x8x128xf32, #tpu.memory_space<hbm>> -> memref<8x128xf32, #tpu.memory_space<hbm>>
        %dma_wait3A_1071 = arith.constant 0 : i32
        %dma_wait3A_1072 = arith.constant 0 : i32
        %dma_wait3A_1073 = tpu.memref_slice %arg4[%dma_wait3A_1062, %dma_wait3A_1071, %dma_wait3A_1072] : memref<25600x8x128xf32, #tpu.memory_space<hbm>> -> memref<1x8x128xf32, #tpu.memory_space<hbm>>
        %dma_wait3A_1074 = tpu.memref_squeeze %dma_wait3A_1073 : memref<1x8x128xf32, #tpu.memory_space<hbm>> -> memref<8x128xf32, #tpu.memory_space<hbm>>
        %dma_wait3A_1075 = arith.constant 0 : i32
        %dma_wait3A_1076 = arith.constant 0 : i32
        %dma_wait3A_1077 = tpu.memref_slice %arg11[%dma_wait3A_1061, %dma_wait3A_1075, %dma_wait3A_1076] : memref<4x8x129xf32, #tpu.memory_space<vmem>> -> memref<1x8x128xf32, #tpu.memory_space<vmem>>
        %dma_wait3A_1078 = tpu.memref_squeeze %dma_wait3A_1077 : memref<1x8x128xf32, #tpu.memory_space<vmem>> -> memref<8x128xf32, #tpu.memory_space<vmem>>
        tpu.wait_dma2 semaphore(%arg19 : memref<!tpu.dma_semaphore, #tpu.memory_space<semaphore_mem>>) src(%dma_wait3A_1078 : memref<8x128xf32, #tpu.memory_space<vmem>>) dst(%dma_wait3A_1074 : memref<8x128xf32, #tpu.memory_space<hbm>>)
        %dma_wait3A_1079 = arith.constant 3 : i32
        %dma_wait3A_1080 = arith.constant 3 : i32
        %dma_wait3A_1081 = arith.constant 0 : i32
        %dma_wait3A_1082 = arith.constant 0 : i32
        %dma_wait3A_1083 = tpu.memref_slice %arg11[%dma_wait3A_1079, %dma_wait3A_1081, %dma_wait3A_1082] : memref<4x8x129xf32, #tpu.memory_space<vmem>> -> memref<1x8x128xf32, #tpu.memory_space<vmem>>
        %dma_wait3A_1084 = tpu.memref_squeeze %dma_wait3A_1083 : memref<1x8x128xf32, #tpu.memory_space<vmem>> -> memref<8x128xf32, #tpu.memory_space<vmem>>
        %dma_wait3A_1085 = arith.constant 0 : i32
        %dma_wait3A_1086 = arith.constant 0 : i32
        %dma_wait3A_1087 = tpu.memref_slice %arg4[%dma_wait3A_1080, %dma_wait3A_1085, %dma_wait3A_1086] : memref<25600x8x128xf32, #tpu.memory_space<hbm>> -> memref<1x8x128xf32, #tpu.memory_space<hbm>>
        %dma_wait3A_1088 = tpu.memref_squeeze %dma_wait3A_1087 : memref<1x8x128xf32, #tpu.memory_space<hbm>> -> memref<8x128xf32, #tpu.memory_space<hbm>>
        %dma_wait3A_1089 = arith.constant 0 : i32
        %dma_wait3A_1090 = arith.constant 0 : i32
        %dma_wait3A_1091 = tpu.memref_slice %arg4[%dma_wait3A_1080, %dma_wait3A_1089, %dma_wait3A_1090] : memref<25600x8x128xf32, #tpu.memory_space<hbm>> -> memref<1x8x128xf32, #tpu.memory_space<hbm>>
        %dma_wait3A_1092 = tpu.memref_squeeze %dma_wait3A_1091 : memref<1x8x128xf32, #tpu.memory_space<hbm>> -> memref<8x128xf32, #tpu.memory_space<hbm>>
        %dma_wait3A_1093 = arith.constant 0 : i32
        %dma_wait3A_1094 = arith.constant 0 : i32
        %dma_wait3A_1095 = tpu.memref_slice %arg11[%dma_wait3A_1079, %dma_wait3A_1093, %dma_wait3A_1094] : memref<4x8x129xf32, #tpu.memory_space<vmem>> -> memref<1x8x128xf32, #tpu.memory_space<vmem>>
        %dma_wait3A_1096 = tpu.memref_squeeze %dma_wait3A_1095 : memref<1x8x128xf32, #tpu.memory_space<vmem>> -> memref<8x128xf32, #tpu.memory_space<vmem>>
        tpu.wait_dma2 semaphore(%arg19 : memref<!tpu.dma_semaphore, #tpu.memory_space<semaphore_mem>>) src(%dma_wait3A_1096 : memref<8x128xf32, #tpu.memory_space<vmem>>) dst(%dma_wait3A_1092 : memref<8x128xf32, #tpu.memory_space<hbm>>)
      } else {
      }
      %parallel_loop3A_564 = arith.constant 0 : i32
      %parallel_loop3A_565 = arith.constant 128 : i32
      %parallel_loop3A_566 = arith.constant 1 : i32
      scf.for %parallel_loop3A_1025 = %parallel_loop3A_564 to %parallel_loop3A_565 step %parallel_loop3A_566  : i32 {
        %parallel_loop3A_1026 = arith.constant 0 : i32
        %parallel_loop3A_1027 = vector.broadcast %parallel_loop3A_1026 : i32 to vector<16xi32>
        %parallel_loop3A_1028 = vector.broadcast %parallel_loop3A_1025 : i32 to vector<16xi32>
        %parallel_loop3A_1029 = arith.addi %parallel_loop3A_1027, %parallel_loop3A_1028 : vector<16xi32>
        %parallel_loop3A_1030 = arith.index_cast %parallel_loop3A_1025 : i32 to index
        %parallel_loop3A_1031 = arith.constant 0 : index
        %parallel_loop3A_1032 = tpu.vector_load %arg7[%parallel_loop3A_1030, %parallel_loop3A_1031] {strides = array<i32>} : memref<128x32xf32, #tpu.memory_space<vmem>>, vector<16xf32>,
        tpu.vector_store_idx %arg11[%select_n3A, %select_n3A_82, %parallel_loop3A_1029], %parallel_loop3A_1032 : memref<4x8x129xf32, #tpu.memory_space<vmem>>[vector<16xi32>, vector<16xi32>, vector<16xi32>], vector<16xf32>,
        %parallel_loop3A_1033 = arith.index_cast %parallel_loop3A_1025 : i32 to index
        %parallel_loop3A_1034 = arith.constant 16 : index
        %parallel_loop3A_1035 = tpu.vector_load %arg7[%parallel_loop3A_1033, %parallel_loop3A_1034] {strides = array<i32>} : memref<128x32xf32, #tpu.memory_space<vmem>>, vector<16xf32>,
        tpu.vector_store_idx %arg11[%select_n3A_62, %select_n3A_82, %parallel_loop3A_1029], %parallel_loop3A_1035 : memref<4x8x129xf32, #tpu.memory_space<vmem>>[vector<16xi32>, vector<16xi32>, vector<16xi32>], vector<16xf32>,
      } {sc.loop_unroll_factor = 4 : i64, sc.parallel_access}
      %get3A_567 = arith.constant 0 : i32
      %get3A_568 = arith.constant 0 : i32
      %get3A_569 = arith.index_cast %get3A_567 : i32 to index
      %get3A_570 = arith.index_cast %get3A_568 : i32 to index
      %get3A_571 = arith.constant 0 : index
      %get3A_572 = tpu.vector_load %arg11[%get3A_569, %get3A_570, %get3A_571] {strides = array<i32>} : memref<4x8x129xf32, #tpu.memory_space<vmem>>, vector<16xf32>,
      %mul3A_573 = arith.constant 1.000000e+00 : f32
      %mul3A_574 = vector.broadcast %mul3A_573 : f32 to vector<16xf32>
      %mul3A_575 = arith.mulf %get3A_572, %mul3A_574 : vector<16xf32>
      %swap3A_576 = arith.constant 0 : i32
      %swap3A_577 = arith.constant 0 : i32
      %swap3A_578 = arith.index_cast %swap3A_576 : i32 to index
      %swap3A_579 = arith.index_cast %swap3A_577 : i32 to index
      %swap3A_580 = arith.constant 0 : index
      %swap3A_581 = tpu.vector_load %arg11[%swap3A_578, %swap3A_579, %swap3A_580] {strides = array<i32>} : memref<4x8x129xf32, #tpu.memory_space<vmem>>, vector<16xf32>,
      tpu.vector_store %arg11[%swap3A_578, %swap3A_579, %swap3A_580], %mul3A_575 {strides = array<i32>} : memref<4x8x129xf32, #tpu.memory_space<vmem>>, vector<16xf32>,
      %get3A_582 = arith.constant 0 : i32
      %get3A_583 = arith.index_cast %get3A_582 : i32 to index
      %get3A_584 = arith.constant 0 : index
      %get3A_585 = tpu.vector_load %arg7[%get3A_583, %get3A_584] {strides = array<i32>} : memref<128x32xf32, #tpu.memory_space<vmem>>, vector<16xf32>,
      %mul3A_586 = arith.constant 1.000000e+00 : f32
      %mul3A_587 = vector.broadcast %mul3A_586 : f32 to vector<16xf32>
      %mul3A_588 = arith.mulf %get3A_585, %mul3A_587 : vector<16xf32>
      %swap3A_589 = arith.constant 0 : i32
      %swap3A_590 = arith.index_cast %swap3A_589 : i32 to index
      %swap3A_591 = arith.constant 0 : index
      %swap3A_592 = tpu.vector_load %arg7[%swap3A_590, %swap3A_591] {strides = array<i32>} : memref<128x32xf32, #tpu.memory_space<vmem>>, vector<16xf32>,
      tpu.vector_store %arg7[%swap3A_590, %swap3A_591], %mul3A_588 {strides = array<i32>} : memref<128x32xf32, #tpu.memory_space<vmem>>, vector<16xf32>,
      %add3A_593 = arith.addi %mul3A_2, %add3A_552 : i32
      %jit3A_594 = arith.constant 128 : i32
      %div3A_595 = arith.divsi %add3A_593, %jit3A_594 : i32
      %sign3A_596 = arith.constant 0 : i32
      %sign3A_597 = arith.cmpi sgt, %add3A_593, %sign3A_596 : i32
      %sign3A_598 = arith.extui %sign3A_597 : i1 to i32
      %sign3A_599 = arith.constant 0 : i32
      %sign3A_600 = arith.cmpi slt, %add3A_593, %sign3A_599 : i32
      %sign3A_601 = arith.extui %sign3A_600 : i1 to i32
      %sign3A_602 = arith.subi %sign3A_598, %sign3A_601 : i32
      %sign3A_603 = arith.constant 0 : i32
      %sign3A_604 = arith.cmpi sgt, %jit3A_594, %sign3A_603 : i32
      %sign3A_605 = arith.extui %sign3A_604 : i1 to i32
      %sign3A_606 = arith.constant 0 : i32
      %sign3A_607 = arith.cmpi slt, %jit3A_594, %sign3A_606 : i32
      %sign3A_608 = arith.extui %sign3A_607 : i1 to i32
      %sign3A_609 = arith.subi %sign3A_605, %sign3A_608 : i32
      %ne3A_610 = arith.cmpi ne, %sign3A_602, %sign3A_609 : i32
      %rem3A_611 = arith.remsi %add3A_593, %jit3A_594 : i32
      %ne3A_612 = arith.constant 0 : i32
      %ne3A_613 = arith.cmpi ne, %rem3A_611, %ne3A_612 : i32
      %and3A_614 = arith.andi %ne3A_610, %ne3A_613 : i1
      %sub3A_615 = arith.constant 1 : i32
      %sub3A_616 = arith.subi %div3A_595, %sub3A_615 : i32
      %select_n3A_617 = arith.select %and3A_614, %sub3A_616, %div3A_595 : i32
      %mul3A_618 = arith.constant 128 : i32
      %mul3A_619 = arith.muli %select_n3A_617, %mul3A_618 : i32
      %sub3A_620 = arith.subi %add3A_593, %mul3A_619 : i32
      %mul3A_621 = arith.constant 512 : i32
      %mul3A_622 = arith.muli %select_n3A_617, %mul3A_621 : i32
      %add3A_623 = arith.addi %mul3A_622, %sub3A_620 : i32
      %add3A_624 = arith.constant 0 : i32
      %add3A_625 = arith.addi %add3A_623, %add3A_624 : i32
      %dma_start3A_626 = arith.constant 0 : i32
      %dma_start3A_627 = arith.constant 0 : i32
      %dma_start3A_628 = arith.constant 0 : i32
      %dma_start3A_629 = tpu.memref_slice %arg11[%dma_start3A_626, %dma_start3A_627, %dma_start3A_628] : memref<4x8x129xf32, #tpu.memory_space<vmem>> -> memref<1x8x128xf32, #tpu.memory_space<vmem>>
      %dma_start3A_630 = tpu.memref_squeeze %dma_start3A_629 : memref<1x8x128xf32, #tpu.memory_space<vmem>> -> memref<8x128xf32, #tpu.memory_space<vmem>>
      %dma_start3A_631 = arith.constant 0 : i32
      %dma_start3A_632 = arith.constant 0 : i32
      %dma_start3A_633 = tpu.memref_slice %arg4[%add3A_625, %dma_start3A_631, %dma_start3A_632] : memref<25600x8x128xf32, #tpu.memory_space<hbm>> -> memref<1x8x128xf32, #tpu.memory_space<hbm>>
      %dma_start3A_634 = tpu.memref_squeeze %dma_start3A_633 : memref<1x8x128xf32, #tpu.memory_space<hbm>> -> memref<8x128xf32, #tpu.memory_space<hbm>>
      %dma_start3A_635 = arith.constant 0 : i32
      %dma_start3A_636 = arith.constant 0 : i32
      %dma_start3A_637 = tpu.memref_slice %arg4[%add3A_625, %dma_start3A_635, %dma_start3A_636] : memref<25600x8x128xf32, #tpu.memory_space<hbm>> -> memref<1x8x128xf32, #tpu.memory_space<hbm>>
      %dma_start3A_638 = tpu.memref_squeeze %dma_start3A_637 : memref<1x8x128xf32, #tpu.memory_space<hbm>> -> memref<8x128xf32, #tpu.memory_space<hbm>>
      %dma_start3A_639 = arith.constant 0 : i32
      %dma_start3A_640 = arith.constant 0 : i32
      %dma_start3A_641 = tpu.memref_slice %arg11[%dma_start3A_626, %dma_start3A_639, %dma_start3A_640] : memref<4x8x129xf32, #tpu.memory_space<vmem>> -> memref<1x8x128xf32, #tpu.memory_space<vmem>>
      %dma_start3A_642 = tpu.memref_squeeze %dma_start3A_641 : memref<1x8x128xf32, #tpu.memory_space<vmem>> -> memref<8x128xf32, #tpu.memory_space<vmem>>
      tpu.enqueue_dma source(%dma_start3A_642 : memref<8x128xf32, #tpu.memory_space<vmem>>) target(%dma_start3A_638 : memref<8x128xf32, #tpu.memory_space<hbm>>) target_semaphore(%arg19 : memref<!tpu.dma_semaphore, #tpu.memory_space<semaphore_mem>>)
      %add3A_643 = arith.constant 128 : i32
      %add3A_644 = arith.addi %add3A_623, %add3A_643 : i32
      %dma_start3A_645 = arith.constant 1 : i32
      %dma_start3A_646 = arith.constant 0 : i32
      %dma_start3A_647 = arith.constant 0 : i32
      %dma_start3A_648 = tpu.memref_slice %arg11[%dma_start3A_645, %dma_start3A_646, %dma_start3A_647] : memref<4x8x129xf32, #tpu.memory_space<vmem>> -> memref<1x8x128xf32, #tpu.memory_space<vmem>>
      %dma_start3A_649 = tpu.memref_squeeze %dma_start3A_648 : memref<1x8x128xf32, #tpu.memory_space<vmem>> -> memref<8x128xf32, #tpu.memory_space<vmem>>
      %dma_start3A_650 = arith.constant 0 : i32
      %dma_start3A_651 = arith.constant 0 : i32
      %dma_start3A_652 = tpu.memref_slice %arg4[%add3A_644, %dma_start3A_650, %dma_start3A_651] : memref<25600x8x128xf32, #tpu.memory_space<hbm>> -> memref<1x8x128xf32, #tpu.memory_space<hbm>>
      %dma_start3A_653 = tpu.memref_squeeze %dma_start3A_652 : memref<1x8x128xf32, #tpu.memory_space<hbm>> -> memref<8x128xf32, #tpu.memory_space<hbm>>
      %dma_start3A_654 = arith.constant 0 : i32
      %dma_start3A_655 = arith.constant 0 : i32
      %dma_start3A_656 = tpu.memref_slice %arg4[%add3A_644, %dma_start3A_654, %dma_start3A_655] : memref<25600x8x128xf32, #tpu.memory_space<hbm>> -> memref<1x8x128xf32, #tpu.memory_space<hbm>>
      %dma_start3A_657 = tpu.memref_squeeze %dma_start3A_656 : memref<1x8x128xf32, #tpu.memory_space<hbm>> -> memref<8x128xf32, #tpu.memory_space<hbm>>
      %dma_start3A_658 = arith.constant 0 : i32
      %dma_start3A_659 = arith.constant 0 : i32
      %dma_start3A_660 = tpu.memref_slice %arg11[%dma_start3A_645, %dma_start3A_658, %dma_start3A_659] : memref<4x8x129xf32, #tpu.memory_space<vmem>> -> memref<1x8x128xf32, #tpu.memory_space<vmem>>
      %dma_start3A_661 = tpu.memref_squeeze %dma_start3A_660 : memref<1x8x128xf32, #tpu.memory_space<vmem>> -> memref<8x128xf32, #tpu.memory_space<vmem>>
      tpu.enqueue_dma source(%dma_start3A_661 : memref<8x128xf32, #tpu.memory_space<vmem>>) target(%dma_start3A_657 : memref<8x128xf32, #tpu.memory_space<hbm>>) target_semaphore(%arg19 : memref<!tpu.dma_semaphore, #tpu.memory_space<semaphore_mem>>)
      %add3A_662 = arith.constant 256 : i32
      %add3A_663 = arith.addi %add3A_623, %add3A_662 : i32
      %dma_start3A_664 = arith.constant 2 : i32
      %dma_start3A_665 = arith.constant 0 : i32
      %dma_start3A_666 = arith.constant 0 : i32
      %dma_start3A_667 = tpu.memref_slice %arg11[%dma_start3A_664, %dma_start3A_665, %dma_start3A_666] : memref<4x8x129xf32, #tpu.memory_space<vmem>> -> memref<1x8x128xf32, #tpu.memory_space<vmem>>
      %dma_start3A_668 = tpu.memref_squeeze %dma_start3A_667 : memref<1x8x128xf32, #tpu.memory_space<vmem>> -> memref<8x128xf32, #tpu.memory_space<vmem>>
      %dma_start3A_669 = arith.constant 0 : i32
      %dma_start3A_670 = arith.constant 0 : i32
      %dma_start3A_671 = tpu.memref_slice %arg4[%add3A_663, %dma_start3A_669, %dma_start3A_670] : memref<25600x8x128xf32, #tpu.memory_space<hbm>> -> memref<1x8x128xf32, #tpu.memory_space<hbm>>
      %dma_start3A_672 = tpu.memref_squeeze %dma_start3A_671 : memref<1x8x128xf32, #tpu.memory_space<hbm>> -> memref<8x128xf32, #tpu.memory_space<hbm>>
      %dma_start3A_673 = arith.constant 0 : i32
      %dma_start3A_674 = arith.constant 0 : i32
      %dma_start3A_675 = tpu.memref_slice %arg4[%add3A_663, %dma_start3A_673, %dma_start3A_674] : memref<25600x8x128xf32, #tpu.memory_space<hbm>> -> memref<1x8x128xf32, #tpu.memory_space<hbm>>
      %dma_start3A_676 = tpu.memref_squeeze %dma_start3A_675 : memref<1x8x128xf32, #tpu.memory_space<hbm>> -> memref<8x128xf32, #tpu.memory_space<hbm>>
      %dma_start3A_677 = arith.constant 0 : i32
      %dma_start3A_678 = arith.constant 0 : i32
      %dma_start3A_679 = tpu.memref_slice %arg11[%dma_start3A_664, %dma_start3A_677, %dma_start3A_678] : memref<4x8x129xf32, #tpu.memory_space<vmem>> -> memref<1x8x128xf32, #tpu.memory_space<vmem>>
      %dma_start3A_680 = tpu.memref_squeeze %dma_start3A_679 : memref<1x8x128xf32, #tpu.memory_space<vmem>> -> memref<8x128xf32, #tpu.memory_space<vmem>>
      tpu.enqueue_dma source(%dma_start3A_680 : memref<8x128xf32, #tpu.memory_space<vmem>>) target(%dma_start3A_676 : memref<8x128xf32, #tpu.memory_space<hbm>>) target_semaphore(%arg19 : memref<!tpu.dma_semaphore, #tpu.memory_space<semaphore_mem>>)
      %add3A_681 = arith.constant 384 : i32
      %add3A_682 = arith.addi %add3A_623, %add3A_681 : i32
      %dma_start3A_683 = arith.constant 3 : i32
      %dma_start3A_684 = arith.constant 0 : i32
      %dma_start3A_685 = arith.constant 0 : i32
      %dma_start3A_686 = tpu.memref_slice %arg11[%dma_start3A_683, %dma_start3A_684, %dma_start3A_685] : memref<4x8x129xf32, #tpu.memory_space<vmem>> -> memref<1x8x128xf32, #tpu.memory_space<vmem>>
      %dma_start3A_687 = tpu.memref_squeeze %dma_start3A_686 : memref<1x8x128xf32, #tpu.memory_space<vmem>> -> memref<8x128xf32, #tpu.memory_space<vmem>>
      %dma_start3A_688 = arith.constant 0 : i32
      %dma_start3A_689 = arith.constant 0 : i32
      %dma_start3A_690 = tpu.memref_slice %arg4[%add3A_682, %dma_start3A_688, %dma_start3A_689] : memref<25600x8x128xf32, #tpu.memory_space<hbm>> -> memref<1x8x128xf32, #tpu.memory_space<hbm>>
      %dma_start3A_691 = tpu.memref_squeeze %dma_start3A_690 : memref<1x8x128xf32, #tpu.memory_space<hbm>> -> memref<8x128xf32, #tpu.memory_space<hbm>>
      %dma_start3A_692 = arith.constant 0 : i32
      %dma_start3A_693 = arith.constant 0 : i32
      %dma_start3A_694 = tpu.memref_slice %arg4[%add3A_682, %dma_start3A_692, %dma_start3A_693] : memref<25600x8x128xf32, #tpu.memory_space<hbm>> -> memref<1x8x128xf32, #tpu.memory_space<hbm>>
      %dma_start3A_695 = tpu.memref_squeeze %dma_start3A_694 : memref<1x8x128xf32, #tpu.memory_space<hbm>> -> memref<8x128xf32, #tpu.memory_space<hbm>>
      %dma_start3A_696 = arith.constant 0 : i32
      %dma_start3A_697 = arith.constant 0 : i32
      %dma_start3A_698 = tpu.memref_slice %arg11[%dma_start3A_683, %dma_start3A_696, %dma_start3A_697] : memref<4x8x129xf32, #tpu.memory_space<vmem>> -> memref<1x8x128xf32, #tpu.memory_space<vmem>>
      %dma_start3A_699 = tpu.memref_squeeze %dma_start3A_698 : memref<1x8x128xf32, #tpu.memory_space<vmem>> -> memref<8x128xf32, #tpu.memory_space<vmem>>
      tpu.enqueue_dma source(%dma_start3A_699 : memref<8x128xf32, #tpu.memory_space<vmem>>) target(%dma_start3A_695 : memref<8x128xf32, #tpu.memory_space<hbm>>) target_semaphore(%arg19 : memref<!tpu.dma_semaphore, #tpu.memory_space<semaphore_mem>>)
      %add3A_700 = arith.constant 4 : i32
      %add3A_701 = arith.addi %add3A_552, %add3A_700 : i32
      %sub3A_702 = arith.constant 1 : i32
      %sub3A_703 = arith.subi %add3A_701, %sub3A_702 : i32
      %lt3A_704 = arith.constant 200 : i32
      %lt3A_705 = arith.cmpi slt, %sub3A_703, %lt3A_704 : i32
      %convert_element_type3A_706 = arith.extui %lt3A_705 : i1 to i32
      %cond3A_707 = arith.constant 0 : i32
      %cond3A_708 = arith.cmpi ne, %convert_element_type3A_706, %cond3A_707 : i32
      scf.if %cond3A_708 {
        %add3A_1025 = arith.constant 4 : i32
        %add3A_1026 = arith.addi %add3A_552, %add3A_1025 : i32
        %sub3A_1027 = arith.constant 1 : i32
        %sub3A_1028 = arith.subi %add3A_1026, %sub3A_1027 : i32
        %dma_start3A_1029 = arith.constant 0 : i32
        %dma_start3A_1030 = tpu.memref_slice %arg5[%sub3A_1028, %dma_start3A_1029] : memref<200x128xi32, #tpu.memory_space<vmem>> -> memref<1x128xi32, #tpu.memory_space<vmem>>
        %dma_start3A_1031 = tpu.memref_squeeze %dma_start3A_1030 : memref<1x128xi32, #tpu.memory_space<vmem>> -> memref<128xi32, #tpu.memory_space<vmem>>
        %dma_start3A_1032 = arith.constant 0 : i32
        %dma_start3A_1033 = arith.constant 0 : i32
        %dma_start3A_1034 = tpu.memref_slice %arg3[%dma_start3A_1032, %dma_start3A_1033] : memref<1000000x32xf32, #tpu.memory_space<hbm>> -> memref<1000000x32xf32, #tpu.memory_space<hbm>>
        tpu.enqueue_indirect_dma source(%dma_start3A_1034 : memref<1000000x32xf32, #tpu.memory_space<hbm>>) target(%arg6 : memref<128x32xf32, #tpu.memory_space<vmem>>) offsets(%dma_start3A_1031 : memref<128xi32, #tpu.memory_space<vmem>>) semaphore(%arg14 : memref<!tpu.dma_semaphore, #tpu.memory_space<semaphore_mem>>)
      } else {
      }
      %add3A_709 = arith.constant 2 : i32
      %add3A_710 = arith.addi %add3A_398, %add3A_709 : i32
      %dma_wait3A_711 = arith.constant 0 : i32
      %dma_wait3A_712 = tpu.memref_slice %arg5[%add3A_710, %dma_wait3A_711] : memref<200x128xi32, #tpu.memory_space<vmem>> -> memref<1x128xi32, #tpu.memory_space<vmem>>
      %dma_wait3A_713 = tpu.memref_squeeze %dma_wait3A_712 : memref<1x128xi32, #tpu.memory_space<vmem>> -> memref<128xi32, #tpu.memory_space<vmem>>
      %dma_wait3A_714 = arith.constant 0 : i32
      %dma_wait3A_715 = arith.constant 0 : i32
      %dma_wait3A_716 = tpu.memref_slice %arg3[%dma_wait3A_714, %dma_wait3A_715] : memref<1000000x32xf32, #tpu.memory_space<hbm>> -> memref<1000000x32xf32, #tpu.memory_space<hbm>>
      tpu.wait_indirect_dma semaphore(%arg16 : memref<!tpu.dma_semaphore, #tpu.memory_space<semaphore_mem>>) src(%dma_wait3A_716 : memref<1000000x32xf32, #tpu.memory_space<hbm>>) dst(%arg8 : memref<128x32xf32, #tpu.memory_space<vmem>>)
      %ge3A_717 = arith.constant 4 : i32
      %ge3A_718 = arith.cmpi sge, %add3A_710, %ge3A_717 : i32
      %convert_element_type3A_719 = arith.extui %ge3A_718 : i1 to i32
      %cond3A_720 = arith.constant 0 : i32
      %cond3A_721 = arith.cmpi ne, %convert_element_type3A_719, %cond3A_720 : i32
      scf.if %cond3A_721 {
        %dma_wait3A_1025 = arith.constant 0 : i32
        %dma_wait3A_1026 = arith.constant 0 : i32
        %dma_wait3A_1027 = arith.constant 0 : i32
        %dma_wait3A_1028 = arith.constant 0 : i32
        %dma_wait3A_1029 = tpu.memref_slice %arg12[%dma_wait3A_1025, %dma_wait3A_1027, %dma_wait3A_1028] : memref<4x8x129xf32, #tpu.memory_space<vmem>> -> memref<1x8x128xf32, #tpu.memory_space<vmem>>
        %dma_wait3A_1030 = tpu.memref_squeeze %dma_wait3A_1029 : memref<1x8x128xf32, #tpu.memory_space<vmem>> -> memref<8x128xf32, #tpu.memory_space<vmem>>
        %dma_wait3A_1031 = arith.constant 0 : i32
        %dma_wait3A_1032 = arith.constant 0 : i32
        %dma_wait3A_1033 = tpu.memref_slice %arg4[%dma_wait3A_1026, %dma_wait3A_1031, %dma_wait3A_1032] : memref<25600x8x128xf32, #tpu.memory_space<hbm>> -> memref<1x8x128xf32, #tpu.memory_space<hbm>>
        %dma_wait3A_1034 = tpu.memref_squeeze %dma_wait3A_1033 : memref<1x8x128xf32, #tpu.memory_space<hbm>> -> memref<8x128xf32, #tpu.memory_space<hbm>>
        %dma_wait3A_1035 = arith.constant 0 : i32
        %dma_wait3A_1036 = arith.constant 0 : i32
        %dma_wait3A_1037 = tpu.memref_slice %arg4[%dma_wait3A_1026, %dma_wait3A_1035, %dma_wait3A_1036] : memref<25600x8x128xf32, #tpu.memory_space<hbm>> -> memref<1x8x128xf32, #tpu.memory_space<hbm>>
        %dma_wait3A_1038 = tpu.memref_squeeze %dma_wait3A_1037 : memref<1x8x128xf32, #tpu.memory_space<hbm>> -> memref<8x128xf32, #tpu.memory_space<hbm>>
        %dma_wait3A_1039 = arith.constant 0 : i32
        %dma_wait3A_1040 = arith.constant 0 : i32
        %dma_wait3A_1041 = tpu.memref_slice %arg12[%dma_wait3A_1025, %dma_wait3A_1039, %dma_wait3A_1040] : memref<4x8x129xf32, #tpu.memory_space<vmem>> -> memref<1x8x128xf32, #tpu.memory_space<vmem>>
        %dma_wait3A_1042 = tpu.memref_squeeze %dma_wait3A_1041 : memref<1x8x128xf32, #tpu.memory_space<vmem>> -> memref<8x128xf32, #tpu.memory_space<vmem>>
        tpu.wait_dma2 semaphore(%arg20 : memref<!tpu.dma_semaphore, #tpu.memory_space<semaphore_mem>>) src(%dma_wait3A_1042 : memref<8x128xf32, #tpu.memory_space<vmem>>) dst(%dma_wait3A_1038 : memref<8x128xf32, #tpu.memory_space<hbm>>)
        %dma_wait3A_1043 = arith.constant 1 : i32
        %dma_wait3A_1044 = arith.constant 1 : i32
        %dma_wait3A_1045 = arith.constant 0 : i32
        %dma_wait3A_1046 = arith.constant 0 : i32
        %dma_wait3A_1047 = tpu.memref_slice %arg12[%dma_wait3A_1043, %dma_wait3A_1045, %dma_wait3A_1046] : memref<4x8x129xf32, #tpu.memory_space<vmem>> -> memref<1x8x128xf32, #tpu.memory_space<vmem>>
        %dma_wait3A_1048 = tpu.memref_squeeze %dma_wait3A_1047 : memref<1x8x128xf32, #tpu.memory_space<vmem>> -> memref<8x128xf32, #tpu.memory_space<vmem>>
        %dma_wait3A_1049 = arith.constant 0 : i32
        %dma_wait3A_1050 = arith.constant 0 : i32
        %dma_wait3A_1051 = tpu.memref_slice %arg4[%dma_wait3A_1044, %dma_wait3A_1049, %dma_wait3A_1050] : memref<25600x8x128xf32, #tpu.memory_space<hbm>> -> memref<1x8x128xf32, #tpu.memory_space<hbm>>
        %dma_wait3A_1052 = tpu.memref_squeeze %dma_wait3A_1051 : memref<1x8x128xf32, #tpu.memory_space<hbm>> -> memref<8x128xf32, #tpu.memory_space<hbm>>
        %dma_wait3A_1053 = arith.constant 0 : i32
        %dma_wait3A_1054 = arith.constant 0 : i32
        %dma_wait3A_1055 = tpu.memref_slice %arg4[%dma_wait3A_1044, %dma_wait3A_1053, %dma_wait3A_1054] : memref<25600x8x128xf32, #tpu.memory_space<hbm>> -> memref<1x8x128xf32, #tpu.memory_space<hbm>>
        %dma_wait3A_1056 = tpu.memref_squeeze %dma_wait3A_1055 : memref<1x8x128xf32, #tpu.memory_space<hbm>> -> memref<8x128xf32, #tpu.memory_space<hbm>>
        %dma_wait3A_1057 = arith.constant 0 : i32
        %dma_wait3A_1058 = arith.constant 0 : i32
        %dma_wait3A_1059 = tpu.memref_slice %arg12[%dma_wait3A_1043, %dma_wait3A_1057, %dma_wait3A_1058] : memref<4x8x129xf32, #tpu.memory_space<vmem>> -> memref<1x8x128xf32, #tpu.memory_space<vmem>>
        %dma_wait3A_1060 = tpu.memref_squeeze %dma_wait3A_1059 : memref<1x8x128xf32, #tpu.memory_space<vmem>> -> memref<8x128xf32, #tpu.memory_space<vmem>>
        tpu.wait_dma2 semaphore(%arg20 : memref<!tpu.dma_semaphore, #tpu.memory_space<semaphore_mem>>) src(%dma_wait3A_1060 : memref<8x128xf32, #tpu.memory_space<vmem>>) dst(%dma_wait3A_1056 : memref<8x128xf32, #tpu.memory_space<hbm>>)
        %dma_wait3A_1061 = arith.constant 2 : i32
        %dma_wait3A_1062 = arith.constant 2 : i32
        %dma_wait3A_1063 = arith.constant 0 : i32
        %dma_wait3A_1064 = arith.constant 0 : i32
        %dma_wait3A_1065 = tpu.memref_slice %arg12[%dma_wait3A_1061, %dma_wait3A_1063, %dma_wait3A_1064] : memref<4x8x129xf32, #tpu.memory_space<vmem>> -> memref<1x8x128xf32, #tpu.memory_space<vmem>>
        %dma_wait3A_1066 = tpu.memref_squeeze %dma_wait3A_1065 : memref<1x8x128xf32, #tpu.memory_space<vmem>> -> memref<8x128xf32, #tpu.memory_space<vmem>>
        %dma_wait3A_1067 = arith.constant 0 : i32
        %dma_wait3A_1068 = arith.constant 0 : i32
        %dma_wait3A_1069 = tpu.memref_slice %arg4[%dma_wait3A_1062, %dma_wait3A_1067, %dma_wait3A_1068] : memref<25600x8x128xf32, #tpu.memory_space<hbm>> -> memref<1x8x128xf32, #tpu.memory_space<hbm>>
        %dma_wait3A_1070 = tpu.memref_squeeze %dma_wait3A_1069 : memref<1x8x128xf32, #tpu.memory_space<hbm>> -> memref<8x128xf32, #tpu.memory_space<hbm>>
        %dma_wait3A_1071 = arith.constant 0 : i32
        %dma_wait3A_1072 = arith.constant 0 : i32
        %dma_wait3A_1073 = tpu.memref_slice %arg4[%dma_wait3A_1062, %dma_wait3A_1071, %dma_wait3A_1072] : memref<25600x8x128xf32, #tpu.memory_space<hbm>> -> memref<1x8x128xf32, #tpu.memory_space<hbm>>
        %dma_wait3A_1074 = tpu.memref_squeeze %dma_wait3A_1073 : memref<1x8x128xf32, #tpu.memory_space<hbm>> -> memref<8x128xf32, #tpu.memory_space<hbm>>
        %dma_wait3A_1075 = arith.constant 0 : i32
        %dma_wait3A_1076 = arith.constant 0 : i32
        %dma_wait3A_1077 = tpu.memref_slice %arg12[%dma_wait3A_1061, %dma_wait3A_1075, %dma_wait3A_1076] : memref<4x8x129xf32, #tpu.memory_space<vmem>> -> memref<1x8x128xf32, #tpu.memory_space<vmem>>
        %dma_wait3A_1078 = tpu.memref_squeeze %dma_wait3A_1077 : memref<1x8x128xf32, #tpu.memory_space<vmem>> -> memref<8x128xf32, #tpu.memory_space<vmem>>
        tpu.wait_dma2 semaphore(%arg20 : memref<!tpu.dma_semaphore, #tpu.memory_space<semaphore_mem>>) src(%dma_wait3A_1078 : memref<8x128xf32, #tpu.memory_space<vmem>>) dst(%dma_wait3A_1074 : memref<8x128xf32, #tpu.memory_space<hbm>>)
        %dma_wait3A_1079 = arith.constant 3 : i32
        %dma_wait3A_1080 = arith.constant 3 : i32
        %dma_wait3A_1081 = arith.constant 0 : i32
        %dma_wait3A_1082 = arith.constant 0 : i32
        %dma_wait3A_1083 = tpu.memref_slice %arg12[%dma_wait3A_1079, %dma_wait3A_1081, %dma_wait3A_1082] : memref<4x8x129xf32, #tpu.memory_space<vmem>> -> memref<1x8x128xf32, #tpu.memory_space<vmem>>
        %dma_wait3A_1084 = tpu.memref_squeeze %dma_wait3A_1083 : memref<1x8x128xf32, #tpu.memory_space<vmem>> -> memref<8x128xf32, #tpu.memory_space<vmem>>
        %dma_wait3A_1085 = arith.constant 0 : i32
        %dma_wait3A_1086 = arith.constant 0 : i32
        %dma_wait3A_1087 = tpu.memref_slice %arg4[%dma_wait3A_1080, %dma_wait3A_1085, %dma_wait3A_1086] : memref<25600x8x128xf32, #tpu.memory_space<hbm>> -> memref<1x8x128xf32, #tpu.memory_space<hbm>>
        %dma_wait3A_1088 = tpu.memref_squeeze %dma_wait3A_1087 : memref<1x8x128xf32, #tpu.memory_space<hbm>> -> memref<8x128xf32, #tpu.memory_space<hbm>>
        %dma_wait3A_1089 = arith.constant 0 : i32
        %dma_wait3A_1090 = arith.constant 0 : i32
        %dma_wait3A_1091 = tpu.memref_slice %arg4[%dma_wait3A_1080, %dma_wait3A_1089, %dma_wait3A_1090] : memref<25600x8x128xf32, #tpu.memory_space<hbm>> -> memref<1x8x128xf32, #tpu.memory_space<hbm>>
        %dma_wait3A_1092 = tpu.memref_squeeze %dma_wait3A_1091 : memref<1x8x128xf32, #tpu.memory_space<hbm>> -> memref<8x128xf32, #tpu.memory_space<hbm>>
        %dma_wait3A_1093 = arith.constant 0 : i32
        %dma_wait3A_1094 = arith.constant 0 : i32
        %dma_wait3A_1095 = tpu.memref_slice %arg12[%dma_wait3A_1079, %dma_wait3A_1093, %dma_wait3A_1094] : memref<4x8x129xf32, #tpu.memory_space<vmem>> -> memref<1x8x128xf32, #tpu.memory_space<vmem>>
        %dma_wait3A_1096 = tpu.memref_squeeze %dma_wait3A_1095 : memref<1x8x128xf32, #tpu.memory_space<vmem>> -> memref<8x128xf32, #tpu.memory_space<vmem>>
        tpu.wait_dma2 semaphore(%arg20 : memref<!tpu.dma_semaphore, #tpu.memory_space<semaphore_mem>>) src(%dma_wait3A_1096 : memref<8x128xf32, #tpu.memory_space<vmem>>) dst(%dma_wait3A_1092 : memref<8x128xf32, #tpu.memory_space<hbm>>)
      } else {
      }
      %parallel_loop3A_722 = arith.constant 0 : i32
      %parallel_loop3A_723 = arith.constant 128 : i32
      %parallel_loop3A_724 = arith.constant 1 : i32
      scf.for %parallel_loop3A_1025 = %parallel_loop3A_722 to %parallel_loop3A_723 step %parallel_loop3A_724  : i32 {
        %parallel_loop3A_1026 = arith.constant 0 : i32
        %parallel_loop3A_1027 = vector.broadcast %parallel_loop3A_1026 : i32 to vector<16xi32>
        %parallel_loop3A_1028 = vector.broadcast %parallel_loop3A_1025 : i32 to vector<16xi32>
        %parallel_loop3A_1029 = arith.addi %parallel_loop3A_1027, %parallel_loop3A_1028 : vector<16xi32>
        %parallel_loop3A_1030 = arith.index_cast %parallel_loop3A_1025 : i32 to index
        %parallel_loop3A_1031 = arith.constant 0 : index
        %parallel_loop3A_1032 = tpu.vector_load %arg8[%parallel_loop3A_1030, %parallel_loop3A_1031] {strides = array<i32>} : memref<128x32xf32, #tpu.memory_space<vmem>>, vector<16xf32>,
        tpu.vector_store_idx %arg12[%select_n3A, %select_n3A_82, %parallel_loop3A_1029], %parallel_loop3A_1032 : memref<4x8x129xf32, #tpu.memory_space<vmem>>[vector<16xi32>, vector<16xi32>, vector<16xi32>], vector<16xf32>,
        %parallel_loop3A_1033 = arith.index_cast %parallel_loop3A_1025 : i32 to index
        %parallel_loop3A_1034 = arith.constant 16 : index
        %parallel_loop3A_1035 = tpu.vector_load %arg8[%parallel_loop3A_1033, %parallel_loop3A_1034] {strides = array<i32>} : memref<128x32xf32, #tpu.memory_space<vmem>>, vector<16xf32>,
        tpu.vector_store_idx %arg12[%select_n3A_62, %select_n3A_82, %parallel_loop3A_1029], %parallel_loop3A_1035 : memref<4x8x129xf32, #tpu.memory_space<vmem>>[vector<16xi32>, vector<16xi32>, vector<16xi32>], vector<16xf32>,
      } {sc.loop_unroll_factor = 4 : i64, sc.parallel_access}
      %get3A_725 = arith.constant 0 : i32
      %get3A_726 = arith.constant 0 : i32
      %get3A_727 = arith.index_cast %get3A_725 : i32 to index
      %get3A_728 = arith.index_cast %get3A_726 : i32 to index
      %get3A_729 = arith.constant 0 : index
      %get3A_730 = tpu.vector_load %arg12[%get3A_727, %get3A_728, %get3A_729] {strides = array<i32>} : memref<4x8x129xf32, #tpu.memory_space<vmem>>, vector<16xf32>,
      %mul3A_731 = arith.constant 1.000000e+00 : f32
      %mul3A_732 = vector.broadcast %mul3A_731 : f32 to vector<16xf32>
      %mul3A_733 = arith.mulf %get3A_730, %mul3A_732 : vector<16xf32>
      %swap3A_734 = arith.constant 0 : i32
      %swap3A_735 = arith.constant 0 : i32
      %swap3A_736 = arith.index_cast %swap3A_734 : i32 to index
      %swap3A_737 = arith.index_cast %swap3A_735 : i32 to index
      %swap3A_738 = arith.constant 0 : index
      %swap3A_739 = tpu.vector_load %arg12[%swap3A_736, %swap3A_737, %swap3A_738] {strides = array<i32>} : memref<4x8x129xf32, #tpu.memory_space<vmem>>, vector<16xf32>,
      tpu.vector_store %arg12[%swap3A_736, %swap3A_737, %swap3A_738], %mul3A_733 {strides = array<i32>} : memref<4x8x129xf32, #tpu.memory_space<vmem>>, vector<16xf32>,
      %get3A_740 = arith.constant 0 : i32
      %get3A_741 = arith.index_cast %get3A_740 : i32 to index
      %get3A_742 = arith.constant 0 : index
      %get3A_743 = tpu.vector_load %arg8[%get3A_741, %get3A_742] {strides = array<i32>} : memref<128x32xf32, #tpu.memory_space<vmem>>, vector<16xf32>,
      %mul3A_744 = arith.constant 1.000000e+00 : f32
      %mul3A_745 = vector.broadcast %mul3A_744 : f32 to vector<16xf32>
      %mul3A_746 = arith.mulf %get3A_743, %mul3A_745 : vector<16xf32>
      %swap3A_747 = arith.constant 0 : i32
      %swap3A_748 = arith.index_cast %swap3A_747 : i32 to index
      %swap3A_749 = arith.constant 0 : index
      %swap3A_750 = tpu.vector_load %arg8[%swap3A_748, %swap3A_749] {strides = array<i32>} : memref<128x32xf32, #tpu.memory_space<vmem>>, vector<16xf32>,
      tpu.vector_store %arg8[%swap3A_748, %swap3A_749], %mul3A_746 {strides = array<i32>} : memref<128x32xf32, #tpu.memory_space<vmem>>, vector<16xf32>,
      %add3A_751 = arith.addi %mul3A_2, %add3A_710 : i32
      %jit3A_752 = arith.constant 128 : i32
      %div3A_753 = arith.divsi %add3A_751, %jit3A_752 : i32
      %sign3A_754 = arith.constant 0 : i32
      %sign3A_755 = arith.cmpi sgt, %add3A_751, %sign3A_754 : i32
      %sign3A_756 = arith.extui %sign3A_755 : i1 to i32
      %sign3A_757 = arith.constant 0 : i32
      %sign3A_758 = arith.cmpi slt, %add3A_751, %sign3A_757 : i32
      %sign3A_759 = arith.extui %sign3A_758 : i1 to i32
      %sign3A_760 = arith.subi %sign3A_756, %sign3A_759 : i32
      %sign3A_761 = arith.constant 0 : i32
      %sign3A_762 = arith.cmpi sgt, %jit3A_752, %sign3A_761 : i32
      %sign3A_763 = arith.extui %sign3A_762 : i1 to i32
      %sign3A_764 = arith.constant 0 : i32
      %sign3A_765 = arith.cmpi slt, %jit3A_752, %sign3A_764 : i32
      %sign3A_766 = arith.extui %sign3A_765 : i1 to i32
      %sign3A_767 = arith.subi %sign3A_763, %sign3A_766 : i32
      %ne3A_768 = arith.cmpi ne, %sign3A_760, %sign3A_767 : i32
      %rem3A_769 = arith.remsi %add3A_751, %jit3A_752 : i32
      %ne3A_770 = arith.constant 0 : i32
      %ne3A_771 = arith.cmpi ne, %rem3A_769, %ne3A_770 : i32
      %and3A_772 = arith.andi %ne3A_768, %ne3A_771 : i1
      %sub3A_773 = arith.constant 1 : i32
      %sub3A_774 = arith.subi %div3A_753, %sub3A_773 : i32
      %select_n3A_775 = arith.select %and3A_772, %sub3A_774, %div3A_753 : i32
      %mul3A_776 = arith.constant 128 : i32
      %mul3A_777 = arith.muli %select_n3A_775, %mul3A_776 : i32
      %sub3A_778 = arith.subi %add3A_751, %mul3A_777 : i32
      %mul3A_779 = arith.constant 512 : i32
      %mul3A_780 = arith.muli %select_n3A_775, %mul3A_779 : i32
      %add3A_781 = arith.addi %mul3A_780, %sub3A_778 : i32
      %add3A_782 = arith.constant 0 : i32
      %add3A_783 = arith.addi %add3A_781, %add3A_782 : i32
      %dma_start3A_784 = arith.constant 0 : i32
      %dma_start3A_785 = arith.constant 0 : i32
      %dma_start3A_786 = arith.constant 0 : i32
      %dma_start3A_787 = tpu.memref_slice %arg12[%dma_start3A_784, %dma_start3A_785, %dma_start3A_786] : memref<4x8x129xf32, #tpu.memory_space<vmem>> -> memref<1x8x128xf32, #tpu.memory_space<vmem>>
      %dma_start3A_788 = tpu.memref_squeeze %dma_start3A_787 : memref<1x8x128xf32, #tpu.memory_space<vmem>> -> memref<8x128xf32, #tpu.memory_space<vmem>>
      %dma_start3A_789 = arith.constant 0 : i32
      %dma_start3A_790 = arith.constant 0 : i32
      %dma_start3A_791 = tpu.memref_slice %arg4[%add3A_783, %dma_start3A_789, %dma_start3A_790] : memref<25600x8x128xf32, #tpu.memory_space<hbm>> -> memref<1x8x128xf32, #tpu.memory_space<hbm>>
      %dma_start3A_792 = tpu.memref_squeeze %dma_start3A_791 : memref<1x8x128xf32, #tpu.memory_space<hbm>> -> memref<8x128xf32, #tpu.memory_space<hbm>>
      %dma_start3A_793 = arith.constant 0 : i32
      %dma_start3A_794 = arith.constant 0 : i32
      %dma_start3A_795 = tpu.memref_slice %arg4[%add3A_783, %dma_start3A_793, %dma_start3A_794] : memref<25600x8x128xf32, #tpu.memory_space<hbm>> -> memref<1x8x128xf32, #tpu.memory_space<hbm>>
      %dma_start3A_796 = tpu.memref_squeeze %dma_start3A_795 : memref<1x8x128xf32, #tpu.memory_space<hbm>> -> memref<8x128xf32, #tpu.memory_space<hbm>>
      %dma_start3A_797 = arith.constant 0 : i32
      %dma_start3A_798 = arith.constant 0 : i32
      %dma_start3A_799 = tpu.memref_slice %arg12[%dma_start3A_784, %dma_start3A_797, %dma_start3A_798] : memref<4x8x129xf32, #tpu.memory_space<vmem>> -> memref<1x8x128xf32, #tpu.memory_space<vmem>>
      %dma_start3A_800 = tpu.memref_squeeze %dma_start3A_799 : memref<1x8x128xf32, #tpu.memory_space<vmem>> -> memref<8x128xf32, #tpu.memory_space<vmem>>
      tpu.enqueue_dma source(%dma_start3A_800 : memref<8x128xf32, #tpu.memory_space<vmem>>) target(%dma_start3A_796 : memref<8x128xf32, #tpu.memory_space<hbm>>) target_semaphore(%arg20 : memref<!tpu.dma_semaphore, #tpu.memory_space<semaphore_mem>>)
      %add3A_801 = arith.constant 128 : i32
      %add3A_802 = arith.addi %add3A_781, %add3A_801 : i32
      %dma_start3A_803 = arith.constant 1 : i32
      %dma_start3A_804 = arith.constant 0 : i32
      %dma_start3A_805 = arith.constant 0 : i32
      %dma_start3A_806 = tpu.memref_slice %arg12[%dma_start3A_803, %dma_start3A_804, %dma_start3A_805] : memref<4x8x129xf32, #tpu.memory_space<vmem>> -> memref<1x8x128xf32, #tpu.memory_space<vmem>>
      %dma_start3A_807 = tpu.memref_squeeze %dma_start3A_806 : memref<1x8x128xf32, #tpu.memory_space<vmem>> -> memref<8x128xf32, #tpu.memory_space<vmem>>
      %dma_start3A_808 = arith.constant 0 : i32
      %dma_start3A_809 = arith.constant 0 : i32
      %dma_start3A_810 = tpu.memref_slice %arg4[%add3A_802, %dma_start3A_808, %dma_start3A_809] : memref<25600x8x128xf32, #tpu.memory_space<hbm>> -> memref<1x8x128xf32, #tpu.memory_space<hbm>>
      %dma_start3A_811 = tpu.memref_squeeze %dma_start3A_810 : memref<1x8x128xf32, #tpu.memory_space<hbm>> -> memref<8x128xf32, #tpu.memory_space<hbm>>
      %dma_start3A_812 = arith.constant 0 : i32
      %dma_start3A_813 = arith.constant 0 : i32
      %dma_start3A_814 = tpu.memref_slice %arg4[%add3A_802, %dma_start3A_812, %dma_start3A_813] : memref<25600x8x128xf32, #tpu.memory_space<hbm>> -> memref<1x8x128xf32, #tpu.memory_space<hbm>>
      %dma_start3A_815 = tpu.memref_squeeze %dma_start3A_814 : memref<1x8x128xf32, #tpu.memory_space<hbm>> -> memref<8x128xf32, #tpu.memory_space<hbm>>
      %dma_start3A_816 = arith.constant 0 : i32
      %dma_start3A_817 = arith.constant 0 : i32
      %dma_start3A_818 = tpu.memref_slice %arg12[%dma_start3A_803, %dma_start3A_816, %dma_start3A_817] : memref<4x8x129xf32, #tpu.memory_space<vmem>> -> memref<1x8x128xf32, #tpu.memory_space<vmem>>
      %dma_start3A_819 = tpu.memref_squeeze %dma_start3A_818 : memref<1x8x128xf32, #tpu.memory_space<vmem>> -> memref<8x128xf32, #tpu.memory_space<vmem>>
      tpu.enqueue_dma source(%dma_start3A_819 : memref<8x128xf32, #tpu.memory_space<vmem>>) target(%dma_start3A_815 : memref<8x128xf32, #tpu.memory_space<hbm>>) target_semaphore(%arg20 : memref<!tpu.dma_semaphore, #tpu.memory_space<semaphore_mem>>)
      %add3A_820 = arith.constant 256 : i32
      %add3A_821 = arith.addi %add3A_781, %add3A_820 : i32
      %dma_start3A_822 = arith.constant 2 : i32
      %dma_start3A_823 = arith.constant 0 : i32
      %dma_start3A_824 = arith.constant 0 : i32
      %dma_start3A_825 = tpu.memref_slice %arg12[%dma_start3A_822, %dma_start3A_823, %dma_start3A_824] : memref<4x8x129xf32, #tpu.memory_space<vmem>> -> memref<1x8x128xf32, #tpu.memory_space<vmem>>
      %dma_start3A_826 = tpu.memref_squeeze %dma_start3A_825 : memref<1x8x128xf32, #tpu.memory_space<vmem>> -> memref<8x128xf32, #tpu.memory_space<vmem>>
      %dma_start3A_827 = arith.constant 0 : i32
      %dma_start3A_828 = arith.constant 0 : i32
      %dma_start3A_829 = tpu.memref_slice %arg4[%add3A_821, %dma_start3A_827, %dma_start3A_828] : memref<25600x8x128xf32, #tpu.memory_space<hbm>> -> memref<1x8x128xf32, #tpu.memory_space<hbm>>
      %dma_start3A_830 = tpu.memref_squeeze %dma_start3A_829 : memref<1x8x128xf32, #tpu.memory_space<hbm>> -> memref<8x128xf32, #tpu.memory_space<hbm>>
      %dma_start3A_831 = arith.constant 0 : i32
      %dma_start3A_832 = arith.constant 0 : i32
      %dma_start3A_833 = tpu.memref_slice %arg4[%add3A_821, %dma_start3A_831, %dma_start3A_832] : memref<25600x8x128xf32, #tpu.memory_space<hbm>> -> memref<1x8x128xf32, #tpu.memory_space<hbm>>
      %dma_start3A_834 = tpu.memref_squeeze %dma_start3A_833 : memref<1x8x128xf32, #tpu.memory_space<hbm>> -> memref<8x128xf32, #tpu.memory_space<hbm>>
      %dma_start3A_835 = arith.constant 0 : i32
      %dma_start3A_836 = arith.constant 0 : i32
      %dma_start3A_837 = tpu.memref_slice %arg12[%dma_start3A_822, %dma_start3A_835, %dma_start3A_836] : memref<4x8x129xf32, #tpu.memory_space<vmem>> -> memref<1x8x128xf32, #tpu.memory_space<vmem>>
      %dma_start3A_838 = tpu.memref_squeeze %dma_start3A_837 : memref<1x8x128xf32, #tpu.memory_space<vmem>> -> memref<8x128xf32, #tpu.memory_space<vmem>>
      tpu.enqueue_dma source(%dma_start3A_838 : memref<8x128xf32, #tpu.memory_space<vmem>>) target(%dma_start3A_834 : memref<8x128xf32, #tpu.memory_space<hbm>>) target_semaphore(%arg20 : memref<!tpu.dma_semaphore, #tpu.memory_space<semaphore_mem>>)
      %add3A_839 = arith.constant 384 : i32
      %add3A_840 = arith.addi %add3A_781, %add3A_839 : i32
      %dma_start3A_841 = arith.constant 3 : i32
      %dma_start3A_842 = arith.constant 0 : i32
      %dma_start3A_843 = arith.constant 0 : i32
      %dma_start3A_844 = tpu.memref_slice %arg12[%dma_start3A_841, %dma_start3A_842, %dma_start3A_843] : memref<4x8x129xf32, #tpu.memory_space<vmem>> -> memref<1x8x128xf32, #tpu.memory_space<vmem>>
      %dma_start3A_845 = tpu.memref_squeeze %dma_start3A_844 : memref<1x8x128xf32, #tpu.memory_space<vmem>> -> memref<8x128xf32, #tpu.memory_space<vmem>>
      %dma_start3A_846 = arith.constant 0 : i32
      %dma_start3A_847 = arith.constant 0 : i32
      %dma_start3A_848 = tpu.memref_slice %arg4[%add3A_840, %dma_start3A_846, %dma_start3A_847] : memref<25600x8x128xf32, #tpu.memory_space<hbm>> -> memref<1x8x128xf32, #tpu.memory_space<hbm>>
      %dma_start3A_849 = tpu.memref_squeeze %dma_start3A_848 : memref<1x8x128xf32, #tpu.memory_space<hbm>> -> memref<8x128xf32, #tpu.memory_space<hbm>>
      %dma_start3A_850 = arith.constant 0 : i32
      %dma_start3A_851 = arith.constant 0 : i32
      %dma_start3A_852 = tpu.memref_slice %arg4[%add3A_840, %dma_start3A_850, %dma_start3A_851] : memref<25600x8x128xf32, #tpu.memory_space<hbm>> -> memref<1x8x128xf32, #tpu.memory_space<hbm>>
      %dma_start3A_853 = tpu.memref_squeeze %dma_start3A_852 : memref<1x8x128xf32, #tpu.memory_space<hbm>> -> memref<8x128xf32, #tpu.memory_space<hbm>>
      %dma_start3A_854 = arith.constant 0 : i32
      %dma_start3A_855 = arith.constant 0 : i32
      %dma_start3A_856 = tpu.memref_slice %arg12[%dma_start3A_841, %dma_start3A_854, %dma_start3A_855] : memref<4x8x129xf32, #tpu.memory_space<vmem>> -> memref<1x8x128xf32, #tpu.memory_space<vmem>>
      %dma_start3A_857 = tpu.memref_squeeze %dma_start3A_856 : memref<1x8x128xf32, #tpu.memory_space<vmem>> -> memref<8x128xf32, #tpu.memory_space<vmem>>
      tpu.enqueue_dma source(%dma_start3A_857 : memref<8x128xf32, #tpu.memory_space<vmem>>) target(%dma_start3A_853 : memref<8x128xf32, #tpu.memory_space<hbm>>) target_semaphore(%arg20 : memref<!tpu.dma_semaphore, #tpu.memory_space<semaphore_mem>>)
      %add3A_858 = arith.constant 4 : i32
      %add3A_859 = arith.addi %add3A_710, %add3A_858 : i32
      %sub3A_860 = arith.constant 1 : i32
      %sub3A_861 = arith.subi %add3A_859, %sub3A_860 : i32
      %lt3A_862 = arith.constant 200 : i32
      %lt3A_863 = arith.cmpi slt, %sub3A_861, %lt3A_862 : i32
      %convert_element_type3A_864 = arith.extui %lt3A_863 : i1 to i32
      %cond3A_865 = arith.constant 0 : i32
      %cond3A_866 = arith.cmpi ne, %convert_element_type3A_864, %cond3A_865 : i32
      scf.if %cond3A_866 {
        %add3A_1025 = arith.constant 4 : i32
        %add3A_1026 = arith.addi %add3A_710, %add3A_1025 : i32
        %sub3A_1027 = arith.constant 1 : i32
        %sub3A_1028 = arith.subi %add3A_1026, %sub3A_1027 : i32
        %dma_start3A_1029 = arith.constant 0 : i32
        %dma_start3A_1030 = tpu.memref_slice %arg5[%sub3A_1028, %dma_start3A_1029] : memref<200x128xi32, #tpu.memory_space<vmem>> -> memref<1x128xi32, #tpu.memory_space<vmem>>
        %dma_start3A_1031 = tpu.memref_squeeze %dma_start3A_1030 : memref<1x128xi32, #tpu.memory_space<vmem>> -> memref<128xi32, #tpu.memory_space<vmem>>
        %dma_start3A_1032 = arith.constant 0 : i32
        %dma_start3A_1033 = arith.constant 0 : i32
        %dma_start3A_1034 = tpu.memref_slice %arg3[%dma_start3A_1032, %dma_start3A_1033] : memref<1000000x32xf32, #tpu.memory_space<hbm>> -> memref<1000000x32xf32, #tpu.memory_space<hbm>>
        tpu.enqueue_indirect_dma source(%dma_start3A_1034 : memref<1000000x32xf32, #tpu.memory_space<hbm>>) target(%arg7 : memref<128x32xf32, #tpu.memory_space<vmem>>) offsets(%dma_start3A_1031 : memref<128xi32, #tpu.memory_space<vmem>>) semaphore(%arg15 : memref<!tpu.dma_semaphore, #tpu.memory_space<semaphore_mem>>)
      } else {
      }
      %add3A_867 = arith.constant 3 : i32
      %add3A_868 = arith.addi %add3A_398, %add3A_867 : i32
      %dma_wait3A_869 = arith.constant 0 : i32
      %dma_wait3A_870 = tpu.memref_slice %arg5[%add3A_868, %dma_wait3A_869] : memref<200x128xi32, #tpu.memory_space<vmem>> -> memref<1x128xi32, #tpu.memory_space<vmem>>
      %dma_wait3A_871 = tpu.memref_squeeze %dma_wait3A_870 : memref<1x128xi32, #tpu.memory_space<vmem>> -> memref<128xi32, #tpu.memory_space<vmem>>
      %dma_wait3A_872 = arith.constant 0 : i32
      %dma_wait3A_873 = arith.constant 0 : i32
      %dma_wait3A_874 = tpu.memref_slice %arg3[%dma_wait3A_872, %dma_wait3A_873] : memref<1000000x32xf32, #tpu.memory_space<hbm>> -> memref<1000000x32xf32, #tpu.memory_space<hbm>>
      tpu.wait_indirect_dma semaphore(%arg17 : memref<!tpu.dma_semaphore, #tpu.memory_space<semaphore_mem>>) src(%dma_wait3A_874 : memref<1000000x32xf32, #tpu.memory_space<hbm>>) dst(%arg9 : memref<128x32xf32, #tpu.memory_space<vmem>>)
      %ge3A_875 = arith.constant 4 : i32
      %ge3A_876 = arith.cmpi sge, %add3A_868, %ge3A_875 : i32
      %convert_element_type3A_877 = arith.extui %ge3A_876 : i1 to i32
      %cond3A_878 = arith.constant 0 : i32
      %cond3A_879 = arith.cmpi ne, %convert_element_type3A_877, %cond3A_878 : i32
      scf.if %cond3A_879 {
        %dma_wait3A_1025 = arith.constant 0 : i32
        %dma_wait3A_1026 = arith.constant 0 : i32
        %dma_wait3A_1027 = arith.constant 0 : i32
        %dma_wait3A_1028 = arith.constant 0 : i32
        %dma_wait3A_1029 = tpu.memref_slice %arg13[%dma_wait3A_1025, %dma_wait3A_1027, %dma_wait3A_1028] : memref<4x8x129xf32, #tpu.memory_space<vmem>> -> memref<1x8x128xf32, #tpu.memory_space<vmem>>
        %dma_wait3A_1030 = tpu.memref_squeeze %dma_wait3A_1029 : memref<1x8x128xf32, #tpu.memory_space<vmem>> -> memref<8x128xf32, #tpu.memory_space<vmem>>
        %dma_wait3A_1031 = arith.constant 0 : i32
        %dma_wait3A_1032 = arith.constant 0 : i32
        %dma_wait3A_1033 = tpu.memref_slice %arg4[%dma_wait3A_1026, %dma_wait3A_1031, %dma_wait3A_1032] : memref<25600x8x128xf32, #tpu.memory_space<hbm>> -> memref<1x8x128xf32, #tpu.memory_space<hbm>>
        %dma_wait3A_1034 = tpu.memref_squeeze %dma_wait3A_1033 : memref<1x8x128xf32, #tpu.memory_space<hbm>> -> memref<8x128xf32, #tpu.memory_space<hbm>>
        %dma_wait3A_1035 = arith.constant 0 : i32
        %dma_wait3A_1036 = arith.constant 0 : i32
        %dma_wait3A_1037 = tpu.memref_slice %arg4[%dma_wait3A_1026, %dma_wait3A_1035, %dma_wait3A_1036] : memref<25600x8x128xf32, #tpu.memory_space<hbm>> -> memref<1x8x128xf32, #tpu.memory_space<hbm>>
        %dma_wait3A_1038 = tpu.memref_squeeze %dma_wait3A_1037 : memref<1x8x128xf32, #tpu.memory_space<hbm>> -> memref<8x128xf32, #tpu.memory_space<hbm>>
        %dma_wait3A_1039 = arith.constant 0 : i32
        %dma_wait3A_1040 = arith.constant 0 : i32
        %dma_wait3A_1041 = tpu.memref_slice %arg13[%dma_wait3A_1025, %dma_wait3A_1039, %dma_wait3A_1040] : memref<4x8x129xf32, #tpu.memory_space<vmem>> -> memref<1x8x128xf32, #tpu.memory_space<vmem>>
        %dma_wait3A_1042 = tpu.memref_squeeze %dma_wait3A_1041 : memref<1x8x128xf32, #tpu.memory_space<vmem>> -> memref<8x128xf32, #tpu.memory_space<vmem>>
        tpu.wait_dma2 semaphore(%arg21 : memref<!tpu.dma_semaphore, #tpu.memory_space<semaphore_mem>>) src(%dma_wait3A_1042 : memref<8x128xf32, #tpu.memory_space<vmem>>) dst(%dma_wait3A_1038 : memref<8x128xf32, #tpu.memory_space<hbm>>)
        %dma_wait3A_1043 = arith.constant 1 : i32
        %dma_wait3A_1044 = arith.constant 1 : i32
        %dma_wait3A_1045 = arith.constant 0 : i32
        %dma_wait3A_1046 = arith.constant 0 : i32
        %dma_wait3A_1047 = tpu.memref_slice %arg13[%dma_wait3A_1043, %dma_wait3A_1045, %dma_wait3A_1046] : memref<4x8x129xf32, #tpu.memory_space<vmem>> -> memref<1x8x128xf32, #tpu.memory_space<vmem>>
        %dma_wait3A_1048 = tpu.memref_squeeze %dma_wait3A_1047 : memref<1x8x128xf32, #tpu.memory_space<vmem>> -> memref<8x128xf32, #tpu.memory_space<vmem>>
        %dma_wait3A_1049 = arith.constant 0 : i32
        %dma_wait3A_1050 = arith.constant 0 : i32
        %dma_wait3A_1051 = tpu.memref_slice %arg4[%dma_wait3A_1044, %dma_wait3A_1049, %dma_wait3A_1050] : memref<25600x8x128xf32, #tpu.memory_space<hbm>> -> memref<1x8x128xf32, #tpu.memory_space<hbm>>
        %dma_wait3A_1052 = tpu.memref_squeeze %dma_wait3A_1051 : memref<1x8x128xf32, #tpu.memory_space<hbm>> -> memref<8x128xf32, #tpu.memory_space<hbm>>
        %dma_wait3A_1053 = arith.constant 0 : i32
        %dma_wait3A_1054 = arith.constant 0 : i32
        %dma_wait3A_1055 = tpu.memref_slice %arg4[%dma_wait3A_1044, %dma_wait3A_1053, %dma_wait3A_1054] : memref<25600x8x128xf32, #tpu.memory_space<hbm>> -> memref<1x8x128xf32, #tpu.memory_space<hbm>>
        %dma_wait3A_1056 = tpu.memref_squeeze %dma_wait3A_1055 : memref<1x8x128xf32, #tpu.memory_space<hbm>> -> memref<8x128xf32, #tpu.memory_space<hbm>>
        %dma_wait3A_1057 = arith.constant 0 : i32
        %dma_wait3A_1058 = arith.constant 0 : i32
        %dma_wait3A_1059 = tpu.memref_slice %arg13[%dma_wait3A_1043, %dma_wait3A_1057, %dma_wait3A_1058] : memref<4x8x129xf32, #tpu.memory_space<vmem>> -> memref<1x8x128xf32, #tpu.memory_space<vmem>>
        %dma_wait3A_1060 = tpu.memref_squeeze %dma_wait3A_1059 : memref<1x8x128xf32, #tpu.memory_space<vmem>> -> memref<8x128xf32, #tpu.memory_space<vmem>>
        tpu.wait_dma2 semaphore(%arg21 : memref<!tpu.dma_semaphore, #tpu.memory_space<semaphore_mem>>) src(%dma_wait3A_1060 : memref<8x128xf32, #tpu.memory_space<vmem>>) dst(%dma_wait3A_1056 : memref<8x128xf32, #tpu.memory_space<hbm>>)
        %dma_wait3A_1061 = arith.constant 2 : i32
        %dma_wait3A_1062 = arith.constant 2 : i32
        %dma_wait3A_1063 = arith.constant 0 : i32
        %dma_wait3A_1064 = arith.constant 0 : i32
        %dma_wait3A_1065 = tpu.memref_slice %arg13[%dma_wait3A_1061, %dma_wait3A_1063, %dma_wait3A_1064] : memref<4x8x129xf32, #tpu.memory_space<vmem>> -> memref<1x8x128xf32, #tpu.memory_space<vmem>>
        %dma_wait3A_1066 = tpu.memref_squeeze %dma_wait3A_1065 : memref<1x8x128xf32, #tpu.memory_space<vmem>> -> memref<8x128xf32, #tpu.memory_space<vmem>>
        %dma_wait3A_1067 = arith.constant 0 : i32
        %dma_wait3A_1068 = arith.constant 0 : i32
        %dma_wait3A_1069 = tpu.memref_slice %arg4[%dma_wait3A_1062, %dma_wait3A_1067, %dma_wait3A_1068] : memref<25600x8x128xf32, #tpu.memory_space<hbm>> -> memref<1x8x128xf32, #tpu.memory_space<hbm>>
        %dma_wait3A_1070 = tpu.memref_squeeze %dma_wait3A_1069 : memref<1x8x128xf32, #tpu.memory_space<hbm>> -> memref<8x128xf32, #tpu.memory_space<hbm>>
        %dma_wait3A_1071 = arith.constant 0 : i32
        %dma_wait3A_1072 = arith.constant 0 : i32
        %dma_wait3A_1073 = tpu.memref_slice %arg4[%dma_wait3A_1062, %dma_wait3A_1071, %dma_wait3A_1072] : memref<25600x8x128xf32, #tpu.memory_space<hbm>> -> memref<1x8x128xf32, #tpu.memory_space<hbm>>
        %dma_wait3A_1074 = tpu.memref_squeeze %dma_wait3A_1073 : memref<1x8x128xf32, #tpu.memory_space<hbm>> -> memref<8x128xf32, #tpu.memory_space<hbm>>
        %dma_wait3A_1075 = arith.constant 0 : i32
        %dma_wait3A_1076 = arith.constant 0 : i32
        %dma_wait3A_1077 = tpu.memref_slice %arg13[%dma_wait3A_1061, %dma_wait3A_1075, %dma_wait3A_1076] : memref<4x8x129xf32, #tpu.memory_space<vmem>> -> memref<1x8x128xf32, #tpu.memory_space<vmem>>
        %dma_wait3A_1078 = tpu.memref_squeeze %dma_wait3A_1077 : memref<1x8x128xf32, #tpu.memory_space<vmem>> -> memref<8x128xf32, #tpu.memory_space<vmem>>
        tpu.wait_dma2 semaphore(%arg21 : memref<!tpu.dma_semaphore, #tpu.memory_space<semaphore_mem>>) src(%dma_wait3A_1078 : memref<8x128xf32, #tpu.memory_space<vmem>>) dst(%dma_wait3A_1074 : memref<8x128xf32, #tpu.memory_space<hbm>>)
        %dma_wait3A_1079 = arith.constant 3 : i32
        %dma_wait3A_1080 = arith.constant 3 : i32
        %dma_wait3A_1081 = arith.constant 0 : i32
        %dma_wait3A_1082 = arith.constant 0 : i32
        %dma_wait3A_1083 = tpu.memref_slice %arg13[%dma_wait3A_1079, %dma_wait3A_1081, %dma_wait3A_1082] : memref<4x8x129xf32, #tpu.memory_space<vmem>> -> memref<1x8x128xf32, #tpu.memory_space<vmem>>
        %dma_wait3A_1084 = tpu.memref_squeeze %dma_wait3A_1083 : memref<1x8x128xf32, #tpu.memory_space<vmem>> -> memref<8x128xf32, #tpu.memory_space<vmem>>
        %dma_wait3A_1085 = arith.constant 0 : i32
        %dma_wait3A_1086 = arith.constant 0 : i32
        %dma_wait3A_1087 = tpu.memref_slice %arg4[%dma_wait3A_1080, %dma_wait3A_1085, %dma_wait3A_1086] : memref<25600x8x128xf32, #tpu.memory_space<hbm>> -> memref<1x8x128xf32, #tpu.memory_space<hbm>>
        %dma_wait3A_1088 = tpu.memref_squeeze %dma_wait3A_1087 : memref<1x8x128xf32, #tpu.memory_space<hbm>> -> memref<8x128xf32, #tpu.memory_space<hbm>>
        %dma_wait3A_1089 = arith.constant 0 : i32
        %dma_wait3A_1090 = arith.constant 0 : i32
        %dma_wait3A_1091 = tpu.memref_slice %arg4[%dma_wait3A_1080, %dma_wait3A_1089, %dma_wait3A_1090] : memref<25600x8x128xf32, #tpu.memory_space<hbm>> -> memref<1x8x128xf32, #tpu.memory_space<hbm>>
        %dma_wait3A_1092 = tpu.memref_squeeze %dma_wait3A_1091 : memref<1x8x128xf32, #tpu.memory_space<hbm>> -> memref<8x128xf32, #tpu.memory_space<hbm>>
        %dma_wait3A_1093 = arith.constant 0 : i32
        %dma_wait3A_1094 = arith.constant 0 : i32
        %dma_wait3A_1095 = tpu.memref_slice %arg13[%dma_wait3A_1079, %dma_wait3A_1093, %dma_wait3A_1094] : memref<4x8x129xf32, #tpu.memory_space<vmem>> -> memref<1x8x128xf32, #tpu.memory_space<vmem>>
        %dma_wait3A_1096 = tpu.memref_squeeze %dma_wait3A_1095 : memref<1x8x128xf32, #tpu.memory_space<vmem>> -> memref<8x128xf32, #tpu.memory_space<vmem>>
        tpu.wait_dma2 semaphore(%arg21 : memref<!tpu.dma_semaphore, #tpu.memory_space<semaphore_mem>>) src(%dma_wait3A_1096 : memref<8x128xf32, #tpu.memory_space<vmem>>) dst(%dma_wait3A_1092 : memref<8x128xf32, #tpu.memory_space<hbm>>)
      } else {
      }
      %parallel_loop3A_880 = arith.constant 0 : i32
      %parallel_loop3A_881 = arith.constant 128 : i32
      %parallel_loop3A_882 = arith.constant 1 : i32
      scf.for %parallel_loop3A_1025 = %parallel_loop3A_880 to %parallel_loop3A_881 step %parallel_loop3A_882  : i32 {
        %parallel_loop3A_1026 = arith.constant 0 : i32
        %parallel_loop3A_1027 = vector.broadcast %parallel_loop3A_1026 : i32 to vector<16xi32>
        %parallel_loop3A_1028 = vector.broadcast %parallel_loop3A_1025 : i32 to vector<16xi32>
        %parallel_loop3A_1029 = arith.addi %parallel_loop3A_1027, %parallel_loop3A_1028 : vector<16xi32>
        %parallel_loop3A_1030 = arith.index_cast %parallel_loop3A_1025 : i32 to index
        %parallel_loop3A_1031 = arith.constant 0 : index
        %parallel_loop3A_1032 = tpu.vector_load %arg9[%parallel_loop3A_1030, %parallel_loop3A_1031] {strides = array<i32>} : memref<128x32xf32, #tpu.memory_space<vmem>>, vector<16xf32>,
        tpu.vector_store_idx %arg13[%select_n3A, %select_n3A_82, %parallel_loop3A_1029], %parallel_loop3A_1032 : memref<4x8x129xf32, #tpu.memory_space<vmem>>[vector<16xi32>, vector<16xi32>, vector<16xi32>], vector<16xf32>,
        %parallel_loop3A_1033 = arith.index_cast %parallel_loop3A_1025 : i32 to index
        %parallel_loop3A_1034 = arith.constant 16 : index
        %parallel_loop3A_1035 = tpu.vector_load %arg9[%parallel_loop3A_1033, %parallel_loop3A_1034] {strides = array<i32>} : memref<128x32xf32, #tpu.memory_space<vmem>>, vector<16xf32>,
        tpu.vector_store_idx %arg13[%select_n3A_62, %select_n3A_82, %parallel_loop3A_1029], %parallel_loop3A_1035 : memref<4x8x129xf32, #tpu.memory_space<vmem>>[vector<16xi32>, vector<16xi32>, vector<16xi32>], vector<16xf32>,
      } {sc.loop_unroll_factor = 4 : i64, sc.parallel_access}
      %get3A_883 = arith.constant 0 : i32
      %get3A_884 = arith.constant 0 : i32
      %get3A_885 = arith.index_cast %get3A_883 : i32 to index
      %get3A_886 = arith.index_cast %get3A_884 : i32 to index
      %get3A_887 = arith.constant 0 : index
      %get3A_888 = tpu.vector_load %arg13[%get3A_885, %get3A_886, %get3A_887] {strides = array<i32>} : memref<4x8x129xf32, #tpu.memory_space<vmem>>, vector<16xf32>,
      %mul3A_889 = arith.constant 1.000000e+00 : f32
      %mul3A_890 = vector.broadcast %mul3A_889 : f32 to vector<16xf32>
      %mul3A_891 = arith.mulf %get3A_888, %mul3A_890 : vector<16xf32>
      %swap3A_892 = arith.constant 0 : i32
      %swap3A_893 = arith.constant 0 : i32
      %swap3A_894 = arith.index_cast %swap3A_892 : i32 to index
      %swap3A_895 = arith.index_cast %swap3A_893 : i32 to index
      %swap3A_896 = arith.constant 0 : index
      %swap3A_897 = tpu.vector_load %arg13[%swap3A_894, %swap3A_895, %swap3A_896] {strides = array<i32>} : memref<4x8x129xf32, #tpu.memory_space<vmem>>, vector<16xf32>,
      tpu.vector_store %arg13[%swap3A_894, %swap3A_895, %swap3A_896], %mul3A_891 {strides = array<i32>} : memref<4x8x129xf32, #tpu.memory_space<vmem>>, vector<16xf32>,
      %get3A_898 = arith.constant 0 : i32
      %get3A_899 = arith.index_cast %get3A_898 : i32 to index
      %get3A_900 = arith.constant 0 : index
      %get3A_901 = tpu.vector_load %arg9[%get3A_899, %get3A_900] {strides = array<i32>} : memref<128x32xf32, #tpu.memory_space<vmem>>, vector<16xf32>,
      %mul3A_902 = arith.constant 1.000000e+00 : f32
      %mul3A_903 = vector.broadcast %mul3A_902 : f32 to vector<16xf32>
      %mul3A_904 = arith.mulf %get3A_901, %mul3A_903 : vector<16xf32>
      %swap3A_905 = arith.constant 0 : i32
      %swap3A_906 = arith.index_cast %swap3A_905 : i32 to index
      %swap3A_907 = arith.constant 0 : index
      %swap3A_908 = tpu.vector_load %arg9[%swap3A_906, %swap3A_907] {strides = array<i32>} : memref<128x32xf32, #tpu.memory_space<vmem>>, vector<16xf32>,
      tpu.vector_store %arg9[%swap3A_906, %swap3A_907], %mul3A_904 {strides = array<i32>} : memref<128x32xf32, #tpu.memory_space<vmem>>, vector<16xf32>,
      %add3A_909 = arith.addi %mul3A_2, %add3A_868 : i32
      %jit3A_910 = arith.constant 128 : i32
      %div3A_911 = arith.divsi %add3A_909, %jit3A_910 : i32
      %sign3A_912 = arith.constant 0 : i32
      %sign3A_913 = arith.cmpi sgt, %add3A_909, %sign3A_912 : i32
      %sign3A_914 = arith.extui %sign3A_913 : i1 to i32
      %sign3A_915 = arith.constant 0 : i32
      %sign3A_916 = arith.cmpi slt, %add3A_909, %sign3A_915 : i32
      %sign3A_917 = arith.extui %sign3A_916 : i1 to i32
      %sign3A_918 = arith.subi %sign3A_914, %sign3A_917 : i32
      %sign3A_919 = arith.constant 0 : i32
      %sign3A_920 = arith.cmpi sgt, %jit3A_910, %sign3A_919 : i32
      %sign3A_921 = arith.extui %sign3A_920 : i1 to i32
      %sign3A_922 = arith.constant 0 : i32
      %sign3A_923 = arith.cmpi slt, %jit3A_910, %sign3A_922 : i32
      %sign3A_924 = arith.extui %sign3A_923 : i1 to i32
      %sign3A_925 = arith.subi %sign3A_921, %sign3A_924 : i32
      %ne3A_926 = arith.cmpi ne, %sign3A_918, %sign3A_925 : i32
      %rem3A_927 = arith.remsi %add3A_909, %jit3A_910 : i32
      %ne3A_928 = arith.constant 0 : i32
      %ne3A_929 = arith.cmpi ne, %rem3A_927, %ne3A_928 : i32
      %and3A_930 = arith.andi %ne3A_926, %ne3A_929 : i1
      %sub3A_931 = arith.constant 1 : i32
      %sub3A_932 = arith.subi %div3A_911, %sub3A_931 : i32
      %select_n3A_933 = arith.select %and3A_930, %sub3A_932, %div3A_911 : i32
      %mul3A_934 = arith.constant 128 : i32
      %mul3A_935 = arith.muli %select_n3A_933, %mul3A_934 : i32
      %sub3A_936 = arith.subi %add3A_909, %mul3A_935 : i32
      %mul3A_937 = arith.constant 512 : i32
      %mul3A_938 = arith.muli %select_n3A_933, %mul3A_937 : i32
      %add3A_939 = arith.addi %mul3A_938, %sub3A_936 : i32
      %add3A_940 = arith.constant 0 : i32
      %add3A_941 = arith.addi %add3A_939, %add3A_940 : i32
      %dma_start3A_942 = arith.constant 0 : i32
      %dma_start3A_943 = arith.constant 0 : i32
      %dma_start3A_944 = arith.constant 0 : i32
      %dma_start3A_945 = tpu.memref_slice %arg13[%dma_start3A_942, %dma_start3A_943, %dma_start3A_944] : memref<4x8x129xf32, #tpu.memory_space<vmem>> -> memref<1x8x128xf32, #tpu.memory_space<vmem>>
      %dma_start3A_946 = tpu.memref_squeeze %dma_start3A_945 : memref<1x8x128xf32, #tpu.memory_space<vmem>> -> memref<8x128xf32, #tpu.memory_space<vmem>>
      %dma_start3A_947 = arith.constant 0 : i32
      %dma_start3A_948 = arith.constant 0 : i32
      %dma_start3A_949 = tpu.memref_slice %arg4[%add3A_941, %dma_start3A_947, %dma_start3A_948] : memref<25600x8x128xf32, #tpu.memory_space<hbm>> -> memref<1x8x128xf32, #tpu.memory_space<hbm>>
      %dma_start3A_950 = tpu.memref_squeeze %dma_start3A_949 : memref<1x8x128xf32, #tpu.memory_space<hbm>> -> memref<8x128xf32, #tpu.memory_space<hbm>>
      %dma_start3A_951 = arith.constant 0 : i32
      %dma_start3A_952 = arith.constant 0 : i32
      %dma_start3A_953 = tpu.memref_slice %arg4[%add3A_941, %dma_start3A_951, %dma_start3A_952] : memref<25600x8x128xf32, #tpu.memory_space<hbm>> -> memref<1x8x128xf32, #tpu.memory_space<hbm>>
      %dma_start3A_954 = tpu.memref_squeeze %dma_start3A_953 : memref<1x8x128xf32, #tpu.memory_space<hbm>> -> memref<8x128xf32, #tpu.memory_space<hbm>>
      %dma_start3A_955 = arith.constant 0 : i32
      %dma_start3A_956 = arith.constant 0 : i32
      %dma_start3A_957 = tpu.memref_slice %arg13[%dma_start3A_942, %dma_start3A_955, %dma_start3A_956] : memref<4x8x129xf32, #tpu.memory_space<vmem>> -> memref<1x8x128xf32, #tpu.memory_space<vmem>>
      %dma_start3A_958 = tpu.memref_squeeze %dma_start3A_957 : memref<1x8x128xf32, #tpu.memory_space<vmem>> -> memref<8x128xf32, #tpu.memory_space<vmem>>
      tpu.enqueue_dma source(%dma_start3A_958 : memref<8x128xf32, #tpu.memory_space<vmem>>) target(%dma_start3A_954 : memref<8x128xf32, #tpu.memory_space<hbm>>) target_semaphore(%arg21 : memref<!tpu.dma_semaphore, #tpu.memory_space<semaphore_mem>>)
      %add3A_959 = arith.constant 128 : i32
      %add3A_960 = arith.addi %add3A_939, %add3A_959 : i32
      %dma_start3A_961 = arith.constant 1 : i32
      %dma_start3A_962 = arith.constant 0 : i32
      %dma_start3A_963 = arith.constant 0 : i32
      %dma_start3A_964 = tpu.memref_slice %arg13[%dma_start3A_961, %dma_start3A_962, %dma_start3A_963] : memref<4x8x129xf32, #tpu.memory_space<vmem>> -> memref<1x8x128xf32, #tpu.memory_space<vmem>>
      %dma_start3A_965 = tpu.memref_squeeze %dma_start3A_964 : memref<1x8x128xf32, #tpu.memory_space<vmem>> -> memref<8x128xf32, #tpu.memory_space<vmem>>
      %dma_start3A_966 = arith.constant 0 : i32
      %dma_start3A_967 = arith.constant 0 : i32
      %dma_start3A_968 = tpu.memref_slice %arg4[%add3A_960, %dma_start3A_966, %dma_start3A_967] : memref<25600x8x128xf32, #tpu.memory_space<hbm>> -> memref<1x8x128xf32, #tpu.memory_space<hbm>>
      %dma_start3A_969 = tpu.memref_squeeze %dma_start3A_968 : memref<1x8x128xf32, #tpu.memory_space<hbm>> -> memref<8x128xf32, #tpu.memory_space<hbm>>
      %dma_start3A_970 = arith.constant 0 : i32
      %dma_start3A_971 = arith.constant 0 : i32
      %dma_start3A_972 = tpu.memref_slice %arg4[%add3A_960, %dma_start3A_970, %dma_start3A_971] : memref<25600x8x128xf32, #tpu.memory_space<hbm>> -> memref<1x8x128xf32, #tpu.memory_space<hbm>>
      %dma_start3A_973 = tpu.memref_squeeze %dma_start3A_972 : memref<1x8x128xf32, #tpu.memory_space<hbm>> -> memref<8x128xf32, #tpu.memory_space<hbm>>
      %dma_start3A_974 = arith.constant 0 : i32
      %dma_start3A_975 = arith.constant 0 : i32
      %dma_start3A_976 = tpu.memref_slice %arg13[%dma_start3A_961, %dma_start3A_974, %dma_start3A_975] : memref<4x8x129xf32, #tpu.memory_space<vmem>> -> memref<1x8x128xf32, #tpu.memory_space<vmem>>
      %dma_start3A_977 = tpu.memref_squeeze %dma_start3A_976 : memref<1x8x128xf32, #tpu.memory_space<vmem>> -> memref<8x128xf32, #tpu.memory_space<vmem>>
      tpu.enqueue_dma source(%dma_start3A_977 : memref<8x128xf32, #tpu.memory_space<vmem>>) target(%dma_start3A_973 : memref<8x128xf32, #tpu.memory_space<hbm>>) target_semaphore(%arg21 : memref<!tpu.dma_semaphore, #tpu.memory_space<semaphore_mem>>)
      %add3A_978 = arith.constant 256 : i32
      %add3A_979 = arith.addi %add3A_939, %add3A_978 : i32
      %dma_start3A_980 = arith.constant 2 : i32
      %dma_start3A_981 = arith.constant 0 : i32
      %dma_start3A_982 = arith.constant 0 : i32
      %dma_start3A_983 = tpu.memref_slice %arg13[%dma_start3A_980, %dma_start3A_981, %dma_start3A_982] : memref<4x8x129xf32, #tpu.memory_space<vmem>> -> memref<1x8x128xf32, #tpu.memory_space<vmem>>
      %dma_start3A_984 = tpu.memref_squeeze %dma_start3A_983 : memref<1x8x128xf32, #tpu.memory_space<vmem>> -> memref<8x128xf32, #tpu.memory_space<vmem>>
      %dma_start3A_985 = arith.constant 0 : i32
      %dma_start3A_986 = arith.constant 0 : i32
      %dma_start3A_987 = tpu.memref_slice %arg4[%add3A_979, %dma_start3A_985, %dma_start3A_986] : memref<25600x8x128xf32, #tpu.memory_space<hbm>> -> memref<1x8x128xf32, #tpu.memory_space<hbm>>
      %dma_start3A_988 = tpu.memref_squeeze %dma_start3A_987 : memref<1x8x128xf32, #tpu.memory_space<hbm>> -> memref<8x128xf32, #tpu.memory_space<hbm>>
      %dma_start3A_989 = arith.constant 0 : i32
      %dma_start3A_990 = arith.constant 0 : i32
      %dma_start3A_991 = tpu.memref_slice %arg4[%add3A_979, %dma_start3A_989, %dma_start3A_990] : memref<25600x8x128xf32, #tpu.memory_space<hbm>> -> memref<1x8x128xf32, #tpu.memory_space<hbm>>
      %dma_start3A_992 = tpu.memref_squeeze %dma_start3A_991 : memref<1x8x128xf32, #tpu.memory_space<hbm>> -> memref<8x128xf32, #tpu.memory_space<hbm>>
      %dma_start3A_993 = arith.constant 0 : i32
      %dma_start3A_994 = arith.constant 0 : i32
      %dma_start3A_995 = tpu.memref_slice %arg13[%dma_start3A_980, %dma_start3A_993, %dma_start3A_994] : memref<4x8x129xf32, #tpu.memory_space<vmem>> -> memref<1x8x128xf32, #tpu.memory_space<vmem>>
      %dma_start3A_996 = tpu.memref_squeeze %dma_start3A_995 : memref<1x8x128xf32, #tpu.memory_space<vmem>> -> memref<8x128xf32, #tpu.memory_space<vmem>>
      tpu.enqueue_dma source(%dma_start3A_996 : memref<8x128xf32, #tpu.memory_space<vmem>>) target(%dma_start3A_992 : memref<8x128xf32, #tpu.memory_space<hbm>>) target_semaphore(%arg21 : memref<!tpu.dma_semaphore, #tpu.memory_space<semaphore_mem>>)
      %add3A_997 = arith.constant 384 : i32
      %add3A_998 = arith.addi %add3A_939, %add3A_997 : i32
      %dma_start3A_999 = arith.constant 3 : i32
      %dma_start3A_1000 = arith.constant 0 : i32
      %dma_start3A_1001 = arith.constant 0 : i32
      %dma_start3A_1002 = tpu.memref_slice %arg13[%dma_start3A_999, %dma_start3A_1000, %dma_start3A_1001] : memref<4x8x129xf32, #tpu.memory_space<vmem>> -> memref<1x8x128xf32, #tpu.memory_space<vmem>>
      %dma_start3A_1003 = tpu.memref_squeeze %dma_start3A_1002 : memref<1x8x128xf32, #tpu.memory_space<vmem>> -> memref<8x128xf32, #tpu.memory_space<vmem>>
      %dma_start3A_1004 = arith.constant 0 : i32
      %dma_start3A_1005 = arith.constant 0 : i32
      %dma_start3A_1006 = tpu.memref_slice %arg4[%add3A_998, %dma_start3A_1004, %dma_start3A_1005] : memref<25600x8x128xf32, #tpu.memory_space<hbm>> -> memref<1x8x128xf32, #tpu.memory_space<hbm>>
      %dma_start3A_1007 = tpu.memref_squeeze %dma_start3A_1006 : memref<1x8x128xf32, #tpu.memory_space<hbm>> -> memref<8x128xf32, #tpu.memory_space<hbm>>
      %dma_start3A_1008 = arith.constant 0 : i32
      %dma_start3A_1009 = arith.constant 0 : i32
      %dma_start3A_1010 = tpu.memref_slice %arg4[%add3A_998, %dma_start3A_1008, %dma_start3A_1009] : memref<25600x8x128xf32, #tpu.memory_space<hbm>> -> memref<1x8x128xf32, #tpu.memory_space<hbm>>
      %dma_start3A_1011 = tpu.memref_squeeze %dma_start3A_1010 : memref<1x8x128xf32, #tpu.memory_space<hbm>> -> memref<8x128xf32, #tpu.memory_space<hbm>>
      %dma_start3A_1012 = arith.constant 0 : i32
      %dma_start3A_1013 = arith.constant 0 : i32
      %dma_start3A_1014 = tpu.memref_slice %arg13[%dma_start3A_999, %dma_start3A_1012, %dma_start3A_1013] : memref<4x8x129xf32, #tpu.memory_space<vmem>> -> memref<1x8x128xf32, #tpu.memory_space<vmem>>
      %dma_start3A_1015 = tpu.memref_squeeze %dma_start3A_1014 : memref<1x8x128xf32, #tpu.memory_space<vmem>> -> memref<8x128xf32, #tpu.memory_space<vmem>>
      tpu.enqueue_dma source(%dma_start3A_1015 : memref<8x128xf32, #tpu.memory_space<vmem>>) target(%dma_start3A_1011 : memref<8x128xf32, #tpu.memory_space<hbm>>) target_semaphore(%arg21 : memref<!tpu.dma_semaphore, #tpu.memory_space<semaphore_mem>>)
      %add3A_1016 = arith.constant 4 : i32
      %add3A_1017 = arith.addi %add3A_868, %add3A_1016 : i32
      %sub3A_1018 = arith.constant 1 : i32
      %sub3A_1019 = arith.subi %add3A_1017, %sub3A_1018 : i32
      %lt3A_1020 = arith.constant 200 : i32
      %lt3A_1021 = arith.cmpi slt, %sub3A_1019, %lt3A_1020 : i32
      %convert_element_type3A_1022 = arith.extui %lt3A_1021 : i1 to i32
      %cond3A_1023 = arith.constant 0 : i32
      %cond3A_1024 = arith.cmpi ne, %convert_element_type3A_1022, %cond3A_1023 : i32
      scf.if %cond3A_1024 {
        %add3A_1025 = arith.constant 4 : i32
        %add3A_1026 = arith.addi %add3A_868, %add3A_1025 : i32
        %sub3A_1027 = arith.constant 1 : i32
        %sub3A_1028 = arith.subi %add3A_1026, %sub3A_1027 : i32
        %dma_start3A_1029 = arith.constant 0 : i32
        %dma_start3A_1030 = tpu.memref_slice %arg5[%sub3A_1028, %dma_start3A_1029] : memref<200x128xi32, #tpu.memory_space<vmem>> -> memref<1x128xi32, #tpu.memory_space<vmem>>
        %dma_start3A_1031 = tpu.memref_squeeze %dma_start3A_1030 : memref<1x128xi32, #tpu.memory_space<vmem>> -> memref<128xi32, #tpu.memory_space<vmem>>
        %dma_start3A_1032 = arith.constant 0 : i32
        %dma_start3A_1033 = arith.constant 0 : i32
        %dma_start3A_1034 = tpu.memref_slice %arg3[%dma_start3A_1032, %dma_start3A_1033] : memref<1000000x32xf32, #tpu.memory_space<hbm>> -> memref<1000000x32xf32, #tpu.memory_space<hbm>>
        tpu.enqueue_indirect_dma source(%dma_start3A_1034 : memref<1000000x32xf32, #tpu.memory_space<hbm>>) target(%arg8 : memref<128x32xf32, #tpu.memory_space<vmem>>) offsets(%dma_start3A_1031 : memref<128xi32, #tpu.memory_space<vmem>>) semaphore(%arg16 : memref<!tpu.dma_semaphore, #tpu.memory_space<semaphore_mem>>)
      } else {
      }
    }
    %scan3A_106 = arith.constant 50 : i32
    %dma_wait3A = arith.constant 0 : i32
    %dma_wait3A_107 = arith.constant 0 : i32
    %dma_wait3A_108 = arith.constant 0 : i32
    %dma_wait3A_109 = arith.constant 0 : i32
    %dma_wait3A_110 = tpu.memref_slice %arg10[%dma_wait3A, %dma_wait3A_108, %dma_wait3A_109] : memref<4x8x129xf32, #tpu.memory_space<vmem>> -> memref<1x8x128xf32, #tpu.memory_space<vmem>>
    %dma_wait3A_111 = tpu.memref_squeeze %dma_wait3A_110 : memref<1x8x128xf32, #tpu.memory_space<vmem>> -> memref<8x128xf32, #tpu.memory_space<vmem>>
    %dma_wait3A_112 = arith.constant 0 : i32
    %dma_wait3A_113 = arith.constant 0 : i32
    %dma_wait3A_114 = tpu.memref_slice %arg4[%dma_wait3A_107, %dma_wait3A_112, %dma_wait3A_113] : memref<25600x8x128xf32, #tpu.memory_space<hbm>> -> memref<1x8x128xf32, #tpu.memory_space<hbm>>
    %dma_wait3A_115 = tpu.memref_squeeze %dma_wait3A_114 : memref<1x8x128xf32, #tpu.memory_space<hbm>> -> memref<8x128xf32, #tpu.memory_space<hbm>>
    %dma_wait3A_116 = arith.constant 0 : i32
    %dma_wait3A_117 = arith.constant 0 : i32
    %dma_wait3A_118 = tpu.memref_slice %arg4[%dma_wait3A_107, %dma_wait3A_116, %dma_wait3A_117] : memref<25600x8x128xf32, #tpu.memory_space<hbm>> -> memref<1x8x128xf32, #tpu.memory_space<hbm>>
    %dma_wait3A_119 = tpu.memref_squeeze %dma_wait3A_118 : memref<1x8x128xf32, #tpu.memory_space<hbm>> -> memref<8x128xf32, #tpu.memory_space<hbm>>
    %dma_wait3A_120 = arith.constant 0 : i32
    %dma_wait3A_121 = arith.constant 0 : i32
    %dma_wait3A_122 = tpu.memref_slice %arg10[%dma_wait3A, %dma_wait3A_120, %dma_wait3A_121] : memref<4x8x129xf32, #tpu.memory_space<vmem>> -> memref<1x8x128xf32, #tpu.memory_space<vmem>>
    %dma_wait3A_123 = tpu.memref_squeeze %dma_wait3A_122 : memref<1x8x128xf32, #tpu.memory_space<vmem>> -> memref<8x128xf32, #tpu.memory_space<vmem>>
    tpu.wait_dma2 semaphore(%arg18 : memref<!tpu.dma_semaphore, #tpu.memory_space<semaphore_mem>>) src(%dma_wait3A_123 : memref<8x128xf32, #tpu.memory_space<vmem>>) dst(%dma_wait3A_119 : memref<8x128xf32, #tpu.memory_space<hbm>>)
    %dma_wait3A_124 = arith.constant 1 : i32
    %dma_wait3A_125 = arith.constant 1 : i32
    %dma_wait3A_126 = arith.constant 0 : i32
    %dma_wait3A_127 = arith.constant 0 : i32
    %dma_wait3A_128 = tpu.memref_slice %arg10[%dma_wait3A_124, %dma_wait3A_126, %dma_wait3A_127] : memref<4x8x129xf32, #tpu.memory_space<vmem>> -> memref<1x8x128xf32, #tpu.memory_space<vmem>>
    %dma_wait3A_129 = tpu.memref_squeeze %dma_wait3A_128 : memref<1x8x128xf32, #tpu.memory_space<vmem>> -> memref<8x128xf32, #tpu.memory_space<vmem>>
    %dma_wait3A_130 = arith.constant 0 : i32
    %dma_wait3A_131 = arith.constant 0 : i32
    %dma_wait3A_132 = tpu.memref_slice %arg4[%dma_wait3A_125, %dma_wait3A_130, %dma_wait3A_131] : memref<25600x8x128xf32, #tpu.memory_space<hbm>> -> memref<1x8x128xf32, #tpu.memory_space<hbm>>
    %dma_wait3A_133 = tpu.memref_squeeze %dma_wait3A_132 : memref<1x8x128xf32, #tpu.memory_space<hbm>> -> memref<8x128xf32, #tpu.memory_space<hbm>>
    %dma_wait3A_134 = arith.constant 0 : i32
    %dma_wait3A_135 = arith.constant 0 : i32
    %dma_wait3A_136 = tpu.memref_slice %arg4[%dma_wait3A_125, %dma_wait3A_134, %dma_wait3A_135] : memref<25600x8x128xf32, #tpu.memory_space<hbm>> -> memref<1x8x128xf32, #tpu.memory_space<hbm>>
    %dma_wait3A_137 = tpu.memref_squeeze %dma_wait3A_136 : memref<1x8x128xf32, #tpu.memory_space<hbm>> -> memref<8x128xf32, #tpu.memory_space<hbm>>
    %dma_wait3A_138 = arith.constant 0 : i32
    %dma_wait3A_139 = arith.constant 0 : i32
    %dma_wait3A_140 = tpu.memref_slice %arg10[%dma_wait3A_124, %dma_wait3A_138, %dma_wait3A_139] : memref<4x8x129xf32, #tpu.memory_space<vmem>> -> memref<1x8x128xf32, #tpu.memory_space<vmem>>
    %dma_wait3A_141 = tpu.memref_squeeze %dma_wait3A_140 : memref<1x8x128xf32, #tpu.memory_space<vmem>> -> memref<8x128xf32, #tpu.memory_space<vmem>>
    tpu.wait_dma2 semaphore(%arg18 : memref<!tpu.dma_semaphore, #tpu.memory_space<semaphore_mem>>) src(%dma_wait3A_141 : memref<8x128xf32, #tpu.memory_space<vmem>>) dst(%dma_wait3A_137 : memref<8x128xf32, #tpu.memory_space<hbm>>)
    %dma_wait3A_142 = arith.constant 2 : i32
    %dma_wait3A_143 = arith.constant 2 : i32
    %dma_wait3A_144 = arith.constant 0 : i32
    %dma_wait3A_145 = arith.constant 0 : i32
    %dma_wait3A_146 = tpu.memref_slice %arg10[%dma_wait3A_142, %dma_wait3A_144, %dma_wait3A_145] : memref<4x8x129xf32, #tpu.memory_space<vmem>> -> memref<1x8x128xf32, #tpu.memory_space<vmem>>
    %dma_wait3A_147 = tpu.memref_squeeze %dma_wait3A_146 : memref<1x8x128xf32, #tpu.memory_space<vmem>> -> memref<8x128xf32, #tpu.memory_space<vmem>>
    %dma_wait3A_148 = arith.constant 0 : i32
    %dma_wait3A_149 = arith.constant 0 : i32
    %dma_wait3A_150 = tpu.memref_slice %arg4[%dma_wait3A_143, %dma_wait3A_148, %dma_wait3A_149] : memref<25600x8x128xf32, #tpu.memory_space<hbm>> -> memref<1x8x128xf32, #tpu.memory_space<hbm>>
    %dma_wait3A_151 = tpu.memref_squeeze %dma_wait3A_150 : memref<1x8x128xf32, #tpu.memory_space<hbm>> -> memref<8x128xf32, #tpu.memory_space<hbm>>
    %dma_wait3A_152 = arith.constant 0 : i32
    %dma_wait3A_153 = arith.constant 0 : i32
    %dma_wait3A_154 = tpu.memref_slice %arg4[%dma_wait3A_143, %dma_wait3A_152, %dma_wait3A_153] : memref<25600x8x128xf32, #tpu.memory_space<hbm>> -> memref<1x8x128xf32, #tpu.memory_space<hbm>>
    %dma_wait3A_155 = tpu.memref_squeeze %dma_wait3A_154 : memref<1x8x128xf32, #tpu.memory_space<hbm>> -> memref<8x128xf32, #tpu.memory_space<hbm>>
    %dma_wait3A_156 = arith.constant 0 : i32
    %dma_wait3A_157 = arith.constant 0 : i32
    %dma_wait3A_158 = tpu.memref_slice %arg10[%dma_wait3A_142, %dma_wait3A_156, %dma_wait3A_157] : memref<4x8x129xf32, #tpu.memory_space<vmem>> -> memref<1x8x128xf32, #tpu.memory_space<vmem>>
    %dma_wait3A_159 = tpu.memref_squeeze %dma_wait3A_158 : memref<1x8x128xf32, #tpu.memory_space<vmem>> -> memref<8x128xf32, #tpu.memory_space<vmem>>
    tpu.wait_dma2 semaphore(%arg18 : memref<!tpu.dma_semaphore, #tpu.memory_space<semaphore_mem>>) src(%dma_wait3A_159 : memref<8x128xf32, #tpu.memory_space<vmem>>) dst(%dma_wait3A_155 : memref<8x128xf32, #tpu.memory_space<hbm>>)
    %dma_wait3A_160 = arith.constant 3 : i32
    %dma_wait3A_161 = arith.constant 3 : i32
    %dma_wait3A_162 = arith.constant 0 : i32
    %dma_wait3A_163 = arith.constant 0 : i32
    %dma_wait3A_164 = tpu.memref_slice %arg10[%dma_wait3A_160, %dma_wait3A_162, %dma_wait3A_163] : memref<4x8x129xf32, #tpu.memory_space<vmem>> -> memref<1x8x128xf32, #tpu.memory_space<vmem>>
    %dma_wait3A_165 = tpu.memref_squeeze %dma_wait3A_164 : memref<1x8x128xf32, #tpu.memory_space<vmem>> -> memref<8x128xf32, #tpu.memory_space<vmem>>
    %dma_wait3A_166 = arith.constant 0 : i32
    %dma_wait3A_167 = arith.constant 0 : i32
    %dma_wait3A_168 = tpu.memref_slice %arg4[%dma_wait3A_161, %dma_wait3A_166, %dma_wait3A_167] : memref<25600x8x128xf32, #tpu.memory_space<hbm>> -> memref<1x8x128xf32, #tpu.memory_space<hbm>>
    %dma_wait3A_169 = tpu.memref_squeeze %dma_wait3A_168 : memref<1x8x128xf32, #tpu.memory_space<hbm>> -> memref<8x128xf32, #tpu.memory_space<hbm>>
    %dma_wait3A_170 = arith.constant 0 : i32
    %dma_wait3A_171 = arith.constant 0 : i32
    %dma_wait3A_172 = tpu.memref_slice %arg4[%dma_wait3A_161, %dma_wait3A_170, %dma_wait3A_171] : memref<25600x8x128xf32, #tpu.memory_space<hbm>> -> memref<1x8x128xf32, #tpu.memory_space<hbm>>
    %dma_wait3A_173 = tpu.memref_squeeze %dma_wait3A_172 : memref<1x8x128xf32, #tpu.memory_space<hbm>> -> memref<8x128xf32, #tpu.memory_space<hbm>>
    %dma_wait3A_174 = arith.constant 0 : i32
    %dma_wait3A_175 = arith.constant 0 : i32
    %dma_wait3A_176 = tpu.memref_slice %arg10[%dma_wait3A_160, %dma_wait3A_174, %dma_wait3A_175] : memref<4x8x129xf32, #tpu.memory_space<vmem>> -> memref<1x8x128xf32, #tpu.memory_space<vmem>>
    %dma_wait3A_177 = tpu.memref_squeeze %dma_wait3A_176 : memref<1x8x128xf32, #tpu.memory_space<vmem>> -> memref<8x128xf32, #tpu.memory_space<vmem>>
    tpu.wait_dma2 semaphore(%arg18 : memref<!tpu.dma_semaphore, #tpu.memory_space<semaphore_mem>>) src(%dma_wait3A_177 : memref<8x128xf32, #tpu.memory_space<vmem>>) dst(%dma_wait3A_173 : memref<8x128xf32, #tpu.memory_space<hbm>>)
    %dma_wait3A_178 = arith.constant 0 : i32
    %dma_wait3A_179 = arith.constant 0 : i32
    %dma_wait3A_180 = arith.constant 0 : i32
    %dma_wait3A_181 = arith.constant 0 : i32
    %dma_wait3A_182 = tpu.memref_slice %arg11[%dma_wait3A_178, %dma_wait3A_180, %dma_wait3A_181] : memref<4x8x129xf32, #tpu.memory_space<vmem>> -> memref<1x8x128xf32, #tpu.memory_space<vmem>>
    %dma_wait3A_183 = tpu.memref_squeeze %dma_wait3A_182 : memref<1x8x128xf32, #tpu.memory_space<vmem>> -> memref<8x128xf32, #tpu.memory_space<vmem>>
    %dma_wait3A_184 = arith.constant 0 : i32
    %dma_wait3A_185 = arith.constant 0 : i32
    %dma_wait3A_186 = tpu.memref_slice %arg4[%dma_wait3A_179, %dma_wait3A_184, %dma_wait3A_185] : memref<25600x8x128xf32, #tpu.memory_space<hbm>> -> memref<1x8x128xf32, #tpu.memory_space<hbm>>
    %dma_wait3A_187 = tpu.memref_squeeze %dma_wait3A_186 : memref<1x8x128xf32, #tpu.memory_space<hbm>> -> memref<8x128xf32, #tpu.memory_space<hbm>>
    %dma_wait3A_188 = arith.constant 0 : i32
    %dma_wait3A_189 = arith.constant 0 : i32
    %dma_wait3A_190 = tpu.memref_slice %arg4[%dma_wait3A_179, %dma_wait3A_188, %dma_wait3A_189] : memref<25600x8x128xf32, #tpu.memory_space<hbm>> -> memref<1x8x128xf32, #tpu.memory_space<hbm>>
    %dma_wait3A_191 = tpu.memref_squeeze %dma_wait3A_190 : memref<1x8x128xf32, #tpu.memory_space<hbm>> -> memref<8x128xf32, #tpu.memory_space<hbm>>
    %dma_wait3A_192 = arith.constant 0 : i32
    %dma_wait3A_193 = arith.constant 0 : i32
    %dma_wait3A_194 = tpu.memref_slice %arg11[%dma_wait3A_178, %dma_wait3A_192, %dma_wait3A_193] : memref<4x8x129xf32, #tpu.memory_space<vmem>> -> memref<1x8x128xf32, #tpu.memory_space<vmem>>
    %dma_wait3A_195 = tpu.memref_squeeze %dma_wait3A_194 : memref<1x8x128xf32, #tpu.memory_space<vmem>> -> memref<8x128xf32, #tpu.memory_space<vmem>>
    tpu.wait_dma2 semaphore(%arg19 : memref<!tpu.dma_semaphore, #tpu.memory_space<semaphore_mem>>) src(%dma_wait3A_195 : memref<8x128xf32, #tpu.memory_space<vmem>>) dst(%dma_wait3A_191 : memref<8x128xf32, #tpu.memory_space<hbm>>)
    %dma_wait3A_196 = arith.constant 1 : i32
    %dma_wait3A_197 = arith.constant 1 : i32
    %dma_wait3A_198 = arith.constant 0 : i32
    %dma_wait3A_199 = arith.constant 0 : i32
    %dma_wait3A_200 = tpu.memref_slice %arg11[%dma_wait3A_196, %dma_wait3A_198, %dma_wait3A_199] : memref<4x8x129xf32, #tpu.memory_space<vmem>> -> memref<1x8x128xf32, #tpu.memory_space<vmem>>
    %dma_wait3A_201 = tpu.memref_squeeze %dma_wait3A_200 : memref<1x8x128xf32, #tpu.memory_space<vmem>> -> memref<8x128xf32, #tpu.memory_space<vmem>>
    %dma_wait3A_202 = arith.constant 0 : i32
    %dma_wait3A_203 = arith.constant 0 : i32
    %dma_wait3A_204 = tpu.memref_slice %arg4[%dma_wait3A_197, %dma_wait3A_202, %dma_wait3A_203] : memref<25600x8x128xf32, #tpu.memory_space<hbm>> -> memref<1x8x128xf32, #tpu.memory_space<hbm>>
    %dma_wait3A_205 = tpu.memref_squeeze %dma_wait3A_204 : memref<1x8x128xf32, #tpu.memory_space<hbm>> -> memref<8x128xf32, #tpu.memory_space<hbm>>
    %dma_wait3A_206 = arith.constant 0 : i32
    %dma_wait3A_207 = arith.constant 0 : i32
    %dma_wait3A_208 = tpu.memref_slice %arg4[%dma_wait3A_197, %dma_wait3A_206, %dma_wait3A_207] : memref<25600x8x128xf32, #tpu.memory_space<hbm>> -> memref<1x8x128xf32, #tpu.memory_space<hbm>>
    %dma_wait3A_209 = tpu.memref_squeeze %dma_wait3A_208 : memref<1x8x128xf32, #tpu.memory_space<hbm>> -> memref<8x128xf32, #tpu.memory_space<hbm>>
    %dma_wait3A_210 = arith.constant 0 : i32
    %dma_wait3A_211 = arith.constant 0 : i32
    %dma_wait3A_212 = tpu.memref_slice %arg11[%dma_wait3A_196, %dma_wait3A_210, %dma_wait3A_211] : memref<4x8x129xf32, #tpu.memory_space<vmem>> -> memref<1x8x128xf32, #tpu.memory_space<vmem>>
    %dma_wait3A_213 = tpu.memref_squeeze %dma_wait3A_212 : memref<1x8x128xf32, #tpu.memory_space<vmem>> -> memref<8x128xf32, #tpu.memory_space<vmem>>
    tpu.wait_dma2 semaphore(%arg19 : memref<!tpu.dma_semaphore, #tpu.memory_space<semaphore_mem>>) src(%dma_wait3A_213 : memref<8x128xf32, #tpu.memory_space<vmem>>) dst(%dma_wait3A_209 : memref<8x128xf32, #tpu.memory_space<hbm>>)
    %dma_wait3A_214 = arith.constant 2 : i32
    %dma_wait3A_215 = arith.constant 2 : i32
    %dma_wait3A_216 = arith.constant 0 : i32
    %dma_wait3A_217 = arith.constant 0 : i32
    %dma_wait3A_218 = tpu.memref_slice %arg11[%dma_wait3A_214, %dma_wait3A_216, %dma_wait3A_217] : memref<4x8x129xf32, #tpu.memory_space<vmem>> -> memref<1x8x128xf32, #tpu.memory_space<vmem>>
    %dma_wait3A_219 = tpu.memref_squeeze %dma_wait3A_218 : memref<1x8x128xf32, #tpu.memory_space<vmem>> -> memref<8x128xf32, #tpu.memory_space<vmem>>
    %dma_wait3A_220 = arith.constant 0 : i32
    %dma_wait3A_221 = arith.constant 0 : i32
    %dma_wait3A_222 = tpu.memref_slice %arg4[%dma_wait3A_215, %dma_wait3A_220, %dma_wait3A_221] : memref<25600x8x128xf32, #tpu.memory_space<hbm>> -> memref<1x8x128xf32, #tpu.memory_space<hbm>>
    %dma_wait3A_223 = tpu.memref_squeeze %dma_wait3A_222 : memref<1x8x128xf32, #tpu.memory_space<hbm>> -> memref<8x128xf32, #tpu.memory_space<hbm>>
    %dma_wait3A_224 = arith.constant 0 : i32
    %dma_wait3A_225 = arith.constant 0 : i32
    %dma_wait3A_226 = tpu.memref_slice %arg4[%dma_wait3A_215, %dma_wait3A_224, %dma_wait3A_225] : memref<25600x8x128xf32, #tpu.memory_space<hbm>> -> memref<1x8x128xf32, #tpu.memory_space<hbm>>
    %dma_wait3A_227 = tpu.memref_squeeze %dma_wait3A_226 : memref<1x8x128xf32, #tpu.memory_space<hbm>> -> memref<8x128xf32, #tpu.memory_space<hbm>>
    %dma_wait3A_228 = arith.constant 0 : i32
    %dma_wait3A_229 = arith.constant 0 : i32
    %dma_wait3A_230 = tpu.memref_slice %arg11[%dma_wait3A_214, %dma_wait3A_228, %dma_wait3A_229] : memref<4x8x129xf32, #tpu.memory_space<vmem>> -> memref<1x8x128xf32, #tpu.memory_space<vmem>>
    %dma_wait3A_231 = tpu.memref_squeeze %dma_wait3A_230 : memref<1x8x128xf32, #tpu.memory_space<vmem>> -> memref<8x128xf32, #tpu.memory_space<vmem>>
    tpu.wait_dma2 semaphore(%arg19 : memref<!tpu.dma_semaphore, #tpu.memory_space<semaphore_mem>>) src(%dma_wait3A_231 : memref<8x128xf32, #tpu.memory_space<vmem>>) dst(%dma_wait3A_227 : memref<8x128xf32, #tpu.memory_space<hbm>>)
    %dma_wait3A_232 = arith.constant 3 : i32
    %dma_wait3A_233 = arith.constant 3 : i32
    %dma_wait3A_234 = arith.constant 0 : i32
    %dma_wait3A_235 = arith.constant 0 : i32
    %dma_wait3A_236 = tpu.memref_slice %arg11[%dma_wait3A_232, %dma_wait3A_234, %dma_wait3A_235] : memref<4x8x129xf32, #tpu.memory_space<vmem>> -> memref<1x8x128xf32, #tpu.memory_space<vmem>>
    %dma_wait3A_237 = tpu.memref_squeeze %dma_wait3A_236 : memref<1x8x128xf32, #tpu.memory_space<vmem>> -> memref<8x128xf32, #tpu.memory_space<vmem>>
    %dma_wait3A_238 = arith.constant 0 : i32
    %dma_wait3A_239 = arith.constant 0 : i32
    %dma_wait3A_240 = tpu.memref_slice %arg4[%dma_wait3A_233, %dma_wait3A_238, %dma_wait3A_239] : memref<25600x8x128xf32, #tpu.memory_space<hbm>> -> memref<1x8x128xf32, #tpu.memory_space<hbm>>
    %dma_wait3A_241 = tpu.memref_squeeze %dma_wait3A_240 : memref<1x8x128xf32, #tpu.memory_space<hbm>> -> memref<8x128xf32, #tpu.memory_space<hbm>>
    %dma_wait3A_242 = arith.constant 0 : i32
    %dma_wait3A_243 = arith.constant 0 : i32
    %dma_wait3A_244 = tpu.memref_slice %arg4[%dma_wait3A_233, %dma_wait3A_242, %dma_wait3A_243] : memref<25600x8x128xf32, #tpu.memory_space<hbm>> -> memref<1x8x128xf32, #tpu.memory_space<hbm>>
    %dma_wait3A_245 = tpu.memref_squeeze %dma_wait3A_244 : memref<1x8x128xf32, #tpu.memory_space<hbm>> -> memref<8x128xf32, #tpu.memory_space<hbm>>
    %dma_wait3A_246 = arith.constant 0 : i32
    %dma_wait3A_247 = arith.constant 0 : i32
    %dma_wait3A_248 = tpu.memref_slice %arg11[%dma_wait3A_232, %dma_wait3A_246, %dma_wait3A_247] : memref<4x8x129xf32, #tpu.memory_space<vmem>> -> memref<1x8x128xf32, #tpu.memory_space<vmem>>
    %dma_wait3A_249 = tpu.memref_squeeze %dma_wait3A_248 : memref<1x8x128xf32, #tpu.memory_space<vmem>> -> memref<8x128xf32, #tpu.memory_space<vmem>>
    tpu.wait_dma2 semaphore(%arg19 : memref<!tpu.dma_semaphore, #tpu.memory_space<semaphore_mem>>) src(%dma_wait3A_249 : memref<8x128xf32, #tpu.memory_space<vmem>>) dst(%dma_wait3A_245 : memref<8x128xf32, #tpu.memory_space<hbm>>)
    %dma_wait3A_250 = arith.constant 0 : i32
    %dma_wait3A_251 = arith.constant 0 : i32
    %dma_wait3A_252 = arith.constant 0 : i32
    %dma_wait3A_253 = arith.constant 0 : i32
    %dma_wait3A_254 = tpu.memref_slice %arg12[%dma_wait3A_250, %dma_wait3A_252, %dma_wait3A_253] : memref<4x8x129xf32, #tpu.memory_space<vmem>> -> memref<1x8x128xf32, #tpu.memory_space<vmem>>
    %dma_wait3A_255 = tpu.memref_squeeze %dma_wait3A_254 : memref<1x8x128xf32, #tpu.memory_space<vmem>> -> memref<8x128xf32, #tpu.memory_space<vmem>>
    %dma_wait3A_256 = arith.constant 0 : i32
    %dma_wait3A_257 = arith.constant 0 : i32
    %dma_wait3A_258 = tpu.memref_slice %arg4[%dma_wait3A_251, %dma_wait3A_256, %dma_wait3A_257] : memref<25600x8x128xf32, #tpu.memory_space<hbm>> -> memref<1x8x128xf32, #tpu.memory_space<hbm>>
    %dma_wait3A_259 = tpu.memref_squeeze %dma_wait3A_258 : memref<1x8x128xf32, #tpu.memory_space<hbm>> -> memref<8x128xf32, #tpu.memory_space<hbm>>
    %dma_wait3A_260 = arith.constant 0 : i32
    %dma_wait3A_261 = arith.constant 0 : i32
    %dma_wait3A_262 = tpu.memref_slice %arg4[%dma_wait3A_251, %dma_wait3A_260, %dma_wait3A_261] : memref<25600x8x128xf32, #tpu.memory_space<hbm>> -> memref<1x8x128xf32, #tpu.memory_space<hbm>>
    %dma_wait3A_263 = tpu.memref_squeeze %dma_wait3A_262 : memref<1x8x128xf32, #tpu.memory_space<hbm>> -> memref<8x128xf32, #tpu.memory_space<hbm>>
    %dma_wait3A_264 = arith.constant 0 : i32
    %dma_wait3A_265 = arith.constant 0 : i32
    %dma_wait3A_266 = tpu.memref_slice %arg12[%dma_wait3A_250, %dma_wait3A_264, %dma_wait3A_265] : memref<4x8x129xf32, #tpu.memory_space<vmem>> -> memref<1x8x128xf32, #tpu.memory_space<vmem>>
    %dma_wait3A_267 = tpu.memref_squeeze %dma_wait3A_266 : memref<1x8x128xf32, #tpu.memory_space<vmem>> -> memref<8x128xf32, #tpu.memory_space<vmem>>
    tpu.wait_dma2 semaphore(%arg20 : memref<!tpu.dma_semaphore, #tpu.memory_space<semaphore_mem>>) src(%dma_wait3A_267 : memref<8x128xf32, #tpu.memory_space<vmem>>) dst(%dma_wait3A_263 : memref<8x128xf32, #tpu.memory_space<hbm>>)
    %dma_wait3A_268 = arith.constant 1 : i32
    %dma_wait3A_269 = arith.constant 1 : i32
    %dma_wait3A_270 = arith.constant 0 : i32
    %dma_wait3A_271 = arith.constant 0 : i32
    %dma_wait3A_272 = tpu.memref_slice %arg12[%dma_wait3A_268, %dma_wait3A_270, %dma_wait3A_271] : memref<4x8x129xf32, #tpu.memory_space<vmem>> -> memref<1x8x128xf32, #tpu.memory_space<vmem>>
    %dma_wait3A_273 = tpu.memref_squeeze %dma_wait3A_272 : memref<1x8x128xf32, #tpu.memory_space<vmem>> -> memref<8x128xf32, #tpu.memory_space<vmem>>
    %dma_wait3A_274 = arith.constant 0 : i32
    %dma_wait3A_275 = arith.constant 0 : i32
    %dma_wait3A_276 = tpu.memref_slice %arg4[%dma_wait3A_269, %dma_wait3A_274, %dma_wait3A_275] : memref<25600x8x128xf32, #tpu.memory_space<hbm>> -> memref<1x8x128xf32, #tpu.memory_space<hbm>>
    %dma_wait3A_277 = tpu.memref_squeeze %dma_wait3A_276 : memref<1x8x128xf32, #tpu.memory_space<hbm>> -> memref<8x128xf32, #tpu.memory_space<hbm>>
    %dma_wait3A_278 = arith.constant 0 : i32
    %dma_wait3A_279 = arith.constant 0 : i32
    %dma_wait3A_280 = tpu.memref_slice %arg4[%dma_wait3A_269, %dma_wait3A_278, %dma_wait3A_279] : memref<25600x8x128xf32, #tpu.memory_space<hbm>> -> memref<1x8x128xf32, #tpu.memory_space<hbm>>
    %dma_wait3A_281 = tpu.memref_squeeze %dma_wait3A_280 : memref<1x8x128xf32, #tpu.memory_space<hbm>> -> memref<8x128xf32, #tpu.memory_space<hbm>>
    %dma_wait3A_282 = arith.constant 0 : i32
    %dma_wait3A_283 = arith.constant 0 : i32
    %dma_wait3A_284 = tpu.memref_slice %arg12[%dma_wait3A_268, %dma_wait3A_282, %dma_wait3A_283] : memref<4x8x129xf32, #tpu.memory_space<vmem>> -> memref<1x8x128xf32, #tpu.memory_space<vmem>>
    %dma_wait3A_285 = tpu.memref_squeeze %dma_wait3A_284 : memref<1x8x128xf32, #tpu.memory_space<vmem>> -> memref<8x128xf32, #tpu.memory_space<vmem>>
    tpu.wait_dma2 semaphore(%arg20 : memref<!tpu.dma_semaphore, #tpu.memory_space<semaphore_mem>>) src(%dma_wait3A_285 : memref<8x128xf32, #tpu.memory_space<vmem>>) dst(%dma_wait3A_281 : memref<8x128xf32, #tpu.memory_space<hbm>>)
    %dma_wait3A_286 = arith.constant 2 : i32
    %dma_wait3A_287 = arith.constant 2 : i32
    %dma_wait3A_288 = arith.constant 0 : i32
    %dma_wait3A_289 = arith.constant 0 : i32
    %dma_wait3A_290 = tpu.memref_slice %arg12[%dma_wait3A_286, %dma_wait3A_288, %dma_wait3A_289] : memref<4x8x129xf32, #tpu.memory_space<vmem>> -> memref<1x8x128xf32, #tpu.memory_space<vmem>>
    %dma_wait3A_291 = tpu.memref_squeeze %dma_wait3A_290 : memref<1x8x128xf32, #tpu.memory_space<vmem>> -> memref<8x128xf32, #tpu.memory_space<vmem>>
    %dma_wait3A_292 = arith.constant 0 : i32
    %dma_wait3A_293 = arith.constant 0 : i32
    %dma_wait3A_294 = tpu.memref_slice %arg4[%dma_wait3A_287, %dma_wait3A_292, %dma_wait3A_293] : memref<25600x8x128xf32, #tpu.memory_space<hbm>> -> memref<1x8x128xf32, #tpu.memory_space<hbm>>
    %dma_wait3A_295 = tpu.memref_squeeze %dma_wait3A_294 : memref<1x8x128xf32, #tpu.memory_space<hbm>> -> memref<8x128xf32, #tpu.memory_space<hbm>>
    %dma_wait3A_296 = arith.constant 0 : i32
    %dma_wait3A_297 = arith.constant 0 : i32
    %dma_wait3A_298 = tpu.memref_slice %arg4[%dma_wait3A_287, %dma_wait3A_296, %dma_wait3A_297] : memref<25600x8x128xf32, #tpu.memory_space<hbm>> -> memref<1x8x128xf32, #tpu.memory_space<hbm>>
    %dma_wait3A_299 = tpu.memref_squeeze %dma_wait3A_298 : memref<1x8x128xf32, #tpu.memory_space<hbm>> -> memref<8x128xf32, #tpu.memory_space<hbm>>
    %dma_wait3A_300 = arith.constant 0 : i32
    %dma_wait3A_301 = arith.constant 0 : i32
    %dma_wait3A_302 = tpu.memref_slice %arg12[%dma_wait3A_286, %dma_wait3A_300, %dma_wait3A_301] : memref<4x8x129xf32, #tpu.memory_space<vmem>> -> memref<1x8x128xf32, #tpu.memory_space<vmem>>
    %dma_wait3A_303 = tpu.memref_squeeze %dma_wait3A_302 : memref<1x8x128xf32, #tpu.memory_space<vmem>> -> memref<8x128xf32, #tpu.memory_space<vmem>>
    tpu.wait_dma2 semaphore(%arg20 : memref<!tpu.dma_semaphore, #tpu.memory_space<semaphore_mem>>) src(%dma_wait3A_303 : memref<8x128xf32, #tpu.memory_space<vmem>>) dst(%dma_wait3A_299 : memref<8x128xf32, #tpu.memory_space<hbm>>)
    %dma_wait3A_304 = arith.constant 3 : i32
    %dma_wait3A_305 = arith.constant 3 : i32
    %dma_wait3A_306 = arith.constant 0 : i32
    %dma_wait3A_307 = arith.constant 0 : i32
    %dma_wait3A_308 = tpu.memref_slice %arg12[%dma_wait3A_304, %dma_wait3A_306, %dma_wait3A_307] : memref<4x8x129xf32, #tpu.memory_space<vmem>> -> memref<1x8x128xf32, #tpu.memory_space<vmem>>
    %dma_wait3A_309 = tpu.memref_squeeze %dma_wait3A_308 : memref<1x8x128xf32, #tpu.memory_space<vmem>> -> memref<8x128xf32, #tpu.memory_space<vmem>>
    %dma_wait3A_310 = arith.constant 0 : i32
    %dma_wait3A_311 = arith.constant 0 : i32
    %dma_wait3A_312 = tpu.memref_slice %arg4[%dma_wait3A_305, %dma_wait3A_310, %dma_wait3A_311] : memref<25600x8x128xf32, #tpu.memory_space<hbm>> -> memref<1x8x128xf32, #tpu.memory_space<hbm>>
    %dma_wait3A_313 = tpu.memref_squeeze %dma_wait3A_312 : memref<1x8x128xf32, #tpu.memory_space<hbm>> -> memref<8x128xf32, #tpu.memory_space<hbm>>
    %dma_wait3A_314 = arith.constant 0 : i32
    %dma_wait3A_315 = arith.constant 0 : i32
    %dma_wait3A_316 = tpu.memref_slice %arg4[%dma_wait3A_305, %dma_wait3A_314, %dma_wait3A_315] : memref<25600x8x128xf32, #tpu.memory_space<hbm>> -> memref<1x8x128xf32, #tpu.memory_space<hbm>>
    %dma_wait3A_317 = tpu.memref_squeeze %dma_wait3A_316 : memref<1x8x128xf32, #tpu.memory_space<hbm>> -> memref<8x128xf32, #tpu.memory_space<hbm>>
    %dma_wait3A_318 = arith.constant 0 : i32
    %dma_wait3A_319 = arith.constant 0 : i32
    %dma_wait3A_320 = tpu.memref_slice %arg12[%dma_wait3A_304, %dma_wait3A_318, %dma_wait3A_319] : memref<4x8x129xf32, #tpu.memory_space<vmem>> -> memref<1x8x128xf32, #tpu.memory_space<vmem>>
    %dma_wait3A_321 = tpu.memref_squeeze %dma_wait3A_320 : memref<1x8x128xf32, #tpu.memory_space<vmem>> -> memref<8x128xf32, #tpu.memory_space<vmem>>
    tpu.wait_dma2 semaphore(%arg20 : memref<!tpu.dma_semaphore, #tpu.memory_space<semaphore_mem>>) src(%dma_wait3A_321 : memref<8x128xf32, #tpu.memory_space<vmem>>) dst(%dma_wait3A_317 : memref<8x128xf32, #tpu.memory_space<hbm>>)
    %dma_wait3A_322 = arith.constant 0 : i32
    %dma_wait3A_323 = arith.constant 0 : i32
    %dma_wait3A_324 = arith.constant 0 : i32
    %dma_wait3A_325 = arith.constant 0 : i32
    %dma_wait3A_326 = tpu.memref_slice %arg13[%dma_wait3A_322, %dma_wait3A_324, %dma_wait3A_325] : memref<4x8x129xf32, #tpu.memory_space<vmem>> -> memref<1x8x128xf32, #tpu.memory_space<vmem>>
    %dma_wait3A_327 = tpu.memref_squeeze %dma_wait3A_326 : memref<1x8x128xf32, #tpu.memory_space<vmem>> -> memref<8x128xf32, #tpu.memory_space<vmem>>
    %dma_wait3A_328 = arith.constant 0 : i32
    %dma_wait3A_329 = arith.constant 0 : i32
    %dma_wait3A_330 = tpu.memref_slice %arg4[%dma_wait3A_323, %dma_wait3A_328, %dma_wait3A_329] : memref<25600x8x128xf32, #tpu.memory_space<hbm>> -> memref<1x8x128xf32, #tpu.memory_space<hbm>>
    %dma_wait3A_331 = tpu.memref_squeeze %dma_wait3A_330 : memref<1x8x128xf32, #tpu.memory_space<hbm>> -> memref<8x128xf32, #tpu.memory_space<hbm>>
    %dma_wait3A_332 = arith.constant 0 : i32
    %dma_wait3A_333 = arith.constant 0 : i32
    %dma_wait3A_334 = tpu.memref_slice %arg4[%dma_wait3A_323, %dma_wait3A_332, %dma_wait3A_333] : memref<25600x8x128xf32, #tpu.memory_space<hbm>> -> memref<1x8x128xf32, #tpu.memory_space<hbm>>
    %dma_wait3A_335 = tpu.memref_squeeze %dma_wait3A_334 : memref<1x8x128xf32, #tpu.memory_space<hbm>> -> memref<8x128xf32, #tpu.memory_space<hbm>>
    %dma_wait3A_336 = arith.constant 0 : i32
    %dma_wait3A_337 = arith.constant 0 : i32
    %dma_wait3A_338 = tpu.memref_slice %arg13[%dma_wait3A_322, %dma_wait3A_336, %dma_wait3A_337] : memref<4x8x129xf32, #tpu.memory_space<vmem>> -> memref<1x8x128xf32, #tpu.memory_space<vmem>>
    %dma_wait3A_339 = tpu.memref_squeeze %dma_wait3A_338 : memref<1x8x128xf32, #tpu.memory_space<vmem>> -> memref<8x128xf32, #tpu.memory_space<vmem>>
    tpu.wait_dma2 semaphore(%arg21 : memref<!tpu.dma_semaphore, #tpu.memory_space<semaphore_mem>>) src(%dma_wait3A_339 : memref<8x128xf32, #tpu.memory_space<vmem>>) dst(%dma_wait3A_335 : memref<8x128xf32, #tpu.memory_space<hbm>>)
    %dma_wait3A_340 = arith.constant 1 : i32
    %dma_wait3A_341 = arith.constant 1 : i32
    %dma_wait3A_342 = arith.constant 0 : i32
    %dma_wait3A_343 = arith.constant 0 : i32
    %dma_wait3A_344 = tpu.memref_slice %arg13[%dma_wait3A_340, %dma_wait3A_342, %dma_wait3A_343] : memref<4x8x129xf32, #tpu.memory_space<vmem>> -> memref<1x8x128xf32, #tpu.memory_space<vmem>>
    %dma_wait3A_345 = tpu.memref_squeeze %dma_wait3A_344 : memref<1x8x128xf32, #tpu.memory_space<vmem>> -> memref<8x128xf32, #tpu.memory_space<vmem>>
    %dma_wait3A_346 = arith.constant 0 : i32
    %dma_wait3A_347 = arith.constant 0 : i32
    %dma_wait3A_348 = tpu.memref_slice %arg4[%dma_wait3A_341, %dma_wait3A_346, %dma_wait3A_347] : memref<25600x8x128xf32, #tpu.memory_space<hbm>> -> memref<1x8x128xf32, #tpu.memory_space<hbm>>
    %dma_wait3A_349 = tpu.memref_squeeze %dma_wait3A_348 : memref<1x8x128xf32, #tpu.memory_space<hbm>> -> memref<8x128xf32, #tpu.memory_space<hbm>>
    %dma_wait3A_350 = arith.constant 0 : i32
    %dma_wait3A_351 = arith.constant 0 : i32
    %dma_wait3A_352 = tpu.memref_slice %arg4[%dma_wait3A_341, %dma_wait3A_350, %dma_wait3A_351] : memref<25600x8x128xf32, #tpu.memory_space<hbm>> -> memref<1x8x128xf32, #tpu.memory_space<hbm>>
    %dma_wait3A_353 = tpu.memref_squeeze %dma_wait3A_352 : memref<1x8x128xf32, #tpu.memory_space<hbm>> -> memref<8x128xf32, #tpu.memory_space<hbm>>
    %dma_wait3A_354 = arith.constant 0 : i32
    %dma_wait3A_355 = arith.constant 0 : i32
    %dma_wait3A_356 = tpu.memref_slice %arg13[%dma_wait3A_340, %dma_wait3A_354, %dma_wait3A_355] : memref<4x8x129xf32, #tpu.memory_space<vmem>> -> memref<1x8x128xf32, #tpu.memory_space<vmem>>
    %dma_wait3A_357 = tpu.memref_squeeze %dma_wait3A_356 : memref<1x8x128xf32, #tpu.memory_space<vmem>> -> memref<8x128xf32, #tpu.memory_space<vmem>>
    tpu.wait_dma2 semaphore(%arg21 : memref<!tpu.dma_semaphore, #tpu.memory_space<semaphore_mem>>) src(%dma_wait3A_357 : memref<8x128xf32, #tpu.memory_space<vmem>>) dst(%dma_wait3A_353 : memref<8x128xf32, #tpu.memory_space<hbm>>)
    %dma_wait3A_358 = arith.constant 2 : i32
    %dma_wait3A_359 = arith.constant 2 : i32
    %dma_wait3A_360 = arith.constant 0 : i32
    %dma_wait3A_361 = arith.constant 0 : i32
    %dma_wait3A_362 = tpu.memref_slice %arg13[%dma_wait3A_358, %dma_wait3A_360, %dma_wait3A_361] : memref<4x8x129xf32, #tpu.memory_space<vmem>> -> memref<1x8x128xf32, #tpu.memory_space<vmem>>
    %dma_wait3A_363 = tpu.memref_squeeze %dma_wait3A_362 : memref<1x8x128xf32, #tpu.memory_space<vmem>> -> memref<8x128xf32, #tpu.memory_space<vmem>>
    %dma_wait3A_364 = arith.constant 0 : i32
    %dma_wait3A_365 = arith.constant 0 : i32
    %dma_wait3A_366 = tpu.memref_slice %arg4[%dma_wait3A_359, %dma_wait3A_364, %dma_wait3A_365] : memref<25600x8x128xf32, #tpu.memory_space<hbm>> -> memref<1x8x128xf32, #tpu.memory_space<hbm>>
    %dma_wait3A_367 = tpu.memref_squeeze %dma_wait3A_366 : memref<1x8x128xf32, #tpu.memory_space<hbm>> -> memref<8x128xf32, #tpu.memory_space<hbm>>
    %dma_wait3A_368 = arith.constant 0 : i32
    %dma_wait3A_369 = arith.constant 0 : i32
    %dma_wait3A_370 = tpu.memref_slice %arg4[%dma_wait3A_359, %dma_wait3A_368, %dma_wait3A_369] : memref<25600x8x128xf32, #tpu.memory_space<hbm>> -> memref<1x8x128xf32, #tpu.memory_space<hbm>>
    %dma_wait3A_371 = tpu.memref_squeeze %dma_wait3A_370 : memref<1x8x128xf32, #tpu.memory_space<hbm>> -> memref<8x128xf32, #tpu.memory_space<hbm>>
    %dma_wait3A_372 = arith.constant 0 : i32
    %dma_wait3A_373 = arith.constant 0 : i32
    %dma_wait3A_374 = tpu.memref_slice %arg13[%dma_wait3A_358, %dma_wait3A_372, %dma_wait3A_373] : memref<4x8x129xf32, #tpu.memory_space<vmem>> -> memref<1x8x128xf32, #tpu.memory_space<vmem>>
    %dma_wait3A_375 = tpu.memref_squeeze %dma_wait3A_374 : memref<1x8x128xf32, #tpu.memory_space<vmem>> -> memref<8x128xf32, #tpu.memory_space<vmem>>
    tpu.wait_dma2 semaphore(%arg21 : memref<!tpu.dma_semaphore, #tpu.memory_space<semaphore_mem>>) src(%dma_wait3A_375 : memref<8x128xf32, #tpu.memory_space<vmem>>) dst(%dma_wait3A_371 : memref<8x128xf32, #tpu.memory_space<hbm>>)
    %dma_wait3A_376 = arith.constant 3 : i32
    %dma_wait3A_377 = arith.constant 3 : i32
    %dma_wait3A_378 = arith.constant 0 : i32
    %dma_wait3A_379 = arith.constant 0 : i32
    %dma_wait3A_380 = tpu.memref_slice %arg13[%dma_wait3A_376, %dma_wait3A_378, %dma_wait3A_379] : memref<4x8x129xf32, #tpu.memory_space<vmem>> -> memref<1x8x128xf32, #tpu.memory_space<vmem>>
    %dma_wait3A_381 = tpu.memref_squeeze %dma_wait3A_380 : memref<1x8x128xf32, #tpu.memory_space<vmem>> -> memref<8x128xf32, #tpu.memory_space<vmem>>
    %dma_wait3A_382 = arith.constant 0 : i32
    %dma_wait3A_383 = arith.constant 0 : i32
    %dma_wait3A_384 = tpu.memref_slice %arg4[%dma_wait3A_377, %dma_wait3A_382, %dma_wait3A_383] : memref<25600x8x128xf32, #tpu.memory_space<hbm>> -> memref<1x8x128xf32, #tpu.memory_space<hbm>>
    %dma_wait3A_385 = tpu.memref_squeeze %dma_wait3A_384 : memref<1x8x128xf32, #tpu.memory_space<hbm>> -> memref<8x128xf32, #tpu.memory_space<hbm>>
    %dma_wait3A_386 = arith.constant 0 : i32
    %dma_wait3A_387 = arith.constant 0 : i32
    %dma_wait3A_388 = tpu.memref_slice %arg4[%dma_wait3A_377, %dma_wait3A_386, %dma_wait3A_387] : memref<25600x8x128xf32, #tpu.memory_space<hbm>> -> memref<1x8x128xf32, #tpu.memory_space<hbm>>
    %dma_wait3A_389 = tpu.memref_squeeze %dma_wait3A_388 : memref<1x8x128xf32, #tpu.memory_space<hbm>> -> memref<8x128xf32, #tpu.memory_space<hbm>>
    %dma_wait3A_390 = arith.constant 0 : i32
    %dma_wait3A_391 = arith.constant 0 : i32
    %dma_wait3A_392 = tpu.memref_slice %arg13[%dma_wait3A_376, %dma_wait3A_390, %dma_wait3A_391] : memref<4x8x129xf32, #tpu.memory_space<vmem>> -> memref<1x8x128xf32, #tpu.memory_space<vmem>>
    %dma_wait3A_393 = tpu.memref_squeeze %dma_wait3A_392 : memref<1x8x128xf32, #tpu.memory_space<vmem>> -> memref<8x128xf32, #tpu.memory_space<vmem>>
    tpu.wait_dma2 semaphore(%arg21 : memref<!tpu.dma_semaphore, #tpu.memory_space<semaphore_mem>>) src(%dma_wait3A_393 : memref<8x128xf32, #tpu.memory_space<vmem>>) dst(%dma_wait3A_389 : memref<8x128xf32, #tpu.memory_space<hbm>>)
    return
  }
}

</mosaic_0001>

<sc_bundles>
// kernel: kernel.3.cloned.1.call-start
scs
__scs_entry_jumppad:
0x0: {  	(pc) =	sbr.rel $0x88, $3  }
0x1: {  	(tag) =	ssettag $0x0;
	lr =	simm.s32 $0x1  }
0x2: {  	[smem:$0x3F9F] =	sst lr;
	_ =	strace $0xD0000000  }
0x3: {  	_ = 	snop  }
0x4: {  	_ = 	snop  }
0x5: {  	_ = 	snop  }
0x6: {  	_ = 	snop  }
0x7: {  	_ = 	snop  }
__scs_overlays_trampoline_lowered:
0x8: {  	[smem:$0x3FAE] =	sst s0  }
0x9: {  	[smem:$0x3FAF] =	sst s1  }
0xa: {  	[smem:$0x3FB0] =	sst s2  }
0xb: {  	[smem:$0x3FB1] =	sst s3  }
0xc: {  	[smem:$0x3FB2] =	sst s4  }
0xd: {  	[smem:$0x3FB3] =	sst s5  }
0xe: {  	[smem:$0x3FB4] =	sst s6  }
0xf: {  	[smem:$0x3FB5] =	sst s7  }
0x10: {  	[smem:$0x3FB6] =	sst s8  }
0x11: {  	[smem:$0x3FB7] =	sst s9;
	s0 =	simm.s32 @!p0 $0x0  }
0x12: {  	s1 =	sld [smem:$0x3F9D];
	s0 =	simm.s32 @p0 $0x1  }
0x13: {  	[smem:$0x3FB8] =	sst s0;
	s0 =	simm.s32 @!p1 $0x0  }
0x14: {  	s2 =	sld [smem:$0x3F9C];
	s0 =	simm.s32 @p1 $0x1  }
0x15: {  	[smem:$0x3FB9] =	sst s0;
	s0 =	simm.s32 @!p2 $0x0  }
0x16: {  	s3 =	sld [smem:$0x3FDB];
	s0 =	simm.s32 @p2 $0x1  }
0x17: {  	s4 =	simm.s32 $0x1BF5;
	[smem:$0x3FBB] =	sst s0  }
0x18: {  	s0 =	sld [smem:$0x3F9E];
	_ =	swait.ge [sflag:s4], $0x0  }
0x19: {  	s7 =	sld [smem:$0x3F9F]  }
0x1a: {  	s8 =	sadd.s32 $0xFFFFE003, lr  }
0x1b: {  	s9 =	sadd.s32 $0xFFFFFEF7, lr;
	s5 =	simm.s32 $0xFFFFFFFF;
	p2 =	slt.u32 s8, $0xFFFFF086  }
0x1c: {  	p1 =	slt.u32 s9, $0xF7A;
	s5 =	simm.s32 @!p2 $0x0  }
0x1d: {  	s5 =	simm.s32 @p1 $0x1;
	p0 =	seq.s32 s7, s2  }
0x1e: {  	s7 =	smul.u32 @!p0 $0xF7A, s2;
	p2 =	seq.s32 @!p0 s5, $0x0  }
0x1f: {  	s9 =	smul.u32 $0xF7A, s1;
	s8 =	simm.s32 @!p0 $0x1BF5;
	p2 =	por !p2, p0  }
0x20: {  	[sflag:s8] =	ssyncset.s32 @!p0 $0xFFFFF086;
	s6 =	sadd.s32 @!p0 s3, s7;
	s7 =	simm.s32 @!p0 $0x108  }
0x21: {  	s3 =	sadd.s32 s3, s9;
	s6 =	sadd.s32 @!p0 $0x88, s6;
	s7 =	simm.s32 @p2 $0x1082  }
0x22: {  	[simem:s7], [sflag:s8] =	dma.local @!p0 [hbm:s6], $0xF7A  }
0x23: {  	s9 =	sor.u32 $0xD0000000, s2;
	s6 =	simm.s32 $0x108;
	_ =	swait.ge @!p0 [sflag:s8], $0x0  }
0x24: {  	s3 =	sadd.s32 $0x88, s3;
	s6 =	simm.s32 @!p1 $0x1082;
	[sflag:s4] =	ssyncset.s32 $0xFFFFF086  }
0x25: {  	[simem:s6], [sflag:s4] =	dma.local [hbm:s3], $0xF7A  }
0x26: {  	[smem:$0x3F9F] =	sst s1;
	(tag) =	ssettag s2;
	_ =	strace s9  }
0x27: {  	s1 =	sld [smem:$0x3FAF]  }
0x28: {  	s2 =	sld [smem:$0x3FB0]  }
0x29: {  	s4 =	sld [smem:$0x3FB2]  }
0x2a: {  	p0 =	seq.s32 s5, $0x0;
	s5 =	sld [smem:$0x3FB3]  }
0x2b: {  	s6 =	sld [smem:$0x3FB4]  }
0x2c: {  	s7 =	sld [smem:$0x3FB5]  }
0x2d: {  	s3 =	simm.s32 $0x108;
	s8 =	sld [smem:$0x3FB6]  }
0x2e: {  	s3 =	simm.s32 @!p0 $0x1082;
	s9 =	sld [smem:$0x3FB7]  }
0x2f: {  	lr =	sadd.s32 s0, s3;
	s0 =	sld [smem:$0x3FAE]  }
0x30: {  	s3 =	sld [smem:$0x3FB1]  }
0x31: {  	[smem:$0x3FBA] =	sst s10  }
0x32: {  	s10 =	sld [smem:$0x3FB8];
	_ =	sdelay $0x3  }
0x33: {  	p0 =	seq.s32 s10, $0x1;
	s10 =	sld [smem:$0x3FBA];
	_ =	sdelay $0x3  }
0x34: {  	[smem:$0x3FBA] =	sst s10  }
0x35: {  	s10 =	sld [smem:$0x3FB9];
	_ =	sdelay $0x3  }
0x36: {  	p1 =	seq.s32 s10, $0x1;
	s10 =	sld [smem:$0x3FBA];
	_ =	sdelay $0x3  }
0x37: {  	[smem:$0x3FBA] =	sst s10  }
0x38: {  	s10 =	sld [smem:$0x3FBB]  }
0x39: {  	_ = 	snop;
	(pc) =	sbr.ind lr, $3  }
0x3a: {  	_ = 	snop  }
0x3b: {  	_ = 	snop  }
0x3c: {  	p2 =	seq.s32 s10, $0x1;
	s10 =	sld [smem:$0x3FBA]  }
0x3d: {  	_ =	shalt  }
0x3e: {  	_ =	shalt  }
0x3f: {  	_ =	shalt  }
0x40: {  	_ =	shalt  }
0x41: {  	_ =	shalt  }
0x42: {  	_ =	shalt  }
0x43: {  	_ =	shalt  }
0x44: {  	_ =	shalt  }
0x45: {  	_ =	shalt  }
0x46: {  	_ =	shalt  }
0x47: {  	_ =	shalt  }
0x48: {  	_ =	shalt  }
0x49: {  	_ =	shalt  }
0x4a: {  	_ =	shalt  }
0x4b: {  	_ =	shalt  }
0x4c: {  	_ =	shalt  }
0x4d: {  	_ =	shalt  }
0x4e: {  	_ =	shalt  }
0x4f: {  	_ =	shalt  }
0x50: {  	_ =	shalt  }
0x51: {  	_ =	shalt  }
0x52: {  	_ =	shalt  }
0x53: {  	_ =	shalt  }
0x54: {  	_ =	shalt  }
0x55: {  	_ =	shalt  }
0x56: {  	_ =	shalt  }
0x57: {  	_ =	shalt  }
0x58: {  	_ =	shalt  }
0x59: {  	_ =	shalt  }
0x5a: {  	_ =	shalt  }
0x5b: {  	_ =	shalt  }
0x5c: {  	_ =	shalt  }
0x5d: {  	_ =	shalt  }
0x5e: {  	_ =	shalt  }
0x5f: {  	_ =	shalt  }
0x60: {  	_ =	shalt  }
0x61: {  	_ =	shalt  }
0x62: {  	_ =	shalt  }
0x63: {  	_ =	shalt  }
0x64: {  	_ =	shalt  }
0x65: {  	_ =	shalt  }
0x66: {  	_ =	shalt  }
0x67: {  	_ =	shalt  }
0x68: {  	_ =	shalt  }
0x69: {  	_ =	shalt  }
0x6a: {  	_ =	shalt  }
0x6b: {  	_ =	shalt  }
0x6c: {  	_ =	shalt  }
0x6d: {  	_ =	shalt  }
0x6e: {  	_ =	shalt  }
0x6f: {  	_ =	shalt  }
0x70: {  	_ =	shalt  }
0x71: {  	_ =	shalt  }
0x72: {  	_ =	shalt  }
0x73: {  	_ =	shalt  }
0x74: {  	_ =	shalt  }
0x75: {  	_ =	shalt  }
0x76: {  	_ =	shalt  }
0x77: {  	_ =	shalt  }
0x78: {  	_ =	shalt  }
0x79: {  	_ =	shalt  }
0x7a: {  	_ =	shalt  }
0x7b: {  	_ =	shalt  }
0x7c: {  	_ =	shalt  }
0x7d: {  	_ =	shalt  }
0x7e: {  	_ =	shalt  }
0x7f: {  	_ =	shalt  }
0x80: {  	_ =	shalt  }
0x81: {  	_ =	shalt  }
0x82: {  	_ =	shalt  }
0x83: {  	_ =	shalt  }
0x84: {  	_ =	shalt  }
0x85: {  	_ =	shalt  }
0x86: {  	_ =	shalt  }
0x87: {  	_ =	shalt  }
.Lfunc_end0:
.L_simem_size_0:
called_computation_lowered:
.L_overlay_start_0:
0x88: {  	s2 =	sld [smem:$0x3FD9]  }
0x89: {  	s3 =	sld [smem:$0x3FFE];
	_ =	sdelay $0x1  }
0x8a: {  	s1 =	srdreg.scid  }
0x8b: {  	s0 =	sand.u32 $0x1, s1  }
0x8c: {  	s17 =	sshll.u32 s0, $0xA;
	s2 =	sadd.s32 s3, s2  }
0x8d: {  	s2 =	sadd.s32 s2, s17  }
0x8e: {  	[smem:$0x3FC6] =	sst s2  }
0x8f: {  	_ = 	snop  }
0x90: {  	s2 =	sld [smem:$0x3FD0];
	(tm) =	ssettm $0x1  }
0x91: {  	s18 =	sld [smem:$0x3FFB];
	_ =	sdelay $0x3  }
0x92: {  	_ =	strace s18  }
0x93: {  	s3 =	sld [smem:$0x3FFC];
	_ =	sdelay $0x3  }
0x94: {  	_ =	strace s3  }
0x95: {  	s3 =	sld [smem:$0x3FFD];
	_ =	sdelay $0x3  }
0x96: {  	_ =	strace s3  }
0x97: {  	_ =	strace $0x8FFFFFFF  }
0x98: {  	s19 =	sld [smem:$0x3FDB];
	_ =	sdelay $0x1  }
0x99: {  	s4 =	simm.s32 $_scs_section_size  }
0x9a: {  	s5 =	simm.s32 $_size__tile_overlayer_lowered;
	s6 =	simm.s32 $_tile_overlayer_lowered  }
0x9b: {  	s22 =	simm.s32 $0x1BFF;
	s21 =	sshll.u32 s6, $0x1;
	s3 =	sadd.s32 s4, s19  }
0x9c: {  	s7 =	simm.s32 $0x0;
	s20 =	sshll.u32 s5, $0x1;
	s5 =	sadd.s32 s21, s3  }
0x9d: {  	[timem:s7], [sflag:s22] =	dma.local [hbm:s5], s20  }
0x9e: {  	_ =	swait.ge [sflag:s22], s20  }
0x9f: {  	s4 =	ssub.s32 $0x0, s20;
	[sflag:s22] =	ssyncset.done $0x0  }
0xa0: {  	[sflag:s22] =	ssyncadd.s32 s4;
	_ =	sdelay $0x1  }
0xa1: {  	s23 =	simm.s32 $0x1B8B  }
0xa2: {  	_ =	swait.ge [sflag:s23], $0x1  }
0xa3: {  	[sflag:s23] =	ssyncset.done $0x0  }
0xa4: {  	s25 =	simm.s32 $0x1B8E;
	s24 =	sld [smem:$0x3FFE];
	[sflag:s23] =	ssyncadd.s32 $0xFFFFFFFF  }
0xa5: {  	s26 =	simm.s32 $execute0_lowered;
	[smem:$0x3FD2] =	sst s25  }
0xa6: {  	s5 =	sshll.u32 s26, $0x1;
	_ =	strace $0x80000046;
	[dreg:$0x1] =	wrdreg $0xFFFFFFFF  }
0xa7: {  	s28 =	simm.s32 $_size_execute0_lowered;
	s3 =	sadd.s32 s3, s5;
	[dreg:$0x0] =	wrdreg $0x0  }
0xa8: {  	s5 =	sshll.u32 s28, $0x1;
	[dreg:$0x2] =	wrdreg s3  }
0xa9: {  	[dreg:$0x3] =	wrdreg s5  }
0xaa: {  	[dreg:$0x4] =	wrdreg $0xC0  }
0xab: {  	_ =	task [dreg:s7], $0x5FFFF  }
0xac: {  	[dreg:$0x1] =	wrdreg $0xFFFFFFFF  }
0xad: {  	[dreg:$0x0] =	wrdreg $0x60  }
0xae: {  	[dreg:$0x2] =	wrdreg s24  }
0xaf: {  	[dreg:$0x3] =	wrdreg s2  }
0xb0: {  	[dreg:$0x4] =	wrdreg $0x9  }
0xb1: {  	_ =	task.clear_ibuf [dreg:s7], $0x5FFFF;
	_ =	strace $0x90000046  }
0xb2: {  	s29 =	simm.s32 $0x9;
	_ =	strace $0x80000048  }
0xb3: {  	_ =	swait.ge [sflag:s29], $0x1  }
0xb4: {  	[sflag:s29] =	ssyncadd.s32 $0xFFFFFFFF  }
0xb5: {  	_ =	strace $0x90000048  }
0xb6: {  	_ =	sfence  }
0xb7: {  	s30 =	sld [smem:$0x0];
	_ =	sdelay $0x2  }
0xb8: {  	s31 =	sshll.u32 s1, $0xD;
	s1 =	sshrl.u32 s1, $0x2  }
0xb9: {  	s3 =	sand.u32 $0x4000, s31;
	s1 =	sadd.s32 s1, s30  }
0xba: {  	s0 =	sor.u32 s3, s0;
	s1 =	sshll.u32 s1, $0x11  }
0xbb: {  	s0 =	sor.u32 s1, s0  }
0xbc: {  	s0 =	sadd.s32 $0x8F2B, s0  }
0xbd: {  	[sflag:s0] =	ssyncadd.remote.s32 $0x1  }
0xbe: {  	_ =	sfence.sel $0xFFFF  }
0xbf: {  	[dreg:$0x0] =	wrdreg $0xFFFFFFFF;
	(pc) =	sbr.abs _section_cstart, $3  }
0xc0: {  	[dreg:$0x1] =	wrdreg $0xFFFFFFFF  }
0xc1: {  	_ =	task.clear_ibuf [dreg:s7], $0x2FFFF;
	_ =	strace $0x9FFFFFFF  }
0xc2: {  	(tm) =	ssettm $0x7FFFFFFF  }
0xc3: {  	_ =	shalt  }
tec
execute0_lowered:
.L_overlay_start_1:
0x0: {  	(tag) =	ssettag $0x1  }
0x1: {  	s0 =	rddreg [dreg:$0x0];
	s1 =	srdreg.scid  }
0x2: {  	s3 =	stileid.u32;
	s2 =	rddreg [dreg:$0x1];
	s12 =	simm.s32 $0x80  }
0x3: {  	s17 =	simm.s32 $0x1;
	s18 =	simm.s32 $0xA400;
	s31 =	simm.s32 $0x2  }
0x4: {  	s23 =	simm.s32 $0x3;
	s24 =	simm.s32 $0xC600;
	s20 =	simm.s32 $0x4  }
0x5: {  	s21 =	simm.s32 $0x8;
	s22 =	simm.s32 $0xD700;
	s16 =	simm.s32 $0xE558  }
0x6: {  	s19 =	simm.s32 $0xE5E0;
	s25 =	simm.s32 $0xE668;
	s26 =	simm.s32 $0xE6F0  }
0x7: {  	s28 =	simm.s32 $0xE778;
	s1 =	sand.u32 $0x1, s1;
	s4 =	sshll.u32 s3, $0x1  }
0x8: {  	s3 =	simm.s32 $0x0;
	s8 =	sadd.s32 $0x8000, s2;
	s5 =	sor.u32 s1, s4  }
0x9: {  	s9 =	sadd.s32 $0xC000, s2;
	s1 =	ssub.s32 $0x2, s1;
	s4 =	smul.u32 $0xC80, s5  }
.Ltmp0:
0xa: {  	[smem:$0x7FF] =	sst s3;
	s6 =	sshrl.u32 s1, $0x1;
	(pc) =	sbr.rel .LBB2_1-.Ltmp0, $4  }
0xb: {  	v0 =	vlaneseq.u32;
	_ =	strace $0x80000047;
	s5 =	smul.u32 $0xC8, s5;
	s29 =	ssub.s32 s1, s6  }
0xc: {  	v0 =	vmul.u32 $0x88, v0;
	s7 =	sadd.s32 s4, s0;
	s4 =	sadd.s32 $0xF42A00, s0;
	s0 =	smax.u32 s29, $0x1  }
0xd: {  	s1 =	simm.s32 $0xB500;
	s30 =	sadd.s32 $0x600, s7;
	[dreg:$0x4] =	wrdreg s0  }
0xe: {  	v1 =	vadd.s32 $0x880, v0;
	s6 =	simm.s32 $0x0;
	s7 =	sadd.s32 $0x4000, s2;
	[dreg:$0x3] =	wrdreg s30  }
.LBB2_16:
0xf: {  	s0 =	simm.s32 $0x5  }
0x10: {  	_ =	swait.ge [sflag:s0], $0x400  }
0x11: {  	[sflag:s0] =	ssyncset.done $0x0  }
0x12: {  	[sflag:s0] =	ssyncadd.s32 $0xFFFFFC00  }
0x13: {  	_ =	swait.ge [sflag:s0], $0x400  }
0x14: {  	[sflag:s0] =	ssyncset.done $0x0  }
0x15: {  	[sflag:s0] =	ssyncadd.s32 $0xFFFFFC00  }
0x16: {  	_ =	swait.ge [sflag:s0], $0x400  }
0x17: {  	[sflag:s0] =	ssyncset.done $0x0  }
0x18: {  	[sflag:s0] =	ssyncadd.s32 $0xFFFFFC00  }
0x19: {  	_ =	swait.ge [sflag:s0], $0x400  }
0x1a: {  	[sflag:s0] =	ssyncset.done $0x0  }
0x1b: {  	s15 =	simm.s32 $0x6;
	[sflag:s0] =	ssyncadd.s32 $0xFFFFFC00  }
0x1c: {  	_ =	swait.ge [sflag:s15], $0x400  }
0x1d: {  	[sflag:s15] =	ssyncset.done $0x0  }
0x1e: {  	[sflag:s15] =	ssyncadd.s32 $0xFFFFFC00  }
0x1f: {  	_ =	swait.ge [sflag:s15], $0x400  }
0x20: {  	[sflag:s15] =	ssyncset.done $0x0  }
0x21: {  	[sflag:s15] =	ssyncadd.s32 $0xFFFFFC00  }
0x22: {  	_ =	swait.ge [sflag:s15], $0x400  }
0x23: {  	[sflag:s15] =	ssyncset.done $0x0  }
0x24: {  	[sflag:s15] =	ssyncadd.s32 $0xFFFFFC00  }
0x25: {  	_ =	swait.ge [sflag:s15], $0x400  }
0x26: {  	[sflag:s15] =	ssyncset.done $0x0  }
0x27: {  	s29 =	simm.s32 $0x7;
	[sflag:s15] =	ssyncadd.s32 $0xFFFFFC00  }
0x28: {  	_ =	swait.ge [sflag:s29], $0x400  }
0x29: {  	[sflag:s29] =	ssyncset.done $0x0  }
0x2a: {  	[sflag:s29] =	ssyncadd.s32 $0xFFFFFC00  }
0x2b: {  	_ =	swait.ge [sflag:s29], $0x400  }
0x2c: {  	[sflag:s29] =	ssyncset.done $0x0  }
0x2d: {  	[sflag:s29] =	ssyncadd.s32 $0xFFFFFC00  }
0x2e: {  	_ =	swait.ge [sflag:s29], $0x400  }
0x2f: {  	[sflag:s29] =	ssyncset.done $0x0  }
0x30: {  	[sflag:s29] =	ssyncadd.s32 $0xFFFFFC00  }
0x31: {  	_ =	swait.ge [sflag:s29], $0x400  }
0x32: {  	[sflag:s29] =	ssyncset.done $0x0  }
0x33: {  	[sflag:s29] =	ssyncadd.s32 $0xFFFFFC00  }
0x34: {  	_ =	swait.ge [sflag:s21], $0x400  }
0x35: {  	[sflag:s21] =	ssyncset.done $0x0  }
0x36: {  	[sflag:s21] =	ssyncadd.s32 $0xFFFFFC00  }
0x37: {  	_ =	swait.ge [sflag:s21], $0x400  }
0x38: {  	[sflag:s21] =	ssyncset.done $0x0  }
0x39: {  	[sflag:s21] =	ssyncadd.s32 $0xFFFFFC00  }
0x3a: {  	_ =	swait.ge [sflag:s21], $0x400  }
0x3b: {  	[sflag:s21] =	ssyncset.done $0x0  }
0x3c: {  	[sflag:s21] =	ssyncadd.s32 $0xFFFFFC00  }
0x3d: {  	_ =	swait.ge [sflag:s21], $0x400  }
0x3e: {  	s6 =	rddreg [dreg:$0x5]  }
0x3f: {  	s30 =	rddreg [dreg:$0x4];
	s6 =	sadd.s32 $0x1, s6  }
0x40: {  	p0 =	sne.s32 s6, s30  }
.Ltmp1:
0x41: {  	_ = 	snop;
	(pc) =	sbr.rel @!p0 .LBB2_17-.Ltmp1, $3  }
0x42: {  	_ =	sdelay $0x1  }
0x43: {  	[sflag:s21] =	ssyncset.done $0x0  }
0x44: {  	[sflag:s21] =	ssyncadd.s32 $0xFFFFFC00  }
.LBB2_1:
0x45: {  	[dreg:$0x5] =	wrdreg s6  }
0x46: {  	s0 =	rddreg [dreg:$0x3];
	s11 =	simm.s32 $0x9  }
0x47: {  	[tilespmem:s3], [sflag:$0x9] =	stream.linear.gather [hbm4b:s0+s3], $0x6400, $0x38;
	[tilespmem:$0xE800] =	vst v63  }
0x48: {  	_ =	swait.ge [sflag:s11], $0x6400  }
0x49: {  	[sflag:s11] =	ssyncset.done $0x0  }
0x4a: {  	s13 =	simm.s32 $0x6400;
	[sflag:s11] =	ssyncadd.s32 $0xFFFF9C00  }
0x4b: {  	[tilespmem:s13], [sflag:$0x1] =	stream.indirect.gather [hbm4b:s4+s12], $0x20, s3, s12, $0xb8;
	[tilespmem:$0xE800] =	vst v63  }
0x4c: {  	s14 =	simm.s32 $0x7400  }
0x4d: {  	[tilespmem:s14], [sflag:$0x2] =	stream.indirect.gather [hbm4b:s4+s12], $0x20, s12, s12, $0xb8;
	[tilespmem:$0xE800] =	vst v63  }
0x4e: {  	s15 =	simm.s32 $0x100;
	s30 =	simm.s32 $0x8400;
	s29 =	simm.s32 $0x0  }
0x4f: {  	[tilespmem:s30], [sflag:$0x3] =	stream.indirect.gather [hbm4b:s4+s12], $0x20, s15, s12, $0xb8;
	[tilespmem:$0xE800] =	vst v63  }
.LBB2_2:
0x50: {  	_ =	swait.ge [sflag:s17], $0x1000  }
0x51: {  	p0 =	seq.s32 s29, $0x0;
	[sflag:s17] =	ssyncset.done $0x0  }
0x52: {  	s0 =	simm.s32 @!p0 $0x5;
	[sflag:s17] =	ssyncadd.s32 $0xFFFFF000  }
0x53: {  	_ =	swait.ge @!p0 [sflag:s0], $0x400  }
0x54: {  	[sflag:s0] =	ssyncset.done @!p0 $0x0  }
0x55: {  	[sflag:s0] =	ssyncadd.s32 @!p0 $0xFFFFFC00  }
0x56: {  	_ =	swait.ge @!p0 [sflag:s0], $0x400  }
0x57: {  	[sflag:s0] =	ssyncset.done @!p0 $0x0  }
0x58: {  	[sflag:s0] =	ssyncadd.s32 @!p0 $0xFFFFFC00  }
0x59: {  	_ =	swait.ge @!p0 [sflag:s0], $0x400  }
0x5a: {  	[sflag:s0] =	ssyncset.done @!p0 $0x0  }
0x5b: {  	[sflag:s0] =	ssyncadd.s32 @!p0 $0xFFFFFC00  }
0x5c: {  	s6 =	simm.s32 $0x3;
	_ =	swait.ge @!p0 [sflag:s0], $0x400  }
0x5d: {  	s10 =	simm.s32 $0x0;
	v2 =	vmov s6;
	[sflag:s0] =	ssyncset.done @!p0 $0x0  }
0x5e: {  	s14 =	simm.s32 $0x6440;
	v3 =	vmov s10;
	v2 =	vand.u32 $0x7F, v2;
	[sflag:s0] =	ssyncadd.s32 @!p0 $0xFFFFFC00  }
0x5f: {  	v3 =	vand.u32 $0x7C, v3;
	v5 =	vadd.s32 v0, v2;
	v4 =	vld [tilespmem:s14+$0x20]  }
0x60: {  	v7 =	vadd.s32 v0, v3;
	v6 =	vld [tilespmem:s14+$0xFFFFFFC0]  }
0x61: {  	s30 =	simm.s32 $0x1  }
0x62: {  	v8 =	vmov s30  }
0x63: {  	s6 =	simm.s32 $0x2;
	v8 =	vand.u32 $0x7D, v8  }
0x64: {  	v9 =	vmov s6;
	v11 =	vadd.s32 v0, v8;
	v10 =	vld [tilespmem:s14+$0xFFFFFFE0];
	[tilespmem:v5+s18+$0x0] =	vst.idx.msk $0xffff, v4  }
0x65: {  	s10 =	simm.s32 $0x7;
	v16 =	vand.u32 $0x7E, v9;
	v14 =	vadd.s32 v1, v2;
	[tilespmem:v7+s18+$0x0] =	vst.idx.msk $0xffff, v6;
	v7 =	vld [tilespmem:s14+$0x30]  }
0x66: {  	s11 =	simm.s32 $0x4;
	v12 =	vadd.s32 v0, v16;
	v9 =	vld [tilespmem:s14+$0x0];
	v4 =	vmov s10  }
0x67: {  	s13 =	simm.s32 $0x64C0;
	s15 =	simm.s32 $0x5;
	v18 =	vadd.s32 v1, v3;
	v2 =	vmov s11;
	v4 =	vand.u32 $0x7F, v4;
	v17 =	vld [tilespmem:s14+$0xFFFFFFD0]  }
0x68: {  	s30 =	simm.s32 $0x6;
	v19 =	vld [tilespmem:s13+$0x20];
	v5 =	vand.u32 $0x7C, v2;
	v2 =	vmov s15;
	v20 =	vadd.s32 v0, v4  }
0x69: {  	v13 =	vld [tilespmem:s13+$0xFFFFFFC0];
	[tilespmem:v11+s18+$0x0] =	vst.idx.msk $0xffff, v10;
	v6 =	vmov s30;
	v15 =	vadd.s32 v0, v5;
	v3 =	vand.u32 $0x7D, v2  }
0x6a: {  	v11 =	vld [tilespmem:s13+$0xFFFFFFE0];
	v2 =	vand.u32 $0x7E, v6;
	[tilespmem:v14+s18+$0x0] =	vst.idx.msk $0xffff, v7;
	v14 =	vadd.s32 v0, v3  }
0x6b: {  	[tilespmem:v12+s18+$0x0] =	vst.idx.msk $0xffff, v9;
	v6 =	vld [tilespmem:s13+$0x0];
	v12 =	vadd.s32 v0, v2  }
0x6c: {  	s6 =	simm.s32 $0x8;
	v8 =	vadd.s32 v1, v8;
	s11 =	simm.s32 $0xB;
	[tilespmem:v18+s18+$0x0] =	vst.idx.msk $0xffff, v17;
	v7 =	vld [tilespmem:s14+$0xFFFFFFF0]  }
0x6d: {  	s0 =	sshll.u32 s29, $0x2;
	s10 =	simm.s32 $0xC;
	v10 =	vadd.s32 v1, v16;
	s15 =	simm.s32 $0x64C0;
	v9 =	vld [tilespmem:s14+$0x10];
	[tilespmem:v20+s18+$0x0] =	vst.idx.msk $0xffff, v19  }
.LBB2_3:
0x6e: {  	p1 =	slt.u32 s10, $0x7C;
	v16 =	vmov s11;
	[tilespmem:v15+s18+$0x0] =	vst.idx.msk $0xffff, v13;
	v17 =	vld [tilespmem:s13+$0x30];
	v18 =	vadd.s32 v1, v4  }
0x6f: {  	v13 =	vmov s6;
	s11 =	sadd.s32 $0x1, s6;
	v19 =	vadd.s32 v1, v5;
	s13 =	sadd.s32 $0x80, s13;
	v4 =	vand.u32 $0x7F, v16;
	v16 =	vld [tilespmem:s15+$0xFFFFFFD0];
	[tilespmem:v14+s18+$0x0] =	vst.idx.msk $0xffff, v11  }
0x70: {  	v5 =	vand.u32 $0x7C, v13;
	v11 =	vmov s11;
	s11 =	sadd.s32 $0x2, s6;
	s6 =	smov.u32 s10;
	v20 =	vld [tilespmem:s13+$0x20];
	v21 =	vadd.s32 v0, v4;
	[tilespmem:v12+s18+$0x0] =	vst.idx.msk $0xffff, v6  }
.Ltmp2:
0x71: {  	v15 =	vadd.s32 v0, v5;
	v22 =	vand.u32 $0x7D, v11;
	v6 =	vmov s11;
	v13 =	vld [tilespmem:s13+$0xFFFFFFC0];
	[tilespmem:v8+s18+$0x0] =	vst.idx.msk $0xffff, v7;
	(pc) =	sbr.rel @p1 .LBB2_3-.Ltmp2, $4  }
0x72: {  	v14 =	vadd.s32 v0, v22;
	v23 =	vand.u32 $0x7E, v6;
	v11 =	vld [tilespmem:s13+$0xFFFFFFE0];
	[tilespmem:v10+s18+$0x0] =	vst.idx.msk $0xffff, v9  }
0x73: {  	v12 =	vadd.s32 v0, v23;
	v6 =	vld [tilespmem:s13+$0x0];
	[tilespmem:v18+s18+$0x0] =	vst.idx.msk $0xffff, v17  }
0x74: {  	v8 =	vadd.s32 v1, v3;
	v3 =	vmov v22;
	[tilespmem:v19+s18+$0x0] =	vst.idx.msk $0xffff, v16;
	v7 =	vld [tilespmem:s15+$0xFFFFFFF0]  }
0x75: {  	s10 =	sadd.s32 $0x4, s10;
	s11 =	sadd.s32 $0x3, s6;
	v10 =	vadd.s32 v1, v2;
	v2 =	vmov v23;
	[tilespmem:v21+s18+$0x0] =	vst.idx.msk $0xffff, v20;
	v9 =	vld [tilespmem:s15+$0x10];
	s15 =	smov.u32 s13  }
0x76: {  	_ =	sdelay $0x3  }
0x77: {  	v16 =	vmov s11;
	[tilespmem:v15+s18+$0x0] =	vst.idx.msk $0xffff, v13;
	v13 =	vld [tilespmem:s13+$0x30];
	v4 =	vadd.s32 v1, v4  }
0x78: {  	v15 =	vmov s6;
	s10 =	sadd.s32 $0x1, s6;
	v5 =	vadd.s32 v1, v5;
	s14 =	sadd.s32 $0x80, s13;
	v16 =	vand.u32 $0x7F, v16;
	v17 =	vld [tilespmem:s15+$0xFFFFFFD0];
	[tilespmem:v14+s18+$0x0] =	vst.idx.msk $0xffff, v11  }
0x79: {  	v11 =	vand.u32 $0x7C, v15;
	v14 =	vmov s10;
	s10 =	sadd.s32 $0x2, s6;
	v15 =	vld [tilespmem:s14+$0x20];
	v18 =	vadd.s32 v0, v16;
	[tilespmem:v12+s18+$0x0] =	vst.idx.msk $0xffff, v6  }
0x7a: {  	v6 =	vld [tilespmem:s14+$0xFFFFFFC0];
	v12 =	vadd.s32 v0, v11;
	v14 =	vand.u32 $0x7D, v14;
	v19 =	vmov s10;
	[tilespmem:v8+s18+$0x0] =	vst.idx.msk $0xffff, v7  }
0x7b: {  	v7 =	vld [tilespmem:s14+$0xFFFFFFE0];
	v8 =	vadd.s32 v0, v14;
	v19 =	vand.u32 $0x7E, v19;
	[tilespmem:v10+s18+$0x0] =	vst.idx.msk $0xffff, v9  }
0x7c: {  	v9 =	vld [tilespmem:s14+$0x0];
	v10 =	vadd.s32 v0, v19;
	[tilespmem:v4+s18+$0x0] =	vst.idx.msk $0xffff, v13  }
0x7d: {  	v3 =	vadd.s32 v1, v3;
	v4 =	vld [tilespmem:s15+$0xFFFFFFF0];
	[tilespmem:v5+s18+$0x0] =	vst.idx.msk $0xffff, v17  }
0x7e: {  	v2 =	vadd.s32 v1, v2;
	v5 =	vld [tilespmem:s15+$0x10];
	[tilespmem:v18+s18+$0x0] =	vst.idx.msk $0xffff, v15  }
0x7f: {  	[tilespmem:v12+s18+$0x0] =	vst.idx.msk $0xffff, v6;
	v12 =	vadd.s32 v1, v16;
	v6 =	vld [tilespmem:s14+$0x30]  }
0x80: {  	v11 =	vadd.s32 v1, v11;
	v13 =	vld [tilespmem:s14+$0xFFFFFFD0];
	[tilespmem:v8+s18+$0x0] =	vst.idx.msk $0xffff, v7  }
0x81: {  	v8 =	vadd.s32 v1, v14;
	[tilespmem:v10+s18+$0x0] =	vst.idx.msk $0xffff, v9;
	v7 =	vld [tilespmem:s14+$0xFFFFFFF0]  }
0x82: {  	s11 =	sadd.s32 s5, s0;
	[tilespmem:v3+s18+$0x0] =	vst.idx.msk $0xffff, v4;
	v3 =	vld [tilespmem:s14+$0x10];
	v4 =	vadd.s32 v1, v19  }
0x83: {  	s13 =	sshll.u32 s11, $0x2;
	[tilespmem:v2+s18+$0x0] =	vst.idx.msk $0xffff, v5  }
0x84: {  	s6 =	sand.u32 $0x7C, s11;
	s10 =	sand.u32 $0x3FFE00, s13;
	[tilespmem:v12+s18+$0x0] =	vst.idx.msk $0xffff, v6  }
0x85: {  	s6 =	sor.u32 s6, s10;
	[tilespmem:v11+s18+$0x0] =	vst.idx.msk $0xffff, v13  }
0x86: {  	s6 =	sshll.u32 s6, $0x7;
	[tilespmem:v8+s18+$0x0] =	vst.idx.msk $0xffff, v7  }
0x87: {  	s10 =	sadd.s32 s2, s6;
	[tilespmem:v4+s18+$0x0] =	vst.idx.msk $0xffff, v3  }
0x88: {  	[hbm4b:s10+s3] =	stream.linear.scatter [tilespmem:s18], [sflag:$0x5], $0x80, $0x38;
	[tilespmem:$0xE800] =	vst v63  }
0x89: {  	s15 =	simm.s32 $0xA488;
	s14 =	sadd.s32 $0x10, s10  }
0x8a: {  	[hbm4b:s14+s3] =	stream.linear.scatter [tilespmem:s15], [sflag:$0x5], $0x80, $0x38;
	[tilespmem:$0xE800] =	vst v63  }
0x8b: {  	s14 =	sadd.s32 $0x20, s10;
	s15 =	simm.s32 $0xA510  }
0x8c: {  	[hbm4b:s14+s3] =	stream.linear.scatter [tilespmem:s15], [sflag:$0x5], $0x80, $0x38;
	[tilespmem:$0xE800] =	vst v63  }
0x8d: {  	s14 =	sadd.s32 $0x30, s10;
	s15 =	simm.s32 $0xA598  }
0x8e: {  	[hbm4b:s14+s3] =	stream.linear.scatter [tilespmem:s15], [sflag:$0x5], $0x80, $0x38;
	[tilespmem:$0xE800] =	vst v63  }
0x8f: {  	s14 =	sadd.s32 $0x40, s10;
	s15 =	simm.s32 $0xA620  }
0x90: {  	[hbm4b:s14+s3] =	stream.linear.scatter [tilespmem:s15], [sflag:$0x5], $0x80, $0x38;
	[tilespmem:$0xE800] =	vst v63  }
0x91: {  	s14 =	sadd.s32 $0x50, s10;
	s15 =	simm.s32 $0xA6A8  }
0x92: {  	[hbm4b:s14+s3] =	stream.linear.scatter [tilespmem:s15], [sflag:$0x5], $0x80, $0x38;
	[tilespmem:$0xE800] =	vst v63  }
0x93: {  	s13 =	sadd.s32 $0x60, s10;
	s14 =	simm.s32 $0xA730  }
0x94: {  	[hbm4b:s13+s3] =	stream.linear.scatter [tilespmem:s14], [sflag:$0x5], $0x80, $0x38;
	[tilespmem:$0xE800] =	vst v63  }
0x95: {  	s10 =	sadd.s32 $0x70, s10;
	s15 =	simm.s32 $0xA7B8  }
0x96: {  	[hbm4b:s10+s3] =	stream.linear.scatter [tilespmem:s15], [sflag:$0x5], $0x80, $0x38;
	[tilespmem:$0xE800] =	vst v63  }
0x97: {  	s13 =	simm.s32 $0xA840;
	s10 =	sadd.s32 s6, s7  }
0x98: {  	[hbm4b:s10+s3] =	stream.linear.scatter [tilespmem:s13], [sflag:$0x5], $0x80, $0x38;
	[tilespmem:$0xE800] =	vst v63  }
0x99: {  	s15 =	simm.s32 $0xA8C8;
	s14 =	sadd.s32 $0x10, s10  }
0x9a: {  	[hbm4b:s14+s3] =	stream.linear.scatter [tilespmem:s15], [sflag:$0x5], $0x80, $0x38;
	[tilespmem:$0xE800] =	vst v63  }
0x9b: {  	s14 =	sadd.s32 $0x20, s10;
	s15 =	simm.s32 $0xA950  }
0x9c: {  	[hbm4b:s14+s3] =	stream.linear.scatter [tilespmem:s15], [sflag:$0x5], $0x80, $0x38;
	[tilespmem:$0xE800] =	vst v63  }
0x9d: {  	s14 =	sadd.s32 $0x30, s10;
	s15 =	simm.s32 $0xA9D8  }
0x9e: {  	[hbm4b:s14+s3] =	stream.linear.scatter [tilespmem:s15], [sflag:$0x5], $0x80, $0x38;
	[tilespmem:$0xE800] =	vst v63  }
0x9f: {  	s14 =	sadd.s32 $0x40, s10;
	s15 =	simm.s32 $0xAA60  }
0xa0: {  	[hbm4b:s14+s3] =	stream.linear.scatter [tilespmem:s15], [sflag:$0x5], $0x80, $0x38;
	[tilespmem:$0xE800] =	vst v63  }
0xa1: {  	s14 =	sadd.s32 $0x50, s10;
	s15 =	simm.s32 $0xAAE8  }
0xa2: {  	[hbm4b:s14+s3] =	stream.linear.scatter [tilespmem:s15], [sflag:$0x5], $0x80, $0x38;
	[tilespmem:$0xE800] =	vst v63  }
0xa3: {  	s13 =	sadd.s32 $0x60, s10;
	s14 =	simm.s32 $0xAB70  }
0xa4: {  	[hbm4b:s13+s3] =	stream.linear.scatter [tilespmem:s14], [sflag:$0x5], $0x80, $0x38;
	[tilespmem:$0xE800] =	vst v63  }
0xa5: {  	s10 =	sadd.s32 $0x70, s10;
	s15 =	simm.s32 $0xABF8  }
0xa6: {  	[hbm4b:s10+s3] =	stream.linear.scatter [tilespmem:s15], [sflag:$0x5], $0x80, $0x38;
	[tilespmem:$0xE800] =	vst v63  }
0xa7: {  	s13 =	simm.s32 $0xAC80;
	s10 =	sadd.s32 s6, s8  }
0xa8: {  	[hbm4b:s10+s3] =	stream.linear.scatter [tilespmem:s13], [sflag:$0x5], $0x80, $0x38;
	[tilespmem:$0xE800] =	vst v63  }
0xa9: {  	s15 =	simm.s32 $0xAD08;
	s14 =	sadd.s32 $0x10, s10  }
0xaa: {  	[hbm4b:s14+s3] =	stream.linear.scatter [tilespmem:s15], [sflag:$0x5], $0x80, $0x38;
	[tilespmem:$0xE800] =	vst v63  }
0xab: {  	s14 =	sadd.s32 $0x20, s10;
	s15 =	simm.s32 $0xAD90  }
0xac: {  	[hbm4b:s14+s3] =	stream.linear.scatter [tilespmem:s15], [sflag:$0x5], $0x80, $0x38;
	[tilespmem:$0xE800] =	vst v63  }
0xad: {  	s14 =	sadd.s32 $0x30, s10;
	s15 =	simm.s32 $0xAE18  }
0xae: {  	[hbm4b:s14+s3] =	stream.linear.scatter [tilespmem:s15], [sflag:$0x5], $0x80, $0x38;
	[tilespmem:$0xE800] =	vst v63  }
0xaf: {  	s14 =	sadd.s32 $0x40, s10;
	s15 =	simm.s32 $0xAEA0  }
0xb0: {  	[hbm4b:s14+s3] =	stream.linear.scatter [tilespmem:s15], [sflag:$0x5], $0x80, $0x38;
	[tilespmem:$0xE800] =	vst v63  }
0xb1: {  	s14 =	sadd.s32 $0x50, s10;
	s15 =	simm.s32 $0xAF28  }
0xb2: {  	[hbm4b:s14+s3] =	stream.linear.scatter [tilespmem:s15], [sflag:$0x5], $0x80, $0x38;
	[tilespmem:$0xE800] =	vst v63  }
0xb3: {  	s13 =	sadd.s32 $0x60, s10;
	s14 =	simm.s32 $0xAFB0  }
0xb4: {  	[hbm4b:s13+s3] =	stream.linear.scatter [tilespmem:s14], [sflag:$0x5], $0x80, $0x38;
	[tilespmem:$0xE800] =	vst v63  }
0xb5: {  	s10 =	sadd.s32 $0x70, s10;
	s15 =	simm.s32 $0xB038  }
0xb6: {  	[hbm4b:s10+s3] =	stream.linear.scatter [tilespmem:s15], [sflag:$0x5], $0x80, $0x38;
	[tilespmem:$0xE800] =	vst v63  }
0xb7: {  	s6 =	sadd.s32 s6, s9;
	s13 =	simm.s32 $0xB0C0  }
0xb8: {  	[hbm4b:s6+s3] =	stream.linear.scatter [tilespmem:s13], [sflag:$0x5], $0x80, $0x38;
	[tilespmem:$0xE800] =	vst v63  }
0xb9: {  	s14 =	sadd.s32 $0x10, s6;
	s15 =	simm.s32 $0xB148  }
0xba: {  	[hbm4b:s14+s3] =	stream.linear.scatter [tilespmem:s15], [sflag:$0x5], $0x80, $0x38;
	[tilespmem:$0xE800] =	vst v63  }
0xbb: {  	s11 =	sadd.s32 $0x20, s6;
	s13 =	simm.s32 $0xB1D0  }
0xbc: {  	[hbm4b:s11+s3] =	stream.linear.scatter [tilespmem:s13], [sflag:$0x5], $0x80, $0x38;
	[tilespmem:$0xE800] =	vst v63  }
0xbd: {  	s14 =	sadd.s32 $0x30, s6;
	s15 =	simm.s32 $0xB258  }
0xbe: {  	[hbm4b:s14+s3] =	stream.linear.scatter [tilespmem:s15], [sflag:$0x5], $0x80, $0x38;
	[tilespmem:$0xE800] =	vst v63  }
0xbf: {  	s11 =	sadd.s32 $0x40, s6;
	s13 =	simm.s32 $0xB2E0  }
0xc0: {  	[hbm4b:s11+s3] =	stream.linear.scatter [tilespmem:s13], [sflag:$0x5], $0x80, $0x38;
	[tilespmem:$0xE800] =	vst v63  }
0xc1: {  	s14 =	sadd.s32 $0x50, s6;
	s15 =	simm.s32 $0xB368  }
0xc2: {  	[hbm4b:s14+s3] =	stream.linear.scatter [tilespmem:s15], [sflag:$0x5], $0x80, $0x38;
	[tilespmem:$0xE800] =	vst v63  }
0xc3: {  	s30 =	sor.u32 $0x3, s0;
	s13 =	sadd.s32 $0x60, s6;
	s14 =	simm.s32 $0xB3F0  }
0xc4: {  	[hbm4b:s13+s3] =	stream.linear.scatter [tilespmem:s14], [sflag:$0x5], $0x80, $0x38;
	[tilespmem:$0xE800] =	vst v63  }
0xc5: {  	s6 =	sadd.s32 $0x70, s6;
	s11 =	sshll.u32 s30, $0x7;
	s15 =	simm.s32 $0xB478  }
0xc6: {  	[hbm4b:s6+s3] =	stream.linear.scatter [tilespmem:s15], [sflag:$0x5], $0x80, $0x38;
	[tilespmem:$0xE800] =	vst v63  }
0xc7: {  	s13 =	simm.s32 $0x9400;
	s6 =	sand.u32 $0x3FFFFF80, s11  }
0xc8: {  	[tilespmem:s13], [sflag:$0x4] =	stream.indirect.gather [hbm4b:s4+s12], $0x20, s6, s12, $0xb8;
	[tilespmem:$0xE800] =	vst v63  }
0xc9: {  	_ =	swait.ge [sflag:s31], $0x1000  }
0xca: {  	[sflag:s31] =	ssyncset.done $0x0  }
0xcb: {  	s6 =	simm.s32 @!p0 $0x6;
	[sflag:s31] =	ssyncadd.s32 $0xFFFFF000  }
0xcc: {  	_ =	swait.ge @!p0 [sflag:s6], $0x400  }
0xcd: {  	[sflag:s6] =	ssyncset.done @!p0 $0x0  }
0xce: {  	[sflag:s6] =	ssyncadd.s32 @!p0 $0xFFFFFC00  }
0xcf: {  	_ =	swait.ge @!p0 [sflag:s6], $0x400  }
0xd0: {  	[sflag:s6] =	ssyncset.done @!p0 $0x0  }
0xd1: {  	[sflag:s6] =	ssyncadd.s32 @!p0 $0xFFFFFC00  }
0xd2: {  	_ =	swait.ge @!p0 [sflag:s6], $0x400  }
0xd3: {  	[sflag:s6] =	ssyncset.done @!p0 $0x0  }
0xd4: {  	[sflag:s6] =	ssyncadd.s32 @!p0 $0xFFFFFC00  }
0xd5: {  	s14 =	simm.s32 $0x3;
	_ =	swait.ge @!p0 [sflag:s6], $0x400  }
0xd6: {  	v2 =	vmov s14;
	s15 =	simm.s32 $0x0;
	[sflag:s6] =	ssyncset.done @!p0 $0x0  }
0xd7: {  	v2 =	vand.u32 $0x7F, v2;
	v3 =	vmov s15;
	[sflag:s6] =	ssyncadd.s32 @!p0 $0xFFFFFC00;
	s6 =	simm.s32 $0x7440  }
0xd8: {  	v5 =	vadd.s32 v0, v2;
	v3 =	vand.u32 $0x7C, v3;
	v4 =	vld [tilespmem:s6+$0x20]  }
0xd9: {  	v7 =	vadd.s32 v0, v3;
	v6 =	vld [tilespmem:s6+$0xFFFFFFC0]  }
0xda: {  	s13 =	simm.s32 $0x1  }
0xdb: {  	v8 =	vmov s13  }
0xdc: {  	s14 =	simm.s32 $0x2;
	v8 =	vand.u32 $0x7D, v8  }
0xdd: {  	v9 =	vmov s14;
	v11 =	vadd.s32 v0, v8;
	v10 =	vld [tilespmem:s6+$0xFFFFFFE0];
	[tilespmem:v5+s1+$0x0] =	vst.idx.msk $0xffff, v4  }
0xde: {  	v16 =	vand.u32 $0x7E, v9;
	s15 =	simm.s32 $0x7;
	v14 =	vadd.s32 v1, v2;
	[tilespmem:v7+s1+$0x0] =	vst.idx.msk $0xffff, v6;
	v7 =	vld [tilespmem:s6+$0x30]  }
0xdf: {  	s11 =	simm.s32 $0x4;
	v12 =	vadd.s32 v0, v16;
	v9 =	vld [tilespmem:s6+$0x0];
	v4 =	vmov s15  }
0xe0: {  	v2 =	vmov s11;
	v62 =	vadd.s32 v1, v3;
	s13 =	simm.s32 $0x5;
	s15 =	simm.s32 $0x74C0;
	v4 =	vand.u32 $0x7F, v4;
	v17 =	vld [tilespmem:s6+$0xFFFFFFD0]  }
0xe1: {  	s14 =	simm.s32 $0x6;
	v5 =	vand.u32 $0x7C, v2;
	v2 =	vmov s13;
	v63 =	vld [tilespmem:s15+$0x20];
	v20 =	vadd.s32 v0, v4  }
0xe2: {  	[tilespmem:v11+s1+$0x0] =	vst.idx.msk $0xffff, v10;
	v6 =	vmov s14;
	v13 =	vld [tilespmem:s15+$0xFFFFFFC0];
	v15 =	vadd.s32 v0, v5;
	v3 =	vand.u32 $0x7D, v2  }
0xe3: {  	v11 =	vld [tilespmem:s15+$0xFFFFFFE0];
	v2 =	vand.u32 $0x7E, v6;
	[tilespmem:v14+s1+$0x0] =	vst.idx.msk $0xffff, v7;
	v14 =	vadd.s32 v0, v3  }
0xe4: {  	[tilespmem:v12+s1+$0x0] =	vst.idx.msk $0xffff, v9;
	v6 =	vld [tilespmem:s15+$0x0];
	v12 =	vadd.s32 v0, v2  }
0xe5: {  	s10 =	simm.s32 $0x8;
	s11 =	simm.s32 $0xC;
	v8 =	vadd.s32 v1, v8;
	[tilespmem:v62+s1+$0x0] =	vst.idx.msk $0xffff, v17;
	v7 =	vld [tilespmem:s6+$0xFFFFFFF0]  }
0xe6: {  	s13 =	sor.u32 $0x1, s0;
	s14 =	simm.s32 $0xB;
	v10 =	vadd.s32 v1, v16;
	v9 =	vld [tilespmem:s6+$0x10];
	s6 =	simm.s32 $0x74C0;
	[tilespmem:v20+s1+$0x0] =	vst.idx.msk $0xffff, v63  }
.LBB2_5:
0xe7: {  	p1 =	slt.u32 s11, $0x7C;
	v16 =	vmov s14;
	[tilespmem:v15+s1+$0x0] =	vst.idx.msk $0xffff, v13;
	v17 =	vld [tilespmem:s15+$0x30];
	v18 =	vadd.s32 v1, v4  }
0xe8: {  	v13 =	vmov s10;
	s14 =	sadd.s32 $0x1, s10;
	v19 =	vadd.s32 v1, v5;
	s15 =	sadd.s32 $0x80, s15;
	v4 =	vand.u32 $0x7F, v16;
	v16 =	vld [tilespmem:s6+$0xFFFFFFD0];
	[tilespmem:v14+s1+$0x0] =	vst.idx.msk $0xffff, v11  }
0xe9: {  	v5 =	vand.u32 $0x7C, v13;
	v11 =	vmov s14;
	s14 =	sadd.s32 $0x2, s10;
	s10 =	smov.u32 s11;
	v20 =	vld [tilespmem:s15+$0x20];
	v21 =	vadd.s32 v0, v4;
	[tilespmem:v12+s1+$0x0] =	vst.idx.msk $0xffff, v6  }
.Ltmp3:
0xea: {  	v15 =	vadd.s32 v0, v5;
	v22 =	vand.u32 $0x7D, v11;
	v6 =	vmov s14;
	v13 =	vld [tilespmem:s15+$0xFFFFFFC0];
	[tilespmem:v8+s1+$0x0] =	vst.idx.msk $0xffff, v7;
	(pc) =	sbr.rel @p1 .LBB2_5-.Ltmp3, $4  }
0xeb: {  	v14 =	vadd.s32 v0, v22;
	v23 =	vand.u32 $0x7E, v6;
	v11 =	vld [tilespmem:s15+$0xFFFFFFE0];
	[tilespmem:v10+s1+$0x0] =	vst.idx.msk $0xffff, v9  }
0xec: {  	v12 =	vadd.s32 v0, v23;
	v6 =	vld [tilespmem:s15+$0x0];
	[tilespmem:v18+s1+$0x0] =	vst.idx.msk $0xffff, v17  }
0xed: {  	v8 =	vadd.s32 v1, v3;
	v3 =	vmov v22;
	[tilespmem:v19+s1+$0x0] =	vst.idx.msk $0xffff, v16;
	v7 =	vld [tilespmem:s6+$0xFFFFFFF0]  }
0xee: {  	s11 =	sadd.s32 $0x4, s11;
	s14 =	sadd.s32 $0x3, s10;
	v10 =	vadd.s32 v1, v2;
	v2 =	vmov v23;
	[tilespmem:v21+s1+$0x0] =	vst.idx.msk $0xffff, v20;
	v9 =	vld [tilespmem:s6+$0x10];
	s6 =	smov.u32 s15  }
0xef: {  	_ =	sdelay $0x3  }
0xf0: {  	v16 =	vmov s14;
	[tilespmem:v15+s1+$0x0] =	vst.idx.msk $0xffff, v13;
	v13 =	vld [tilespmem:s15+$0x30];
	v4 =	vadd.s32 v1, v4  }
0xf1: {  	v15 =	vmov s10;
	s11 =	sadd.s32 $0x1, s10;
	v5 =	vadd.s32 v1, v5;
	s14 =	sadd.s32 $0x80, s15;
	v16 =	vand.u32 $0x7F, v16;
	v17 =	vld [tilespmem:s6+$0xFFFFFFD0];
	[tilespmem:v14+s1+$0x0] =	vst.idx.msk $0xffff, v11  }
0xf2: {  	s15 =	sadd.s32 $0x2, s10;
	v11 =	vand.u32 $0x7C, v15;
	v14 =	vmov s11;
	v15 =	vld [tilespmem:s14+$0x20];
	v18 =	vadd.s32 v0, v16;
	[tilespmem:v12+s1+$0x0] =	vst.idx.msk $0xffff, v6  }
0xf3: {  	v19 =	vmov s15;
	v6 =	vld [tilespmem:s14+$0xFFFFFFC0];
	v12 =	vadd.s32 v0, v11;
	v14 =	vand.u32 $0x7D, v14;
	[tilespmem:v8+s1+$0x0] =	vst.idx.msk $0xffff, v7  }
0xf4: {  	v19 =	vand.u32 $0x7E, v19;
	v7 =	vld [tilespmem:s14+$0xFFFFFFE0];
	v8 =	vadd.s32 v0, v14;
	[tilespmem:v10+s1+$0x0] =	vst.idx.msk $0xffff, v9  }
0xf5: {  	v9 =	vld [tilespmem:s14+$0x0];
	v10 =	vadd.s32 v0, v19;
	[tilespmem:v4+s1+$0x0] =	vst.idx.msk $0xffff, v13  }
0xf6: {  	v3 =	vadd.s32 v1, v3;
	v4 =	vld [tilespmem:s6+$0xFFFFFFF0];
	[tilespmem:v5+s1+$0x0] =	vst.idx.msk $0xffff, v17  }
0xf7: {  	v2 =	vadd.s32 v1, v2;
	v5 =	vld [tilespmem:s6+$0x10];
	[tilespmem:v18+s1+$0x0] =	vst.idx.msk $0xffff, v15  }
0xf8: {  	[tilespmem:v12+s1+$0x0] =	vst.idx.msk $0xffff, v6;
	v12 =	vadd.s32 v1, v16;
	v6 =	vld [tilespmem:s14+$0x30]  }
0xf9: {  	v11 =	vadd.s32 v1, v11;
	v13 =	vld [tilespmem:s14+$0xFFFFFFD0];
	[tilespmem:v8+s1+$0x0] =	vst.idx.msk $0xffff, v7  }
0xfa: {  	v8 =	vadd.s32 v1, v14;
	[tilespmem:v10+s1+$0x0] =	vst.idx.msk $0xffff, v9;
	v7 =	vld [tilespmem:s14+$0xFFFFFFF0]  }
0xfb: {  	s11 =	sadd.s32 s5, s13;
	[tilespmem:v3+s1+$0x0] =	vst.idx.msk $0xffff, v4;
	v3 =	vld [tilespmem:s14+$0x10];
	v4 =	vadd.s32 v1, v19  }
0xfc: {  	s13 =	sshll.u32 s11, $0x2;
	[tilespmem:v2+s1+$0x0] =	vst.idx.msk $0xffff, v5  }
0xfd: {  	s10 =	sand.u32 $0x3FFE00, s13;
	s6 =	sand.u32 $0x7D, s11;
	[tilespmem:v12+s1+$0x0] =	vst.idx.msk $0xffff, v6  }
0xfe: {  	s6 =	sor.u32 s6, s10;
	[tilespmem:v11+s1+$0x0] =	vst.idx.msk $0xffff, v13  }
0xff: {  	s6 =	sshll.u32 s6, $0x7;
	[tilespmem:v8+s1+$0x0] =	vst.idx.msk $0xffff, v7  }
0x100: {  	s10 =	sadd.s32 s2, s6;
	[tilespmem:v4+s1+$0x0] =	vst.idx.msk $0xffff, v3  }
0x101: {  	[hbm4b:s10+s3] =	stream.linear.scatter [tilespmem:s1], [sflag:$0x6], $0x80, $0x38;
	[tilespmem:$0xE800] =	vst v63  }
0x102: {  	s15 =	simm.s32 $0xB588;
	s14 =	sadd.s32 $0x10, s10  }
0x103: {  	[hbm4b:s14+s3] =	stream.linear.scatter [tilespmem:s15], [sflag:$0x6], $0x80, $0x38;
	[tilespmem:$0xE800] =	vst v63  }
0x104: {  	s14 =	sadd.s32 $0x20, s10;
	s15 =	simm.s32 $0xB610  }
0x105: {  	[hbm4b:s14+s3] =	stream.linear.scatter [tilespmem:s15], [sflag:$0x6], $0x80, $0x38;
	[tilespmem:$0xE800] =	vst v63  }
0x106: {  	s14 =	sadd.s32 $0x30, s10;
	s15 =	simm.s32 $0xB698  }
0x107: {  	[hbm4b:s14+s3] =	stream.linear.scatter [tilespmem:s15], [sflag:$0x6], $0x80, $0x38;
	[tilespmem:$0xE800] =	vst v63  }
0x108: {  	s14 =	sadd.s32 $0x40, s10;
	s15 =	simm.s32 $0xB720  }
0x109: {  	[hbm4b:s14+s3] =	stream.linear.scatter [tilespmem:s15], [sflag:$0x6], $0x80, $0x38;
	[tilespmem:$0xE800] =	vst v63  }
0x10a: {  	s14 =	sadd.s32 $0x50, s10;
	s15 =	simm.s32 $0xB7A8  }
0x10b: {  	[hbm4b:s14+s3] =	stream.linear.scatter [tilespmem:s15], [sflag:$0x6], $0x80, $0x38;
	[tilespmem:$0xE800] =	vst v63  }
0x10c: {  	s13 =	sadd.s32 $0x60, s10;
	s14 =	simm.s32 $0xB830  }
0x10d: {  	[hbm4b:s13+s3] =	stream.linear.scatter [tilespmem:s14], [sflag:$0x6], $0x80, $0x38;
	[tilespmem:$0xE800] =	vst v63  }
0x10e: {  	s10 =	sadd.s32 $0x70, s10;
	s15 =	simm.s32 $0xB8B8  }
0x10f: {  	[hbm4b:s10+s3] =	stream.linear.scatter [tilespmem:s15], [sflag:$0x6], $0x80, $0x38;
	[tilespmem:$0xE800] =	vst v63  }
0x110: {  	s13 =	simm.s32 $0xB940;
	s10 =	sadd.s32 s6, s7  }
0x111: {  	[hbm4b:s10+s3] =	stream.linear.scatter [tilespmem:s13], [sflag:$0x6], $0x80, $0x38;
	[tilespmem:$0xE800] =	vst v63  }
0x112: {  	s15 =	simm.s32 $0xB9C8;
	s14 =	sadd.s32 $0x10, s10  }
0x113: {  	[hbm4b:s14+s3] =	stream.linear.scatter [tilespmem:s15], [sflag:$0x6], $0x80, $0x38;
	[tilespmem:$0xE800] =	vst v63  }
0x114: {  	s14 =	sadd.s32 $0x20, s10;
	s15 =	simm.s32 $0xBA50  }
0x115: {  	[hbm4b:s14+s3] =	stream.linear.scatter [tilespmem:s15], [sflag:$0x6], $0x80, $0x38;
	[tilespmem:$0xE800] =	vst v63  }
0x116: {  	s14 =	sadd.s32 $0x30, s10;
	s15 =	simm.s32 $0xBAD8  }
0x117: {  	[hbm4b:s14+s3] =	stream.linear.scatter [tilespmem:s15], [sflag:$0x6], $0x80, $0x38;
	[tilespmem:$0xE800] =	vst v63  }
0x118: {  	s14 =	sadd.s32 $0x40, s10;
	s15 =	simm.s32 $0xBB60  }
0x119: {  	[hbm4b:s14+s3] =	stream.linear.scatter [tilespmem:s15], [sflag:$0x6], $0x80, $0x38;
	[tilespmem:$0xE800] =	vst v63  }
0x11a: {  	s14 =	sadd.s32 $0x50, s10;
	s15 =	simm.s32 $0xBBE8  }
0x11b: {  	[hbm4b:s14+s3] =	stream.linear.scatter [tilespmem:s15], [sflag:$0x6], $0x80, $0x38;
	[tilespmem:$0xE800] =	vst v63  }
0x11c: {  	s13 =	sadd.s32 $0x60, s10;
	s14 =	simm.s32 $0xBC70  }
0x11d: {  	[hbm4b:s13+s3] =	stream.linear.scatter [tilespmem:s14], [sflag:$0x6], $0x80, $0x38;
	[tilespmem:$0xE800] =	vst v63  }
0x11e: {  	s10 =	sadd.s32 $0x70, s10;
	s15 =	simm.s32 $0xBCF8  }
0x11f: {  	[hbm4b:s10+s3] =	stream.linear.scatter [tilespmem:s15], [sflag:$0x6], $0x80, $0x38;
	[tilespmem:$0xE800] =	vst v63  }
0x120: {  	s13 =	simm.s32 $0xBD80;
	s10 =	sadd.s32 s6, s8  }
0x121: {  	[hbm4b:s10+s3] =	stream.linear.scatter [tilespmem:s13], [sflag:$0x6], $0x80, $0x38;
	[tilespmem:$0xE800] =	vst v63  }
0x122: {  	s15 =	simm.s32 $0xBE08;
	s14 =	sadd.s32 $0x10, s10  }
0x123: {  	[hbm4b:s14+s3] =	stream.linear.scatter [tilespmem:s15], [sflag:$0x6], $0x80, $0x38;
	[tilespmem:$0xE800] =	vst v63  }
0x124: {  	s14 =	sadd.s32 $0x20, s10;
	s15 =	simm.s32 $0xBE90  }
0x125: {  	[hbm4b:s14+s3] =	stream.linear.scatter [tilespmem:s15], [sflag:$0x6], $0x80, $0x38;
	[tilespmem:$0xE800] =	vst v63  }
0x126: {  	s14 =	sadd.s32 $0x30, s10;
	s15 =	simm.s32 $0xBF18  }
0x127: {  	[hbm4b:s14+s3] =	stream.linear.scatter [tilespmem:s15], [sflag:$0x6], $0x80, $0x38;
	[tilespmem:$0xE800] =	vst v63  }
0x128: {  	s14 =	sadd.s32 $0x40, s10;
	s15 =	simm.s32 $0xBFA0  }
0x129: {  	[hbm4b:s14+s3] =	stream.linear.scatter [tilespmem:s15], [sflag:$0x6], $0x80, $0x38;
	[tilespmem:$0xE800] =	vst v63  }
0x12a: {  	s14 =	sadd.s32 $0x50, s10;
	s15 =	simm.s32 $0xC028  }
0x12b: {  	[hbm4b:s14+s3] =	stream.linear.scatter [tilespmem:s15], [sflag:$0x6], $0x80, $0x38;
	[tilespmem:$0xE800] =	vst v63  }
0x12c: {  	s14 =	sadd.s32 $0x60, s10;
	s15 =	simm.s32 $0xC0B0  }
0x12d: {  	[hbm4b:s14+s3] =	stream.linear.scatter [tilespmem:s15], [sflag:$0x6], $0x80, $0x38;
	[tilespmem:$0xE800] =	vst v63  }
0x12e: {  	s10 =	sadd.s32 $0x70, s10;
	s14 =	simm.s32 $0xC138  }
0x12f: {  	[hbm4b:s10+s3] =	stream.linear.scatter [tilespmem:s14], [sflag:$0x6], $0x80, $0x38;
	[tilespmem:$0xE800] =	vst v63  }
0x130: {  	s6 =	sadd.s32 s6, s9;
	s15 =	simm.s32 $0xC1C0  }
0x131: {  	[hbm4b:s6+s3] =	stream.linear.scatter [tilespmem:s15], [sflag:$0x6], $0x80, $0x38;
	[tilespmem:$0xE800] =	vst v63  }
0x132: {  	s11 =	sadd.s32 $0x10, s6;
	s13 =	simm.s32 $0xC248  }
0x133: {  	[hbm4b:s11+s3] =	stream.linear.scatter [tilespmem:s13], [sflag:$0x6], $0x80, $0x38;
	[tilespmem:$0xE800] =	vst v63  }
0x134: {  	s14 =	sadd.s32 $0x20, s6;
	s15 =	simm.s32 $0xC2D0  }
0x135: {  	[hbm4b:s14+s3] =	stream.linear.scatter [tilespmem:s15], [sflag:$0x6], $0x80, $0x38;
	[tilespmem:$0xE800] =	vst v63  }
0x136: {  	s11 =	sadd.s32 $0x30, s6;
	s13 =	simm.s32 $0xC358  }
0x137: {  	[hbm4b:s11+s3] =	stream.linear.scatter [tilespmem:s13], [sflag:$0x6], $0x80, $0x38;
	[tilespmem:$0xE800] =	vst v63  }
0x138: {  	s14 =	sadd.s32 $0x40, s6;
	s15 =	simm.s32 $0xC3E0  }
0x139: {  	[hbm4b:s14+s3] =	stream.linear.scatter [tilespmem:s15], [sflag:$0x6], $0x80, $0x38;
	[tilespmem:$0xE800] =	vst v63  }
0x13a: {  	s11 =	sadd.s32 $0x50, s6;
	s13 =	simm.s32 $0xC468  }
0x13b: {  	[hbm4b:s11+s3] =	stream.linear.scatter [tilespmem:s13], [sflag:$0x6], $0x80, $0x38;
	[tilespmem:$0xE800] =	vst v63  }
0x13c: {  	s14 =	sadd.s32 $0x60, s6;
	s15 =	simm.s32 $0xC4F0  }
0x13d: {  	[hbm4b:s14+s3] =	stream.linear.scatter [tilespmem:s15], [sflag:$0x6], $0x80, $0x38;
	[tilespmem:$0xE800] =	vst v63  }
0x13e: {  	p1 =	seq.s32 s29, $0x31;
	s6 =	sadd.s32 $0x70, s6;
	s13 =	simm.s32 $0xC578  }
0x13f: {  	[hbm4b:s6+s3] =	stream.linear.scatter [tilespmem:s13], [sflag:$0x6], $0x80, $0x38;
	[tilespmem:$0xE800] =	vst v63  }
0x140: {  	s6 =	sshll.u32 @!p1 s29, $0x9  }
0x141: {  	s6 =	sand.u32 @!p1 $0x3FFFFE00, s6  }
0x142: {  	s10 =	simm.s32 @!p1 $0x80;
	s11 =	simm.s32 @!p1 $0x6400;
	s6 =	sadd.s32 @!p1 $0x200, s6  }
0x143: {  	[tilespmem:s11], [sflag:$0x1] =	stream.indirect.gather @!p1 [hbm4b:s4+s10], $0x20, s6, s10, $0xb8;
	[tilespmem:$0xE800] =	vst v63  }
0x144: {  	_ =	swait.ge [sflag:s23], $0x1000  }
0x145: {  	[sflag:s23] =	ssyncset.done $0x0  }
0x146: {  	s6 =	simm.s32 @!p0 $0x7;
	[sflag:s23] =	ssyncadd.s32 $0xFFFFF000  }
0x147: {  	_ =	swait.ge @!p0 [sflag:s6], $0x400  }
0x148: {  	[sflag:s6] =	ssyncset.done @!p0 $0x0  }
0x149: {  	[sflag:s6] =	ssyncadd.s32 @!p0 $0xFFFFFC00  }
0x14a: {  	_ =	swait.ge @!p0 [sflag:s6], $0x400  }
0x14b: {  	[sflag:s6] =	ssyncset.done @!p0 $0x0  }
0x14c: {  	[sflag:s6] =	ssyncadd.s32 @!p0 $0xFFFFFC00  }
0x14d: {  	_ =	swait.ge @!p0 [sflag:s6], $0x400  }
0x14e: {  	[sflag:s6] =	ssyncset.done @!p0 $0x0  }
0x14f: {  	[sflag:s6] =	ssyncadd.s32 @!p0 $0xFFFFFC00  }
0x150: {  	s14 =	simm.s32 $0x3;
	_ =	swait.ge @!p0 [sflag:s6], $0x400  }
0x151: {  	s15 =	simm.s32 $0x0;
	v2 =	vmov s14;
	[sflag:s6] =	ssyncset.done @!p0 $0x0  }
0x152: {  	v3 =	vmov s15;
	v2 =	vand.u32 $0x7F, v2;
	[sflag:s6] =	ssyncadd.s32 @!p0 $0xFFFFFC00;
	s6 =	simm.s32 $0x8440  }
0x153: {  	v3 =	vand.u32 $0x7C, v3;
	v5 =	vadd.s32 v0, v2;
	v4 =	vld [tilespmem:s6+$0x20]  }
0x154: {  	v7 =	vadd.s32 v0, v3;
	v6 =	vld [tilespmem:s6+$0xFFFFFFC0]  }
0x155: {  	s13 =	simm.s32 $0x1  }
0x156: {  	v8 =	vmov s13  }
0x157: {  	s14 =	simm.s32 $0x2;
	v8 =	vand.u32 $0x7D, v8  }
0x158: {  	v9 =	vmov s14;
	v11 =	vadd.s32 v0, v8;
	v10 =	vld [tilespmem:s6+$0xFFFFFFE0];
	[tilespmem:v5+s24+$0x0] =	vst.idx.msk $0xffff, v4  }
0x159: {  	s15 =	simm.s32 $0x7;
	v16 =	vand.u32 $0x7E, v9;
	v14 =	vadd.s32 v1, v2;
	[tilespmem:v7+s24+$0x0] =	vst.idx.msk $0xffff, v6;
	v7 =	vld [tilespmem:s6+$0x30]  }
0x15a: {  	v12 =	vadd.s32 v0, v16;
	s11 =	simm.s32 $0x4;
	v9 =	vld [tilespmem:s6+$0x0];
	v4 =	vmov s15  }
0x15b: {  	s14 =	simm.s32 $0x5;
	v62 =	vadd.s32 v1, v3;
	s13 =	simm.s32 $0x84C0;
	v2 =	vmov s11;
	v4 =	vand.u32 $0x7F, v4;
	v17 =	vld [tilespmem:s6+$0xFFFFFFD0]  }
0x15c: {  	v63 =	vld [tilespmem:s13+$0x20];
	s15 =	simm.s32 $0x6;
	v5 =	vand.u32 $0x7C, v2;
	v2 =	vmov s14;
	v20 =	vadd.s32 v0, v4  }
0x15d: {  	v13 =	vld [tilespmem:s13+$0xFFFFFFC0];
	[tilespmem:v11+s24+$0x0] =	vst.idx.msk $0xffff, v10;
	v6 =	vmov s15;
	v15 =	vadd.s32 v0, v5;
	v3 =	vand.u32 $0x7D, v2  }
0x15e: {  	v11 =	vld [tilespmem:s13+$0xFFFFFFE0];
	v2 =	vand.u32 $0x7E, v6;
	[tilespmem:v14+s24+$0x0] =	vst.idx.msk $0xffff, v7;
	v14 =	vadd.s32 v0, v3  }
0x15f: {  	[tilespmem:v12+s24+$0x0] =	vst.idx.msk $0xffff, v9;
	v6 =	vld [tilespmem:s13+$0x0];
	v12 =	vadd.s32 v0, v2  }
0x160: {  	s0 =	sor.u32 $0x2, s0;
	s10 =	simm.s32 $0x8;
	v8 =	vadd.s32 v1, v8;
	[tilespmem:v62+s24+$0x0] =	vst.idx.msk $0xffff, v17;
	v7 =	vld [tilespmem:s6+$0xFFFFFFF0]  }
0x161: {  	s11 =	simm.s32 $0xC;
	s14 =	simm.s32 $0xB;
	v10 =	vadd.s32 v1, v16;
	v9 =	vld [tilespmem:s6+$0x10];
	s6 =	simm.s32 $0x84C0;
	[tilespmem:v20+s24+$0x0] =	vst.idx.msk $0xffff, v63  }
.LBB2_7:
0x162: {  	p2 =	slt.u32 s11, $0x7C;
	v16 =	vmov s14;
	[tilespmem:v15+s24+$0x0] =	vst.idx.msk $0xffff, v13;
	v17 =	vld [tilespmem:s13+$0x30];
	v18 =	vadd.s32 v1, v4  }
0x163: {  	v13 =	vmov s10;
	s14 =	sadd.s32 $0x1, s10;
	v19 =	vadd.s32 v1, v5;
	s13 =	sadd.s32 $0x80, s13;
	v4 =	vand.u32 $0x7F, v16;
	v16 =	vld [tilespmem:s6+$0xFFFFFFD0];
	[tilespmem:v14+s24+$0x0] =	vst.idx.msk $0xffff, v11  }
0x164: {  	v5 =	vand.u32 $0x7C, v13;
	v11 =	vmov s14;
	s14 =	sadd.s32 $0x2, s10;
	s10 =	smov.u32 s11;
	v20 =	vld [tilespmem:s13+$0x20];
	v21 =	vadd.s32 v0, v4;
	[tilespmem:v12+s24+$0x0] =	vst.idx.msk $0xffff, v6  }
.Ltmp4:
0x165: {  	v15 =	vadd.s32 v0, v5;
	v22 =	vand.u32 $0x7D, v11;
	v6 =	vmov s14;
	v13 =	vld [tilespmem:s13+$0xFFFFFFC0];
	[tilespmem:v8+s24+$0x0] =	vst.idx.msk $0xffff, v7;
	(pc) =	sbr.rel @p2 .LBB2_7-.Ltmp4, $4  }
0x166: {  	v14 =	vadd.s32 v0, v22;
	v23 =	vand.u32 $0x7E, v6;
	v11 =	vld [tilespmem:s13+$0xFFFFFFE0];
	[tilespmem:v10+s24+$0x0] =	vst.idx.msk $0xffff, v9  }
0x167: {  	v12 =	vadd.s32 v0, v23;
	v6 =	vld [tilespmem:s13+$0x0];
	[tilespmem:v18+s24+$0x0] =	vst.idx.msk $0xffff, v17  }
0x168: {  	v8 =	vadd.s32 v1, v3;
	v3 =	vmov v22;
	[tilespmem:v19+s24+$0x0] =	vst.idx.msk $0xffff, v16;
	v7 =	vld [tilespmem:s6+$0xFFFFFFF0]  }
0x169: {  	s11 =	sadd.s32 $0x4, s11;
	s14 =	sadd.s32 $0x3, s10;
	v10 =	vadd.s32 v1, v2;
	v2 =	vmov v23;
	[tilespmem:v21+s24+$0x0] =	vst.idx.msk $0xffff, v20;
	v9 =	vld [tilespmem:s6+$0x10];
	s6 =	smov.u32 s13  }
0x16a: {  	_ =	sdelay $0x3  }
0x16b: {  	v16 =	vmov s14;
	[tilespmem:v15+s24+$0x0] =	vst.idx.msk $0xffff, v13;
	v46 =	vld [tilespmem:s13+$0x30];
	v4 =	vadd.s32 v1, v4  }
0x16c: {  	v47 =	vmov s10;
	s11 =	sadd.s32 $0x1, s10;
	v5 =	vadd.s32 v1, v5;
	s15 =	sadd.s32 $0x80, s13;
	v16 =	vand.u32 $0x7F, v16;
	v17 =	vld [tilespmem:s6+$0xFFFFFFD0];
	[tilespmem:v14+s24+$0x0] =	vst.idx.msk $0xffff, v11  }
0x16d: {  	v48 =	vmov s11;
	v49 =	vand.u32 $0x7C, v47;
	s11 =	sadd.s32 $0x2, s10;
	v50 =	vld [tilespmem:s15+$0x20];
	v18 =	vadd.s32 v0, v16;
	[tilespmem:v12+s24+$0x0] =	vst.idx.msk $0xffff, v6  }
0x16e: {  	v52 =	vld [tilespmem:s15+$0xFFFFFFC0];
	v51 =	vmov s11;
	v19 =	vadd.s32 v0, v49;
	v11 =	vand.u32 $0x7D, v48;
	[tilespmem:v8+s24+$0x0] =	vst.idx.msk $0xffff, v7  }
0x16f: {  	v53 =	vld [tilespmem:s15+$0xFFFFFFE0];
	v54 =	vadd.s32 v0, v11;
	v6 =	vand.u32 $0x7E, v51;
	[tilespmem:v10+s24+$0x0] =	vst.idx.msk $0xffff, v9  }
0x170: {  	v55 =	vld [tilespmem:s15+$0x0];
	v56 =	vadd.s32 v0, v6;
	[tilespmem:v4+s24+$0x0] =	vst.idx.msk $0xffff, v46  }
0x171: {  	v3 =	vadd.s32 v1, v3;
	v57 =	vld [tilespmem:s6+$0xFFFFFFF0];
	[tilespmem:v5+s24+$0x0] =	vst.idx.msk $0xffff, v17  }
0x172: {  	v2 =	vadd.s32 v1, v2;
	v58 =	vld [tilespmem:s6+$0x10];
	[tilespmem:v18+s24+$0x0] =	vst.idx.msk $0xffff, v50  }
0x173: {  	v60 =	vadd.s32 v1, v16;
	[tilespmem:v19+s24+$0x0] =	vst.idx.msk $0xffff, v52;
	v59 =	vld [tilespmem:s15+$0x30]  }
0x174: {  	v14 =	vadd.s32 v1, v49;
	v61 =	vld [tilespmem:s15+$0xFFFFFFD0];
	[tilespmem:v54+s24+$0x0] =	vst.idx.msk $0xffff, v53  }
0x175: {  	v62 =	vadd.s32 v1, v11;
	[tilespmem:v56+s24+$0x0] =	vst.idx.msk $0xffff, v55;
	v7 =	vld [tilespmem:s15+$0xFFFFFFF0]  }
0x176: {  	s0 =	sadd.s32 s5, s0;
	v63 =	vadd.s32 v1, v6;
	[tilespmem:v3+s24+$0x0] =	vst.idx.msk $0xffff, v57;
	v3 =	vld [tilespmem:s15+$0x10]  }
0x177: {  	s13 =	sshll.u32 s0, $0x2;
	[tilespmem:v2+s24+$0x0] =	vst.idx.msk $0xffff, v58  }
0x178: {  	s0 =	sand.u32 $0x7E, s0;
	s6 =	sand.u32 $0x3FFE00, s13;
	[tilespmem:v60+s24+$0x0] =	vst.idx.msk $0xffff, v59  }
0x179: {  	s0 =	sor.u32 s0, s6;
	[tilespmem:v14+s24+$0x0] =	vst.idx.msk $0xffff, v61  }
0x17a: {  	s0 =	sshll.u32 s0, $0x7;
	[tilespmem:v62+s24+$0x0] =	vst.idx.msk $0xffff, v7  }
0x17b: {  	s6 =	sadd.s32 s2, s0;
	[tilespmem:v63+s24+$0x0] =	vst.idx.msk $0xffff, v3  }
0x17c: {  	[hbm4b:s6+s3] =	stream.linear.scatter [tilespmem:s24], [sflag:$0x7], $0x80, $0x38;
	[tilespmem:$0xE800] =	vst v63  }
0x17d: {  	s14 =	sadd.s32 $0x10, s6;
	s15 =	simm.s32 $0xC688  }
0x17e: {  	[hbm4b:s14+s3] =	stream.linear.scatter [tilespmem:s15], [sflag:$0x7], $0x80, $0x38;
	[tilespmem:$0xE800] =	vst v63  }
0x17f: {  	s13 =	simm.s32 $0xC710;
	s11 =	sadd.s32 $0x20, s6  }
0x180: {  	[hbm4b:s11+s3] =	stream.linear.scatter [tilespmem:s13], [sflag:$0x7], $0x80, $0x38;
	[tilespmem:$0xE800] =	vst v63  }
0x181: {  	s14 =	sadd.s32 $0x30, s6;
	s15 =	simm.s32 $0xC798  }
0x182: {  	[hbm4b:s14+s3] =	stream.linear.scatter [tilespmem:s15], [sflag:$0x7], $0x80, $0x38;
	[tilespmem:$0xE800] =	vst v63  }
0x183: {  	s11 =	sadd.s32 $0x40, s6;
	s13 =	simm.s32 $0xC820  }
0x184: {  	[hbm4b:s11+s3] =	stream.linear.scatter [tilespmem:s13], [sflag:$0x7], $0x80, $0x38;
	[tilespmem:$0xE800] =	vst v63  }
0x185: {  	s14 =	sadd.s32 $0x50, s6;
	s15 =	simm.s32 $0xC8A8  }
0x186: {  	[hbm4b:s14+s3] =	stream.linear.scatter [tilespmem:s15], [sflag:$0x7], $0x80, $0x38;
	[tilespmem:$0xE800] =	vst v63  }
0x187: {  	s11 =	sadd.s32 $0x60, s6;
	s13 =	simm.s32 $0xC930  }
0x188: {  	[hbm4b:s11+s3] =	stream.linear.scatter [tilespmem:s13], [sflag:$0x7], $0x80, $0x38;
	[tilespmem:$0xE800] =	vst v63  }
0x189: {  	s6 =	sadd.s32 $0x70, s6;
	s14 =	simm.s32 $0xC9B8  }
0x18a: {  	[hbm4b:s6+s3] =	stream.linear.scatter [tilespmem:s14], [sflag:$0x7], $0x80, $0x38;
	[tilespmem:$0xE800] =	vst v63  }
0x18b: {  	s15 =	simm.s32 $0xCA40;
	s6 =	sadd.s32 s0, s7  }
0x18c: {  	[hbm4b:s6+s3] =	stream.linear.scatter [tilespmem:s15], [sflag:$0x7], $0x80, $0x38;
	[tilespmem:$0xE800] =	vst v63  }
0x18d: {  	s13 =	simm.s32 $0xCAC8;
	s11 =	sadd.s32 $0x10, s6  }
0x18e: {  	[hbm4b:s11+s3] =	stream.linear.scatter [tilespmem:s13], [sflag:$0x7], $0x80, $0x38;
	[tilespmem:$0xE800] =	vst v63  }
0x18f: {  	s14 =	sadd.s32 $0x20, s6;
	s15 =	simm.s32 $0xCB50  }
0x190: {  	[hbm4b:s14+s3] =	stream.linear.scatter [tilespmem:s15], [sflag:$0x7], $0x80, $0x38;
	[tilespmem:$0xE800] =	vst v63  }
0x191: {  	s11 =	sadd.s32 $0x30, s6;
	s13 =	simm.s32 $0xCBD8  }
0x192: {  	[hbm4b:s11+s3] =	stream.linear.scatter [tilespmem:s13], [sflag:$0x7], $0x80, $0x38;
	[tilespmem:$0xE800] =	vst v63  }
0x193: {  	s14 =	sadd.s32 $0x40, s6;
	s15 =	simm.s32 $0xCC60  }
0x194: {  	[hbm4b:s14+s3] =	stream.linear.scatter [tilespmem:s15], [sflag:$0x7], $0x80, $0x38;
	[tilespmem:$0xE800] =	vst v63  }
0x195: {  	s11 =	sadd.s32 $0x50, s6;
	s13 =	simm.s32 $0xCCE8  }
0x196: {  	[hbm4b:s11+s3] =	stream.linear.scatter [tilespmem:s13], [sflag:$0x7], $0x80, $0x38;
	[tilespmem:$0xE800] =	vst v63  }
0x197: {  	s14 =	sadd.s32 $0x60, s6;
	s15 =	simm.s32 $0xCD70  }
0x198: {  	[hbm4b:s14+s3] =	stream.linear.scatter [tilespmem:s15], [sflag:$0x7], $0x80, $0x38;
	[tilespmem:$0xE800] =	vst v63  }
0x199: {  	s6 =	sadd.s32 $0x70, s6;
	s11 =	simm.s32 $0xCDF8  }
0x19a: {  	[hbm4b:s6+s3] =	stream.linear.scatter [tilespmem:s11], [sflag:$0x7], $0x80, $0x38;
	[tilespmem:$0xE800] =	vst v63  }
0x19b: {  	s13 =	simm.s32 $0xCE80;
	s6 =	sadd.s32 s0, s8  }
0x19c: {  	[hbm4b:s6+s3] =	stream.linear.scatter [tilespmem:s13], [sflag:$0x7], $0x80, $0x38;
	[tilespmem:$0xE800] =	vst v63  }
0x19d: {  	s15 =	simm.s32 $0xCF08;
	s14 =	sadd.s32 $0x10, s6  }
0x19e: {  	[hbm4b:s14+s3] =	stream.linear.scatter [tilespmem:s15], [sflag:$0x7], $0x80, $0x38;
	[tilespmem:$0xE800] =	vst v63  }
0x19f: {  	s11 =	sadd.s32 $0x20, s6;
	s13 =	simm.s32 $0xCF90  }
0x1a0: {  	[hbm4b:s11+s3] =	stream.linear.scatter [tilespmem:s13], [sflag:$0x7], $0x80, $0x38;
	[tilespmem:$0xE800] =	vst v63  }
0x1a1: {  	s14 =	sadd.s32 $0x30, s6;
	s15 =	simm.s32 $0xD018  }
0x1a2: {  	[hbm4b:s14+s3] =	stream.linear.scatter [tilespmem:s15], [sflag:$0x7], $0x80, $0x38;
	[tilespmem:$0xE800] =	vst v63  }
0x1a3: {  	s11 =	sadd.s32 $0x40, s6;
	s13 =	simm.s32 $0xD0A0  }
0x1a4: {  	[hbm4b:s11+s3] =	stream.linear.scatter [tilespmem:s13], [sflag:$0x7], $0x80, $0x38;
	[tilespmem:$0xE800] =	vst v63  }
0x1a5: {  	s14 =	sadd.s32 $0x50, s6;
	s15 =	simm.s32 $0xD128  }
0x1a6: {  	[hbm4b:s14+s3] =	stream.linear.scatter [tilespmem:s15], [sflag:$0x7], $0x80, $0x38;
	[tilespmem:$0xE800] =	vst v63  }
0x1a7: {  	s13 =	sadd.s32 $0x60, s6;
	s14 =	simm.s32 $0xD1B0  }
0x1a8: {  	[hbm4b:s13+s3] =	stream.linear.scatter [tilespmem:s14], [sflag:$0x7], $0x80, $0x38;
	[tilespmem:$0xE800] =	vst v63  }
0x1a9: {  	s6 =	sadd.s32 $0x70, s6;
	s15 =	simm.s32 $0xD238  }
0x1aa: {  	[hbm4b:s6+s3] =	stream.linear.scatter [tilespmem:s15], [sflag:$0x7], $0x80, $0x38;
	[tilespmem:$0xE800] =	vst v63  }
0x1ab: {  	s10 =	simm.s32 $0xD2C0;
	s0 =	sadd.s32 s0, s9  }
0x1ac: {  	[hbm4b:s0+s3] =	stream.linear.scatter [tilespmem:s10], [sflag:$0x7], $0x80, $0x38;
	[tilespmem:$0xE800] =	vst v63  }
0x1ad: {  	s11 =	sadd.s32 $0x10, s0;
	s13 =	simm.s32 $0xD348  }
0x1ae: {  	[hbm4b:s11+s3] =	stream.linear.scatter [tilespmem:s13], [sflag:$0x7], $0x80, $0x38;
	[tilespmem:$0xE800] =	vst v63  }
0x1af: {  	s14 =	sadd.s32 $0x20, s0;
	s15 =	simm.s32 $0xD3D0  }
0x1b0: {  	[hbm4b:s14+s3] =	stream.linear.scatter [tilespmem:s15], [sflag:$0x7], $0x80, $0x38;
	[tilespmem:$0xE800] =	vst v63  }
0x1b1: {  	s11 =	sadd.s32 $0x30, s0;
	s13 =	simm.s32 $0xD458  }
0x1b2: {  	[hbm4b:s11+s3] =	stream.linear.scatter [tilespmem:s13], [sflag:$0x7], $0x80, $0x38;
	[tilespmem:$0xE800] =	vst v63  }
0x1b3: {  	s14 =	sadd.s32 $0x40, s0;
	s15 =	simm.s32 $0xD4E0  }
0x1b4: {  	[hbm4b:s14+s3] =	stream.linear.scatter [tilespmem:s15], [sflag:$0x7], $0x80, $0x38;
	[tilespmem:$0xE800] =	vst v63  }
0x1b5: {  	p2 =	sne.s32 s29, $0x31;
	s10 =	sadd.s32 $0x50, s0;
	s11 =	simm.s32 $0xD568  }
0x1b6: {  	[hbm4b:s10+s3] =	stream.linear.scatter [tilespmem:s11], [sflag:$0x7], $0x80, $0x38;
	[tilespmem:$0xE800] =	vst v63  }
.Ltmp5:
0x1b7: {  	_ = 	snop;
	(pc) =	sbr.rel @p2 .LBB2_10-.Ltmp5, $4  }
0x1b8: {  	s13 =	sadd.s32 $0x60, s0;
	s14 =	simm.s32 $0xD5F0  }
0x1b9: {  	[hbm4b:s13+s3] =	stream.linear.scatter [tilespmem:s14], [sflag:$0x7], $0x80, $0x38;
	[tilespmem:$0xE800] =	vst v63  }
0x1ba: {  	s0 =	sadd.s32 $0x70, s0;
	s15 =	simm.s32 $0xD678  }
0x1bb: {  	[hbm4b:s0+s3] =	stream.linear.scatter [tilespmem:s15], [sflag:$0x7], $0x80, $0x38;
	[tilespmem:$0xE800] =	vst v63  }
.Ltmp6:
0x1bc: {  	(pc) =	sbr.rel .LBB2_11-.Ltmp6, $4  }
0x1bd: {  	_ = 	snop  }
0x1be: {  	_ =	swait.ge [sflag:s20], $0x1000  }
0x1bf: {  	[sflag:s20] =	ssyncset.done $0x0  }
0x1c0: {  	[sflag:s20] =	ssyncadd.s32 $0xFFFFF000  }
.LBB2_10:
0x1c1: {  	s0 =	sshll.u32 s29, $0x9  }
0x1c2: {  	s0 =	sand.u32 $0x3FFFFE00, s0  }
.Ltmp7:
0x1c3: {  	s6 =	simm.s32 $0x7400;
	s0 =	sadd.s32 $0x280, s0;
	(pc) =	sbr.rel @p0 .LBB2_12-.Ltmp7, $4  }
0x1c4: {  	[tilespmem:s6], [sflag:$0x2] =	stream.indirect.gather [hbm4b:s4+s12], $0x20, s0, s12, $0xb8;
	[tilespmem:$0xE800] =	vst v63  }
0x1c5: {  	_ =	swait.ge [sflag:s20], $0x1000  }
0x1c6: {  	[sflag:s20] =	ssyncset.done $0x0  }
0x1c7: {  	[sflag:s20] =	ssyncadd.s32 $0xFFFFF000  }
.LBB2_11:
0x1c8: {  	_ =	swait.ge [sflag:s21], $0x400  }
0x1c9: {  	[sflag:s21] =	ssyncset.done $0x0  }
0x1ca: {  	[sflag:s21] =	ssyncadd.s32 $0xFFFFFC00  }
0x1cb: {  	_ =	swait.ge [sflag:s21], $0x400  }
0x1cc: {  	[sflag:s21] =	ssyncset.done $0x0  }
0x1cd: {  	[sflag:s21] =	ssyncadd.s32 $0xFFFFFC00  }
0x1ce: {  	_ =	swait.ge [sflag:s21], $0x400  }
0x1cf: {  	[sflag:s21] =	ssyncset.done $0x0  }
0x1d0: {  	[sflag:s21] =	ssyncadd.s32 $0xFFFFFC00  }
0x1d1: {  	_ =	swait.ge [sflag:s21], $0x400  }
0x1d2: {  	[sflag:s21] =	ssyncset.done $0x0  }
0x1d3: {  	[sflag:s21] =	ssyncadd.s32 $0xFFFFFC00  }
.LBB2_12:
0x1d4: {  	s0 =	simm.s32 $0x3  }
0x1d5: {  	s6 =	simm.s32 $0x0;
	v2 =	vmov s0  }
0x1d6: {  	s14 =	simm.s32 $0x9440;
	v3 =	vmov s6;
	v2 =	vand.u32 $0x7F, v2  }
0x1d7: {  	v4 =	vld [tilespmem:s14+$0x20];
	v3 =	vand.u32 $0x7C, v3;
	v5 =	vadd.s32 v0, v2  }
0x1d8: {  	v6 =	vld [tilespmem:s14+$0xFFFFFFC0];
	v7 =	vadd.s32 v0, v3  }
0x1d9: {  	s10 =	simm.s32 $0x2  }
0x1da: {  	v9 =	vmov s10  }
0x1db: {  	s6 =	simm.s32 $0x1;
	v16 =	vand.u32 $0x7E, v9  }
0x1dc: {  	v8 =	vmov s6;
	v9 =	vld [tilespmem:s14+$0x0];
	v12 =	vadd.s32 v0, v16;
	[tilespmem:v5+s22+$0x0] =	vst.idx.msk $0xffff, v4  }
0x1dd: {  	s11 =	simm.s32 $0x7;
	v8 =	vand.u32 $0x7D, v8;
	v14 =	vadd.s32 v1, v2;
	[tilespmem:v7+s22+$0x0] =	vst.idx.msk $0xffff, v6;
	v6 =	vld [tilespmem:s14+$0x30]  }
0x1de: {  	s13 =	simm.s32 $0x4;
	v10 =	vld [tilespmem:s14+$0xFFFFFFE0];
	v11 =	vadd.s32 v0, v8;
	v4 =	vmov s11  }
0x1df: {  	s15 =	simm.s32 $0x5;
	s0 =	simm.s32 $0x94C0;
	v18 =	vadd.s32 v1, v3;
	v2 =	vmov s13;
	v4 =	vand.u32 $0x7F, v4;
	v17 =	vld [tilespmem:s14+$0xFFFFFFD0]  }
0x1e0: {  	s10 =	simm.s32 $0x6;
	v19 =	vld [tilespmem:s0+$0x20];
	v5 =	vand.u32 $0x7C, v2;
	v2 =	vmov s15;
	v20 =	vadd.s32 v0, v4  }
0x1e1: {  	v13 =	vld [tilespmem:s0+$0xFFFFFFC0];
	[tilespmem:v12+s22+$0x0] =	vst.idx.msk $0xffff, v9;
	v7 =	vmov s10;
	v15 =	vadd.s32 v0, v5;
	v3 =	vand.u32 $0x7D, v2  }
0x1e2: {  	v12 =	vld [tilespmem:s0+$0xFFFFFFE0];
	v2 =	vand.u32 $0x7E, v7;
	[tilespmem:v14+s22+$0x0] =	vst.idx.msk $0xffff, v6;
	v14 =	vadd.s32 v0, v3  }
0x1e3: {  	[tilespmem:v11+s22+$0x0] =	vst.idx.msk $0xffff, v10;
	v7 =	vld [tilespmem:s0+$0x0];
	v11 =	vadd.s32 v0, v2  }
0x1e4: {  	s6 =	simm.s32 $0x94C0;
	v8 =	vadd.s32 v1, v8;
	[tilespmem:v18+s22+$0x0] =	vst.idx.msk $0xffff, v17;
	v6 =	vld [tilespmem:s14+$0xFFFFFFF0]  }
0x1e5: {  	s13 =	simm.s32 $0xB;
	s10 =	simm.s32 $0x8;
	s11 =	simm.s32 $0xC;
	v9 =	vld [tilespmem:s14+$0x10];
	v10 =	vadd.s32 v1, v16;
	[tilespmem:v20+s22+$0x0] =	vst.idx.msk $0xffff, v19  }
.LBB2_13:
0x1e6: {  	p0 =	slt.u32 s11, $0x7C;
	v16 =	vmov s13;
	[tilespmem:v15+s22+$0x0] =	vst.idx.msk $0xffff, v13;
	v17 =	vld [tilespmem:s0+$0x30];
	v18 =	vadd.s32 v1, v4  }
0x1e7: {  	v13 =	vmov s10;
	s13 =	sadd.s32 $0x1, s10;
	v19 =	vadd.s32 v1, v5;
	s0 =	sadd.s32 $0x80, s0;
	v4 =	vand.u32 $0x7F, v16;
	v16 =	vld [tilespmem:s6+$0xFFFFFFD0];
	[tilespmem:v14+s22+$0x0] =	vst.idx.msk $0xffff, v12  }
0x1e8: {  	v5 =	vand.u32 $0x7C, v13;
	v12 =	vmov s13;
	s13 =	sadd.s32 $0x2, s10;
	s10 =	smov.u32 s11;
	v20 =	vld [tilespmem:s0+$0x20];
	v21 =	vadd.s32 v0, v4;
	[tilespmem:v11+s22+$0x0] =	vst.idx.msk $0xffff, v7  }
.Ltmp8:
0x1e9: {  	v15 =	vadd.s32 v0, v5;
	v22 =	vand.u32 $0x7D, v12;
	v7 =	vmov s13;
	v13 =	vld [tilespmem:s0+$0xFFFFFFC0];
	[tilespmem:v8+s22+$0x0] =	vst.idx.msk $0xffff, v6;
	(pc) =	sbr.rel @p0 .LBB2_13-.Ltmp8, $4  }
0x1ea: {  	v14 =	vadd.s32 v0, v22;
	v23 =	vand.u32 $0x7E, v7;
	v12 =	vld [tilespmem:s0+$0xFFFFFFE0];
	[tilespmem:v10+s22+$0x0] =	vst.idx.msk $0xffff, v9  }
0x1eb: {  	v11 =	vadd.s32 v0, v23;
	v7 =	vld [tilespmem:s0+$0x0];
	[tilespmem:v18+s22+$0x0] =	vst.idx.msk $0xffff, v17  }
0x1ec: {  	v8 =	vadd.s32 v1, v3;
	v3 =	vmov v22;
	[tilespmem:v19+s22+$0x0] =	vst.idx.msk $0xffff, v16;
	v6 =	vld [tilespmem:s6+$0xFFFFFFF0]  }
0x1ed: {  	s11 =	sadd.s32 $0x4, s11;
	s13 =	sadd.s32 $0x3, s10;
	v10 =	vadd.s32 v1, v2;
	v2 =	vmov v23;
	[tilespmem:v21+s22+$0x0] =	vst.idx.msk $0xffff, v20;
	v9 =	vld [tilespmem:s6+$0x10];
	s6 =	smov.u32 s0  }
0x1ee: {  	_ =	sdelay $0x3  }
0x1ef: {  	v16 =	vmov s13;
	[tilespmem:v15+s22+$0x0] =	vst.idx.msk $0xffff, v13;
	v46 =	vld [tilespmem:s0+$0x30];
	v4 =	vadd.s32 v1, v4  }
0x1f0: {  	v47 =	vmov s10;
	s11 =	sadd.s32 $0x1, s10;
	v5 =	vadd.s32 v1, v5;
	s14 =	sadd.s32 $0x80, s0;
	v16 =	vand.u32 $0x7F, v16;
	v17 =	vld [tilespmem:s6+$0xFFFFFFD0];
	[tilespmem:v14+s22+$0x0] =	vst.idx.msk $0xffff, v12  }
0x1f1: {  	s15 =	sadd.s32 $0x2, s10;
	v48 =	vmov s11;
	v49 =	vand.u32 $0x7C, v47;
	v50 =	vld [tilespmem:s14+$0x20];
	v18 =	vadd.s32 v0, v16;
	[tilespmem:v11+s22+$0x0] =	vst.idx.msk $0xffff, v7  }
0x1f2: {  	v51 =	vmov s15;
	v52 =	vld [tilespmem:s14+$0xFFFFFFC0];
	v19 =	vadd.s32 v0, v49;
	v12 =	vand.u32 $0x7D, v48;
	[tilespmem:v8+s22+$0x0] =	vst.idx.msk $0xffff, v6  }
0x1f3: {  	v53 =	vld [tilespmem:s14+$0xFFFFFFE0];
	v7 =	vand.u32 $0x7E, v51;
	v54 =	vadd.s32 v0, v12;
	[tilespmem:v10+s22+$0x0] =	vst.idx.msk $0xffff, v9  }
0x1f4: {  	v55 =	vld [tilespmem:s14+$0x0];
	v56 =	vadd.s32 v0, v7;
	[tilespmem:v4+s22+$0x0] =	vst.idx.msk $0xffff, v46  }
0x1f5: {  	v3 =	vadd.s32 v1, v3;
	v57 =	vld [tilespmem:s6+$0xFFFFFFF0];
	[tilespmem:v5+s22+$0x0] =	vst.idx.msk $0xffff, v17  }
0x1f6: {  	v2 =	vadd.s32 v1, v2;
	v58 =	vld [tilespmem:s6+$0x10];
	[tilespmem:v18+s22+$0x0] =	vst.idx.msk $0xffff, v50  }
0x1f7: {  	v60 =	vadd.s32 v1, v16;
	[tilespmem:v19+s22+$0x0] =	vst.idx.msk $0xffff, v52;
	v59 =	vld [tilespmem:s14+$0x30]  }
0x1f8: {  	v14 =	vadd.s32 v1, v49;
	v61 =	vld [tilespmem:s14+$0xFFFFFFD0];
	[tilespmem:v54+s22+$0x0] =	vst.idx.msk $0xffff, v53  }
0x1f9: {  	v62 =	vadd.s32 v1, v12;
	[tilespmem:v56+s22+$0x0] =	vst.idx.msk $0xffff, v55;
	v6 =	vld [tilespmem:s14+$0xFFFFFFF0]  }
0x1fa: {  	s10 =	sadd.s32 s5, s30;
	v63 =	vadd.s32 v1, v7;
	[tilespmem:v3+s22+$0x0] =	vst.idx.msk $0xffff, v57;
	v3 =	vld [tilespmem:s14+$0x10]  }
0x1fb: {  	s11 =	sshll.u32 s10, $0x2;
	[tilespmem:v2+s22+$0x0] =	vst.idx.msk $0xffff, v58  }
0x1fc: {  	s0 =	sand.u32 $0x7F, s10;
	s6 =	sand.u32 $0x3FFE00, s11;
	[tilespmem:v60+s22+$0x0] =	vst.idx.msk $0xffff, v59  }
0x1fd: {  	s0 =	sor.u32 s0, s6;
	[tilespmem:v14+s22+$0x0] =	vst.idx.msk $0xffff, v61  }
0x1fe: {  	s0 =	sshll.u32 s0, $0x7;
	[tilespmem:v62+s22+$0x0] =	vst.idx.msk $0xffff, v6  }
0x1ff: {  	s6 =	sadd.s32 s2, s0;
	[tilespmem:v63+s22+$0x0] =	vst.idx.msk $0xffff, v3  }
0x200: {  	[hbm4b:s6+s3] =	stream.linear.scatter [tilespmem:s22], [sflag:$0x8], $0x80, $0x38;
	[tilespmem:$0xE800] =	vst v63  }
0x201: {  	s13 =	sadd.s32 $0x10, s6;
	s14 =	simm.s32 $0xD788  }
0x202: {  	[hbm4b:s13+s3] =	stream.linear.scatter [tilespmem:s14], [sflag:$0x8], $0x80, $0x38;
	[tilespmem:$0xE800] =	vst v63  }
0x203: {  	s30 =	simm.s32 $0xD810;
	s15 =	sadd.s32 $0x20, s6  }
0x204: {  	[hbm4b:s15+s3] =	stream.linear.scatter [tilespmem:s30], [sflag:$0x8], $0x80, $0x38;
	[tilespmem:$0xE800] =	vst v63  }
0x205: {  	s13 =	sadd.s32 $0x30, s6;
	s14 =	simm.s32 $0xD898  }
0x206: {  	[hbm4b:s13+s3] =	stream.linear.scatter [tilespmem:s14], [sflag:$0x8], $0x80, $0x38;
	[tilespmem:$0xE800] =	vst v63  }
0x207: {  	s15 =	sadd.s32 $0x40, s6;
	s30 =	simm.s32 $0xD920  }
0x208: {  	[hbm4b:s15+s3] =	stream.linear.scatter [tilespmem:s30], [sflag:$0x8], $0x80, $0x38;
	[tilespmem:$0xE800] =	vst v63  }
0x209: {  	s11 =	sadd.s32 $0x50, s6;
	s13 =	simm.s32 $0xD9A8  }
0x20a: {  	[hbm4b:s11+s3] =	stream.linear.scatter [tilespmem:s13], [sflag:$0x8], $0x80, $0x38;
	[tilespmem:$0xE800] =	vst v63  }
0x20b: {  	s14 =	sadd.s32 $0x60, s6;
	s15 =	simm.s32 $0xDA30  }
0x20c: {  	[hbm4b:s14+s3] =	stream.linear.scatter [tilespmem:s15], [sflag:$0x8], $0x80, $0x38;
	[tilespmem:$0xE800] =	vst v63  }
0x20d: {  	s6 =	sadd.s32 $0x70, s6;
	s30 =	simm.s32 $0xDAB8  }
0x20e: {  	[hbm4b:s6+s3] =	stream.linear.scatter [tilespmem:s30], [sflag:$0x8], $0x80, $0x38;
	[tilespmem:$0xE800] =	vst v63  }
0x20f: {  	s11 =	simm.s32 $0xDB40;
	s6 =	sadd.s32 s0, s7  }
0x210: {  	[hbm4b:s6+s3] =	stream.linear.scatter [tilespmem:s11], [sflag:$0x8], $0x80, $0x38;
	[tilespmem:$0xE800] =	vst v63  }
0x211: {  	s14 =	simm.s32 $0xDBC8;
	s13 =	sadd.s32 $0x10, s6  }
0x212: {  	[hbm4b:s13+s3] =	stream.linear.scatter [tilespmem:s14], [sflag:$0x8], $0x80, $0x38;
	[tilespmem:$0xE800] =	vst v63  }
0x213: {  	s30 =	simm.s32 $0xDC50;
	s15 =	sadd.s32 $0x20, s6  }
0x214: {  	[hbm4b:s15+s3] =	stream.linear.scatter [tilespmem:s30], [sflag:$0x8], $0x80, $0x38;
	[tilespmem:$0xE800] =	vst v63  }
0x215: {  	s13 =	sadd.s32 $0x30, s6;
	s14 =	simm.s32 $0xDCD8  }
0x216: {  	[hbm4b:s13+s3] =	stream.linear.scatter [tilespmem:s14], [sflag:$0x8], $0x80, $0x38;
	[tilespmem:$0xE800] =	vst v63  }
0x217: {  	s15 =	sadd.s32 $0x40, s6;
	s30 =	simm.s32 $0xDD60  }
0x218: {  	[hbm4b:s15+s3] =	stream.linear.scatter [tilespmem:s30], [sflag:$0x8], $0x80, $0x38;
	[tilespmem:$0xE800] =	vst v63  }
0x219: {  	s11 =	sadd.s32 $0x50, s6;
	s13 =	simm.s32 $0xDDE8  }
0x21a: {  	[hbm4b:s11+s3] =	stream.linear.scatter [tilespmem:s13], [sflag:$0x8], $0x80, $0x38;
	[tilespmem:$0xE800] =	vst v63  }
0x21b: {  	s14 =	sadd.s32 $0x60, s6;
	s15 =	simm.s32 $0xDE70  }
0x21c: {  	[hbm4b:s14+s3] =	stream.linear.scatter [tilespmem:s15], [sflag:$0x8], $0x80, $0x38;
	[tilespmem:$0xE800] =	vst v63  }
0x21d: {  	s6 =	sadd.s32 $0x70, s6;
	s30 =	simm.s32 $0xDEF8  }
0x21e: {  	[hbm4b:s6+s3] =	stream.linear.scatter [tilespmem:s30], [sflag:$0x8], $0x80, $0x38;
	[tilespmem:$0xE800] =	vst v63  }
0x21f: {  	s11 =	simm.s32 $0xDF80;
	s6 =	sadd.s32 s0, s8  }
0x220: {  	[hbm4b:s6+s3] =	stream.linear.scatter [tilespmem:s11], [sflag:$0x8], $0x80, $0x38;
	[tilespmem:$0xE800] =	vst v63  }
0x221: {  	s14 =	simm.s32 $0xE008;
	s13 =	sadd.s32 $0x10, s6  }
0x222: {  	[hbm4b:s13+s3] =	stream.linear.scatter [tilespmem:s14], [sflag:$0x8], $0x80, $0x38;
	[tilespmem:$0xE800] =	vst v63  }
0x223: {  	s30 =	simm.s32 $0xE090;
	s15 =	sadd.s32 $0x20, s6  }
0x224: {  	[hbm4b:s15+s3] =	stream.linear.scatter [tilespmem:s30], [sflag:$0x8], $0x80, $0x38;
	[tilespmem:$0xE800] =	vst v63  }
0x225: {  	s13 =	sadd.s32 $0x30, s6;
	s14 =	simm.s32 $0xE118  }
0x226: {  	[hbm4b:s13+s3] =	stream.linear.scatter [tilespmem:s14], [sflag:$0x8], $0x80, $0x38;
	[tilespmem:$0xE800] =	vst v63  }
0x227: {  	s15 =	sadd.s32 $0x40, s6;
	s30 =	simm.s32 $0xE1A0  }
0x228: {  	[hbm4b:s15+s3] =	stream.linear.scatter [tilespmem:s30], [sflag:$0x8], $0x80, $0x38;
	[tilespmem:$0xE800] =	vst v63  }
0x229: {  	s13 =	sadd.s32 $0x50, s6;
	s14 =	simm.s32 $0xE228  }
0x22a: {  	[hbm4b:s13+s3] =	stream.linear.scatter [tilespmem:s14], [sflag:$0x8], $0x80, $0x38;
	[tilespmem:$0xE800] =	vst v63  }
0x22b: {  	s15 =	sadd.s32 $0x60, s6;
	s30 =	simm.s32 $0xE2B0  }
0x22c: {  	[hbm4b:s15+s3] =	stream.linear.scatter [tilespmem:s30], [sflag:$0x8], $0x80, $0x38;
	[tilespmem:$0xE800] =	vst v63  }
0x22d: {  	s6 =	sadd.s32 $0x70, s6;
	s13 =	simm.s32 $0xE338  }
0x22e: {  	[hbm4b:s6+s3] =	stream.linear.scatter [tilespmem:s13], [sflag:$0x8], $0x80, $0x38;
	[tilespmem:$0xE800] =	vst v63  }
0x22f: {  	s0 =	sadd.s32 s0, s9;
	s14 =	simm.s32 $0xE3C0  }
0x230: {  	[hbm4b:s0+s3] =	stream.linear.scatter [tilespmem:s14], [sflag:$0x8], $0x80, $0x38;
	[tilespmem:$0xE800] =	vst v63  }
0x231: {  	s15 =	sadd.s32 $0x10, s0;
	s30 =	simm.s32 $0xE448  }
0x232: {  	[hbm4b:s15+s3] =	stream.linear.scatter [tilespmem:s30], [sflag:$0x8], $0x80, $0x38;
	[tilespmem:$0xE800] =	vst v63  }
0x233: {  	s10 =	sadd.s32 $0x20, s0;
	s11 =	simm.s32 $0xE4D0  }
0x234: {  	[hbm4b:s10+s3] =	stream.linear.scatter [tilespmem:s11], [sflag:$0x8], $0x80, $0x38;
	[tilespmem:$0xE800] =	vst v63  }
0x235: {  	s13 =	sadd.s32 $0x30, s0  }
0x236: {  	[hbm4b:s13+s3] =	stream.linear.scatter [tilespmem:s16], [sflag:$0x8], $0x80, $0x38;
	[tilespmem:$0xE800] =	vst v63  }
0x237: {  	s14 =	sadd.s32 $0x40, s0  }
0x238: {  	[hbm4b:s14+s3] =	stream.linear.scatter [tilespmem:s19], [sflag:$0x8], $0x80, $0x38;
	[tilespmem:$0xE800] =	vst v63  }
0x239: {  	s15 =	sadd.s32 $0x50, s0  }
0x23a: {  	[hbm4b:s15+s3] =	stream.linear.scatter [tilespmem:s25], [sflag:$0x8], $0x80, $0x38;
	[tilespmem:$0xE800] =	vst v63  }
.Ltmp9:
0x23b: {  	_ = 	snop;
	(pc) =	sbr.rel @p1 .LBB2_16-.Ltmp9, $4  }
0x23c: {  	s30 =	sadd.s32 $0x60, s0  }
0x23d: {  	[hbm4b:s30+s3] =	stream.linear.scatter [tilespmem:s26], [sflag:$0x8], $0x80, $0x38;
	[tilespmem:$0xE800] =	vst v63  }
0x23e: {  	s0 =	sadd.s32 $0x70, s0  }
0x23f: {  	[hbm4b:s0+s3] =	stream.linear.scatter [tilespmem:s28], [sflag:$0x8], $0x80, $0x38;
	[tilespmem:$0xE800] =	vst v63  }
.Ltmp10:
0x240: {  	(pc) =	sbr.rel .LBB2_2-.Ltmp10, $4  }
0x241: {  	s0 =	sshll.u32 s29, $0x9  }
0x242: {  	s0 =	sand.u32 $0x3FFFFE00, s0  }
0x243: {  	s6 =	simm.s32 $0x8400;
	s29 =	sadd.s32 $0x1, s29;
	s0 =	sadd.s32 $0x300, s0  }
0x244: {  	[tilespmem:s6], [sflag:$0x3] =	stream.indirect.gather [hbm4b:s4+s12], $0x20, s0, s12, $0xb8;
	[tilespmem:$0xE800] =	vst v63  }
.LBB2_17:
0x245: {  	_ =	sfence.sel $0x180000  }
0x246: {  	[bflag:$0x0] =	sbarrier.arrive $0xFFFF  }
0x247: {  	_ =	strace $0x90000047  }
0x248: {  	s0 =	stileid.u32;
	[bflag:$0x2] =	sbarrier.arrive $0xFFFF  }
0x249: {  	p0 =	sne.s32 s0, $0x0;
	s0 =	rddreg [dreg:$0x2]  }
0x24a: {  	s0 =	sadd.s32 @!p0 $0x100000, s0  }
0x24b: {  	[sflag:s0] =	ssyncadd.tile.s32 @!p0 $0x1;
	_ =	shalt  }
.Lfunc_end2:
_tile_overlayer_lowered:
.L_overlay_start_2:
0x24c: {  	(tag) =	ssettag $0x2  }
0x24d: {  	s0 =	rddreg [dreg:$0x0];
	s2 =	stileid.u32  }
0x24e: {  	s1 =	rddreg [dreg:$0x1];
	p0 =	sne.s32 s2, $0x0  }
0x24f: {  	s3 =	rddreg [dreg:$0x2];
	[bflag:$0x3] =	sbarrier.arrive $0xFFFF;
	s2 =	simm.s32 @!p0 $0x1C09  }
0x250: {  	[timem:s3], [sflag:s2] =	dma.local @!p0 [hbm:s0], s1  }
0x251: {  	s0 =	simm.s32 @!p0 $0x9  }
0x252: {  	_ =	swait.ge @!p0 [sflag:s0], s1  }
0x253: {  	s1 =	ssub.s32 @!p0 $0x0, s1;
	[sflag:s0] =	ssyncset.done @!p0 $0x0  }
0x254: {  	[sflag:s0] =	ssyncadd.s32 @!p0 s1  }
0x255: {  	[bflag:$0x3] =	sbarrier.arrive $0xFFFF  }
0x256: {  	_ =	shalt  }

</sc_bundles>
